<compile_context>
chip_gen: v7x
topology: tpu7x:2x2x1
jax: 0.10.2.dev20260603
libtpu: 0.0.44.dev20260713+nightly
codegen_flags: <defaults>
</compile_context>

<pallas_src>
import functools

import jax
import jax.numpy as jnp
import numpy as np
from jax import lax
from jax.experimental import pallas as pl
from jax.experimental.pallas import tpu as pltpu
from jax.experimental.pallas import tpu_sc as plsc

N = 10000
E = 320000
D = 128
H = 6
FH = 6
HW = 96
DH = 384

NC = 2
NS = 16
NW = NC * NS

NP = 10016
EW = 10240
EP = EW * NW

CA = 512
CB = 256
CM = 32

_mesh = plsc.VectorSubcoreMesh(core_axis_name="c", subcore_axis_name="s")
_sc_params = pltpu.CompilerParams(use_tc_tiling_on_sc=False)


def _f32(*shape):
    return jax.ShapeDtypeStruct(shape, jnp.float32)


def _sc_pass_a(src_h, dst_h, attr_h, stab_h, dtab_h, atab_h, zer_h,
               den_out, t_out,
               sidx, didx, aidx, gs, gd, ga, tch, dacc, sem):
    cid = lax.axis_index("c")
    sid = lax.axis_index("s")
    wid = cid * NS + sid

    @pl.when(sid == 0)
    def _():
        pltpu.sync_copy(zer_h, dacc)

    plsc.subcore_barrier()

    def chunk(k, _):
        base = wid * EW + k * CA
        c1 = pltpu.async_copy(src_h.at[pl.ds(base, CA)], sidx, sem)
        c2 = pltpu.async_copy(dst_h.at[pl.ds(base, CA)], didx, sem)
        c3 = pltpu.async_copy(attr_h.at[pl.ds(base, CA)], aidx, sem)
        c1.wait()
        c2.wait()
        c3.wait()
        c1 = pltpu.async_copy(stab_h.at[sidx], gs, sem)
        c2 = pltpu.async_copy(dtab_h.at[didx], gd, sem)
        c3 = pltpu.async_copy(atab_h.at[aidx], ga, sem)
        c1.wait()
        c2.wait()
        c3.wait()

        def estep(e, _):
            sl = (e, pl.ds(0, 16))
            a = gs[sl] + gd[sl] + ga[sl]
            tch[sl] = jnp.exp(jnp.maximum(a, 0.2 * a))
            return 0

        lax.fori_loop(0, CA, estep, 0)
        pltpu.sync_copy(tch, dacc.at[didx], add=True)
        pltpu.sync_copy(tch, t_out.at[pl.ds(base, CA)])
        return 0

    lax.fori_loop(0, EW // CA, chunk, 0)
    plsc.subcore_barrier()

    @pl.when(sid == 0)
    def _():
        pltpu.sync_copy(dacc, den_out.at[cid])


def _run_pass_a(src, dst, attr, stab, dtab, atab):
    zer = jnp.zeros((NP, 16), jnp.float32)
    k = pl.kernel(
        _sc_pass_a,
        out_type=[_f32(NC, NP, 16), _f32(EP, 16)],
        mesh=_mesh,
        compiler_params=_sc_params,
        scratch_types=[
            pltpu.VMEM((CA,), jnp.int32),
            pltpu.VMEM((CA,), jnp.int32),
            pltpu.VMEM((CA,), jnp.int32),
            pltpu.VMEM((CA, 16), jnp.float32),
            pltpu.VMEM((CA, 16), jnp.float32),
            pltpu.VMEM((CA, 16), jnp.float32),
            pltpu.VMEM((CA, 16), jnp.float32),
            pltpu.VMEM_SHARED((NP, 16), jnp.float32),
            pltpu.SemaphoreType.DMA,
        ],
    )
    return k(src, dst, attr, stab, dtab, atab, zer)


def _sc_pass_b_cat(src_h, dst_h, t_h, inv_h, hpad_h, zer_h,
                   out_p,
                   sidx, didx, tch, ivr, hrows, val, outacc, sem):
    cid = lax.axis_index("c")
    sid = lax.axis_index("s")
    wid = cid * NS + sid

    @pl.when(sid == 0)
    def _():
        pltpu.sync_copy(zer_h, outacc)

    plsc.subcore_barrier()

    def chunk(k, _):
        base = wid * EW + k * CB
        c1 = pltpu.async_copy(src_h.at[pl.ds(base, CB)], sidx, sem)
        c2 = pltpu.async_copy(dst_h.at[pl.ds(base, CB)], didx, sem)
        c3 = pltpu.async_copy(t_h.at[pl.ds(base, CB)], tch, sem)
        c1.wait()
        c2.wait()
        c3.wait()
        c1 = pltpu.async_copy(inv_h.at[didx], ivr, sem)
        c2 = pltpu.async_copy(hpad_h.at[sidx], hrows, sem)
        c1.wait()
        c2.wait()

        def estep(e, _):
            sl16 = (e, pl.ds(0, 16))
            crow = tch[sl16] * ivr[sl16]
            for j in range(H):
                sl = (e, pl.ds(j * 16, 16))
                val[sl] = crow[j] * hrows[sl]
            return 0

        lax.fori_loop(0, CB, estep, 0)
        pltpu.sync_copy(val, outacc.at[didx], add=True)
        return 0

    lax.fori_loop(0, EW // CB, chunk, 0)
    plsc.subcore_barrier()

    @pl.when(sid == 0)
    def _():
        pltpu.sync_copy(outacc, out_p.at[cid])


def _run_pass_b_cat(src, dst, tbuf, inv, hpad):
    zer = jnp.zeros((NP, HW), jnp.float32)
    k = pl.kernel(
        _sc_pass_b_cat,
        out_type=[_f32(NC, NP, HW)],
        mesh=_mesh,
        compiler_params=_sc_params,
        scratch_types=[
            pltpu.VMEM((CB,), jnp.int32),
            pltpu.VMEM((CB,), jnp.int32),
            pltpu.VMEM((CB, 16), jnp.float32),
            pltpu.VMEM((CB, 16), jnp.float32),
            pltpu.VMEM((CB, HW), jnp.float32),
            pltpu.VMEM((CB, HW), jnp.float32),
            pltpu.VMEM_SHARED((NP, HW), jnp.float32),
            pltpu.SemaphoreType.DMA,
        ],
    )
    return k(src, dst, tbuf, inv, hpad, zer)[0]


def _sc_pass_b_mean(src_h, dst_h, t_h, inv_h, hlo_h, hhi_h, zer_h,
                    out_p,
                    sidx, didx, tch, ivr, hr0, hr1, val, outacc, sem):
    cid = lax.axis_index("c")
    sid = lax.axis_index("s")
    wid = cid * NS + sid

    @pl.when(sid == 0)
    def _():
        pltpu.sync_copy(zer_h, outacc)

    plsc.subcore_barrier()

    def chunk(k, _):
        base = wid * EW + k * CM
        c1 = pltpu.async_copy(src_h.at[pl.ds(base, CM)], sidx, sem)
        c2 = pltpu.async_copy(dst_h.at[pl.ds(base, CM)], didx, sem)
        c3 = pltpu.async_copy(t_h.at[pl.ds(base, CM)], tch, sem)
        c1.wait()
        c2.wait()
        c3.wait()
        c1 = pltpu.async_copy(inv_h.at[didx], ivr, sem)
        c2 = pltpu.async_copy(hlo_h.at[sidx], hr0, sem)
        c3 = pltpu.async_copy(hhi_h.at[sidx], hr1, sem)
        c1.wait()
        c2.wait()
        c3.wait()

        for half, hrows in enumerate((hr0, hr1)):

            def estep(e, _):
                sl16 = (e, pl.ds(0, 16))
                crow = tch[sl16] * ivr[sl16]

                def vstep(v, _):
                    off = v * 16
                    acc = crow[half * 3] * hrows[(e, pl.ds(off, 16))]
                    acc = acc + crow[half * 3 + 1] * hrows[(e, pl.ds(D + off, 16))]
                    acc = acc + crow[half * 3 + 2] * hrows[(e, pl.ds(2 * D + off, 16))]
                    osl = (e, pl.ds(off, 16))
                    if half == 0:
                        val[osl] = acc
                    else:
                        val[osl] = val[osl] + acc
                    return 0

                lax.fori_loop(0, D // 16, vstep, 0)
                return 0

            lax.fori_loop(0, CM, estep, 0)

        pltpu.sync_copy(val, outacc.at[didx], add=True)
        return 0

    lax.fori_loop(0, EW // CM, chunk, 0)
    plsc.subcore_barrier()

    @pl.when(sid == 0)
    def _():
        pltpu.sync_copy(outacc, out_p.at[cid])


def _run_pass_b_mean(src, dst, tbuf, inv, hlo, hhi):
    zer = jnp.zeros((NP, D), jnp.float32)
    k = pl.kernel(
        _sc_pass_b_mean,
        out_type=[_f32(NC, NP, D)],
        mesh=_mesh,
        compiler_params=_sc_params,
        scratch_types=[
            pltpu.VMEM((CM,), jnp.int32),
            pltpu.VMEM((CM,), jnp.int32),
            pltpu.VMEM((CM, 16), jnp.float32),
            pltpu.VMEM((CM, 16), jnp.float32),
            pltpu.VMEM((CM, DH), jnp.float32),
            pltpu.VMEM((CM, DH), jnp.float32),
            pltpu.VMEM((CM, D), jnp.float32),
            pltpu.VMEM_SHARED((NP, D), jnp.float32),
            pltpu.SemaphoreType.DMA,
        ],
    )
    return k(src, dst, tbuf, inv, hlo, hhi, zer)[0]


def _dot(a, b):
    return jnp.dot(a, b, preferred_element_type=jnp.float32)


def _tc_dense1(x_ref, emb_ref, w1_ref, wres_ref, eemb_ref, p_ref, asrc_ref,
               adst_ref, aedge_ref,
               hpad_ref, nsrc_ref, ndst_ref, atab_ref, res_ref):
    oh = (x_ref[...] == lax.broadcasted_iota(jnp.int32, (1, 11), 1))
    h0 = _dot(oh.astype(jnp.float32), emb_ref[...])
    g = _dot(h0, w1_ref[...])
    hpad_ref[...] = _dot(g, p_ref[...])
    nsrc_ref[...] = _dot(g, asrc_ref[...])
    ndst_ref[...] = _dot(g, adst_ref[...])
    atab_ref[...] = _dot(eemb_ref[...], aedge_ref[...])
    res_ref[...] = _dot(h0, wres_ref[...])


def _tc_inv(den_ref, inv_ref):
    d = den_ref[...]
    inv_ref[...] = 1.0 / (d[0] + d[1] + 1e-16)


def _tc_dense2(op_ref, res_ref, b_ref, w2_ref, eemb_ref, pt_ref, p_ref,
               asrc_ref, adst_ref, aedge_ref,
               hpad_ref, nsrc_ref, ndst_ref, atab_ref, h1_ref):
    op = op_ref[...]
    o1 = _dot(op[0] + op[1], pt_ref[...])
    h1 = jax.nn.relu(o1 + b_ref[...] + res_ref[...])
    g = _dot(h1, w2_ref[...])
    hpad_ref[...] = _dot(g, p_ref[...])
    nsrc_ref[...] = _dot(g, asrc_ref[...])
    ndst_ref[...] = _dot(g, adst_ref[...])
    atab_ref[...] = _dot(eemb_ref[...], aedge_ref[...])
    h1_ref[...] = h1


def _tc_dense3(op_ref, h1_ref, b_ref, w3_ref, wres_ref, eemb_ref, pt_ref,
               asrc_ref, adst_ref, aedge_ref,
               hfull_ref, nsrc_ref, ndst_ref, atab_ref, res_ref):
    op = op_ref[...]
    o2 = _dot(op[0] + op[1], pt_ref[...])
    h2 = jax.nn.relu(o2 + b_ref[...] + h1_ref[...])
    g = _dot(h2, w3_ref[...])
    hfull_ref[...] = g
    nsrc_ref[...] = _dot(g, asrc_ref[...])
    ndst_ref[...] = _dot(g, adst_ref[...])
    atab_ref[...] = _dot(eemb_ref[...], aedge_ref[...])
    res_ref[...] = _dot(h2, wres_ref[...])


def _tc_final(op_ref, b_ref, res_ref, out_ref):
    op = op_ref[...]
    o = (op[0] + op[1]) * (1.0 / H) + b_ref[...] + res_ref[...]
    m = jnp.max(o, axis=0, keepdims=True)
    ex = jnp.exp(o - m)
    out_ref[...] = ex / jnp.sum(ex, axis=0, keepdims=True)


def _call_tc(body, out_shapes, *args):
    return pl.pallas_call(body, out_shape=out_shapes)(*args)


_NB = 1000


def _call_tc_dense3(op2, h1, b2, W3, Wres3, eemb3, PT, As, Ad, Ae):
    full = lambda *s: pl.BlockSpec(s, lambda i: (0,) * len(s))
    row = lambda *s: pl.BlockSpec((_NB,) + tuple(s), lambda i: (i,) + (0,) * len(s))
    return pl.pallas_call(
        _tc_dense3,
        grid=(N // _NB,),
        in_specs=[
            pl.BlockSpec((NC, _NB, HW), lambda i: (0, i, 0)),
            row(H * FH), full(H * FH), full(H * FH, H * D), full(H * FH, D),
            full(6, H * D), full(HW, H * FH), full(H * D, H), full(H * D, H),
            full(H * D, H),
        ],
        out_specs=[row(H * D), row(H), row(H), full(6, H), row(D)],
        out_shape=[_f32(N, H * D), _f32(N, H), _f32(N, H), _f32(6, H), _f32(N, D)],
    )(op2, h1, b2, W3, Wres3, eemb3, PT, As, Ad, Ae)


def _expand(a):
    h, f = a.shape
    return (jnp.eye(h, dtype=jnp.float32)[:, None, :] * a[:, :, None]).reshape(h * f, h)


_PAD = np.zeros((H * FH, HW), np.float32)
for _h in range(H):
    for _f in range(FH):
        _PAD[_h * FH + _f, _h * 16 + _f] = 1.0


def _padn(a):
    return jnp.pad(a, ((0, NP - N),) + ((0, 0),) * (a.ndim - 1))


def _stab(nsrc):
    return jnp.concatenate(
        [_padn(nsrc), jnp.full((NP, 16 - H), -1e30, jnp.float32)], axis=1)


def _wtab(a):
    return jnp.pad(a, ((0, 0), (0, 16 - H)))


def kernel(x, edge_index, edge_attr, emb_table, W1, a_src1, a_dst1, a_edge1,
           eemb1, b1, Wres1, W2, a_src2, a_dst2, a_edge2, eemb2, b2, W3,
           a_src3, a_dst3, a_edge3, eemb3, b3, Wres3):
    src = jnp.pad(edge_index[0], (0, EP - E))
    dst = jnp.pad(edge_index[1], (0, EP - E), constant_values=N)
    attr = jnp.pad(edge_attr.astype(jnp.int32), (0, EP - E))
    P = jnp.asarray(_PAD)
    PT = P.T
    xx = x.astype(jnp.int32)

    hpad, nsrc, ndst, atab, res1 = _call_tc(
        _tc_dense1,
        [_f32(N, HW), _f32(N, H), _f32(N, H), _f32(6, H), _f32(N, H * FH)],
        xx, emb_table, W1, Wres1, eemb1, P, _expand(a_src1), _expand(a_dst1),
        _expand(a_edge1))
    den, tbuf = _run_pass_a(src, dst, attr, _stab(nsrc), _wtab(_padn(ndst)),
                            _wtab(atab))
    inv = _call_tc(_tc_inv, _f32(NP, 16), den)
    op1 = _run_pass_b_cat(src, dst, tbuf, inv, _padn(hpad))

    hpad, nsrc, ndst, atab, h1 = _call_tc(
        _tc_dense2,
        [_f32(N, HW), _f32(N, H), _f32(N, H), _f32(6, H), _f32(N, H * FH)],
        op1[:, :N], res1, b1, W2, eemb2, PT, P, _expand(a_src2), _expand(a_dst2),
        _expand(a_edge2))
    den, tbuf = _run_pass_a(src, dst, attr, _stab(nsrc), _wtab(_padn(ndst)),
                            _wtab(atab))
    inv = _call_tc(_tc_inv, _f32(NP, 16), den)
    op2 = _run_pass_b_cat(src, dst, tbuf, inv, _padn(hpad))

    hfull, nsrc, ndst, atab, res3 = _call_tc_dense3(
        op2[:, :N], h1, b2, W3, Wres3, eemb3, PT, _expand(a_src3),
        _expand(a_dst3), _expand(a_edge3))
    den, tbuf = _run_pass_a(src, dst, attr, _stab(nsrc), _wtab(_padn(ndst)),
                            _wtab(atab))
    inv = _call_tc(_tc_inv, _f32(NP, 16), den)
    hfp = _padn(hfull)
    op3 = _run_pass_b_mean(src, dst, tbuf, inv, hfp[:, :DH], hfp[:, DH:])

    return _call_tc(_tc_final, _f32(N, D), op3[:, :N], b3, res3)

# --- scband reference (transcript-rebuilt; emitter-appended) ---
"""Pipeline reference for scband-diffusion-ordering-network-8495445312023 (READ-ONLY COPY).

The authoritative reference and input builder live on the scoring server;
editing this copy changes nothing except your own understanding.
"""

import jax, jax.numpy as jnp
import numpy as np

N = 10000
E = 320000
D = 128
H = 6
FH = 6
NUM_NODE_TYPES = 11
NUM_EDGE_TYPES = 6

def _p(key, i, shape):
    return jax.random.normal(jax.random.fold_in(key, i), shape, dtype=jnp.float32) * 0.1

def setup_inputs(seed: int = 0):
    key = jax.random.key(seed)
    inp = {}
    inp['x'] = jax.random.randint(jax.random.fold_in(key, 0), (N, 1), 0, NUM_NODE_TYPES)
    inp['edge_index'] = jax.random.randint(jax.random.fold_in(key, 1), (2, E), 0, N)
    inp['edge_attr'] = jax.random.randint(jax.random.fold_in(key, 2), (E,), 0, NUM_EDGE_TYPES)
    inp['emb_table'] = _p(key, 3, (NUM_NODE_TYPES, D))
    inp['W1'] = _p(key, 4, (D, H * FH))
    inp['a_src1'] = _p(key, 5, (H, FH))
    inp['a_dst1'] = _p(key, 6, (H, FH))
    inp['a_edge1'] = _p(key, 7, (H, FH))
    inp['eemb1'] = _p(key, 8, (NUM_EDGE_TYPES, H * FH))
    inp['b1'] = jnp.zeros((H * FH,), dtype=jnp.float32)
    inp['Wres1'] = _p(key, 9, (D, H * FH))
    inp['W2'] = _p(key, 10, (H * FH, H * FH))
    inp['a_src2'] = _p(key, 11, (H, FH))
    inp['a_dst2'] = _p(key, 12, (H, FH))
    inp['a_edge2'] = _p(key, 13, (H, FH))
    inp['eemb2'] = _p(key, 14, (NUM_EDGE_TYPES, H * FH))
    inp['b2'] = jnp.zeros((H * FH,), dtype=jnp.float32)
    inp['W3'] = _p(key, 15, (H * FH, H * D))
    inp['a_src3'] = _p(key, 16, (H, D))
    inp['a_dst3'] = _p(key, 17, (H, D))
    inp['a_edge3'] = _p(key, 18, (H, D))
    inp['eemb3'] = _p(key, 19, (NUM_EDGE_TYPES, H * D))
    inp['b3'] = jnp.zeros((D,), dtype=jnp.float32)
    inp['Wres3'] = _p(key, 20, (H * FH, D))
    return inp

def _gat_conv(h_in, src, dst, edge_attr, W, a_src, a_dst, a_edge, eemb, b, Wres, concat):
    n = h_in.shape[0]
    heads, fh = a_src.shape
    h = (h_in @ W).reshape(n, heads, fh)
    e = eemb[edge_attr].reshape(-1, heads, fh)
    alpha = jnp.sum(h * a_src, -1)[src] + jnp.sum(h * a_dst, -1)[dst] + jnp.sum(e * a_edge, -1)
    alpha = jax.nn.leaky_relu(alpha, 0.2)
    amax = jax.ops.segment_max(alpha, dst, num_segments=n)
    amax = jnp.where(jnp.isfinite(amax), amax, 0.0)
    ex = jnp.exp(alpha - amax[dst])
    denom = jax.ops.segment_sum(ex, dst, num_segments=n)
    coef = ex / (denom[dst] + 1e-16)
    out = jax.ops.segment_sum(coef[:, :, None] * h[src], dst, num_segments=n)
    if concat:
        out = out.reshape(n, heads * fh)
    else:
        out = out.mean(axis=1)
    out = out + b
    res = h_in if Wres is None else h_in @ Wres
    return out + res

def _forward(x, edge_index, edge_attr, emb_table, W1, a_src1, a_dst1, a_edge1, eemb1, b1, Wres1, W2, a_src2, a_dst2, a_edge2, eemb2, b2, W3, a_src3, a_dst3, a_edge3, eemb3, b3, Wres3):
    src = edge_index[0]
    dst = edge_index[1]
    h = emb_table[jnp.squeeze(x)]
    h = _gat_conv(h, src, dst, edge_attr, W1, a_src1, a_dst1, a_edge1, eemb1, b1, Wres1, True)
    h = jax.nn.relu(h)
    h = _gat_conv(h, src, dst, edge_attr, W2, a_src2, a_dst2, a_edge2, eemb2, b2, None, True)
    h = jax.nn.relu(h)
    h = _gat_conv(h, src, dst, edge_attr, W3, a_src3, a_dst3, a_edge3, eemb3, b3, Wres3, False)
    return jax.nn.softmax(h, axis=0)

def reference(x, edge_index, edge_attr, emb_table, W1, a_src1, a_dst1, a_edge1, eemb1, b1, Wres1, W2, a_src2, a_dst2, a_edge2, eemb2, b2, W3, a_src3, a_dst3, a_edge3, eemb3, b3, Wres3):
    return _forward(x, edge_index, edge_attr, emb_table, W1, a_src1, a_dst1, a_edge1, eemb1, b1, Wres1, W2, a_src2, a_dst2, a_edge2, eemb2, b2, W3, a_src3, a_dst3, a_edge3, eemb3, b3, Wres3)

if __name__ == "__main__":
    import jax
    _d = setup_inputs()
    print(jax.jit(kernel)(*tuple(_d.values())))

</pallas_src>

<mosaic_0001>
#map = affine_map<(d0, d1) -> (0)>
#map1 = affine_map<(d0, d1) -> (0, 0)>
#map2 = affine_map<(d0, d1) -> (0, 0, 0)>
module attributes {stable_mosaic.version = 14 : i64} {
  func.func @_sc_pass_a(%arg0: i32, %arg1: i32, %arg2: memref<327680xi32, #tpu.memory_space<hbm>>, %arg3: memref<327680xi32, #tpu.memory_space<hbm>>, %arg4: memref<327680xi32, #tpu.memory_space<hbm>>, %arg5: memref<10016x16xf32, #tpu.memory_space<hbm>>, %arg6: memref<10016x16xf32, #tpu.memory_space<hbm>>, %arg7: memref<6x16xf32, #tpu.memory_space<hbm>>, %arg8: memref<10016x16xf32, #tpu.memory_space<hbm>>, %arg9: memref<2x10016x16xf32, #tpu.memory_space<hbm>>, %arg10: memref<327680x16xf32, #tpu.memory_space<hbm>>, %arg11: memref<512xi32, #tpu.memory_space<vmem>>, %arg12: memref<512xi32, #tpu.memory_space<vmem>>, %arg13: memref<512xi32, #tpu.memory_space<vmem>>, %arg14: memref<512x16xf32, #tpu.memory_space<vmem>>, %arg15: memref<512x16xf32, #tpu.memory_space<vmem>>, %arg16: memref<512x16xf32, #tpu.memory_space<vmem>>, %arg17: memref<512x16xf32, #tpu.memory_space<vmem>>, %arg18: memref<10016x16xf32, #tpu.memory_space<vmem_shared>>, %arg19: memref<!tpu.dma_semaphore, #tpu.memory_space<semaphore_mem>>) attributes {dimension_semantics = [#tpu.dimension_semantics<core_parallel>, #tpu.dimension_semantics<subcore_parallel>], iteration_bounds = array<i64: 2, 16>, scalar_prefetch = 0 : i64, scratch_operands = 9 : i64, tpu.core_type = #tpu.core_type<sc_vector_subcore>, window_params = [{transform_indices = #map}, {transform_indices = #map}, {transform_indices = #map}, {transform_indices = #map1}, {transform_indices = #map1}, {transform_indices = #map1}, {transform_indices = #map1}, {transform_indices = #map2}, {transform_indices = #map1}]} {
    %mul3A = arith.constant 16 : i32
    %mul3A_0 = arith.muli %arg0, %mul3A : i32
    %add3A = arith.addi %mul3A_0, %arg1 : i32
    %eq3A = arith.constant 0 : i32
    %eq3A_1 = arith.cmpi eq, %arg1, %eq3A : i32
    %convert_element_type3A = arith.extui %eq3A_1 : i1 to i32
    %cond3A = arith.constant 0 : i32
    %cond3A_2 = arith.cmpi ne, %convert_element_type3A, %cond3A : i32
    scf.if %cond3A_2 {
      "tpu.region"() ({
        %run_scoped3A = tpu.sem_alloc : memref<!tpu.dma_semaphore, #tpu.memory_space<semaphore_mem>>
        tpu.enqueue_dma source(%arg8 : memref<10016x16xf32, #tpu.memory_space<hbm>>) target(%arg18 : memref<10016x16xf32, #tpu.memory_space<vmem_shared>>) target_semaphore(%run_scoped3A : memref<!tpu.dma_semaphore, #tpu.memory_space<semaphore_mem>>)
        tpu.wait_dma2 semaphore(%run_scoped3A : memref<!tpu.dma_semaphore, #tpu.memory_space<semaphore_mem>>) src(%arg8 : memref<10016x16xf32, #tpu.memory_space<hbm>>) dst(%arg18 : memref<10016x16xf32, #tpu.memory_space<vmem_shared>>)
        tpu.yield
      }) : () -> ()
    } else {
    }
    %barrier3A = arith.constant 0 : index
    tpu.barrier barrier_id(%barrier3A)
    %scan3A = arith.constant 0 : i32
    %scan3A_3 = arith.constant 0 : i32
    %scan3A_4 = arith.constant 20 : i32
    %scan3A_5 = arith.addi %scan3A_3, %scan3A_4 : i32
    %scan3A_6 = arith.constant 1 : i32
    %scan3A_7 = scf.for %scan3A_15 = %scan3A_3 to %scan3A_5 step %scan3A_6 iter_args(%scan3A_16 = %scan3A) -> (i32)  : i32 {
      %mul3A_17 = arith.constant 10240 : i32
      %mul3A_18 = arith.muli %add3A, %mul3A_17 : i32
      %mul3A_19 = arith.constant 512 : i32
      %mul3A_20 = arith.muli %scan3A_15, %mul3A_19 : i32
      %add3A_21 = arith.addi %mul3A_18, %mul3A_20 : i32
      %dma_start3A = tpu.memref_slice %arg2[%add3A_21] : memref<327680xi32, #tpu.memory_space<hbm>> -> memref<512xi32, #tpu.memory_space<hbm>>
      %dma_start3A_22 = tpu.memref_slice %arg2[%add3A_21] : memref<327680xi32, #tpu.memory_space<hbm>> -> memref<512xi32, #tpu.memory_space<hbm>>
      tpu.enqueue_dma source(%dma_start3A_22 : memref<512xi32, #tpu.memory_space<hbm>>) target(%arg11 : memref<512xi32, #tpu.memory_space<vmem>>) target_semaphore(%arg19 : memref<!tpu.dma_semaphore, #tpu.memory_space<semaphore_mem>>)
      %dma_start3A_23 = tpu.memref_slice %arg3[%add3A_21] : memref<327680xi32, #tpu.memory_space<hbm>> -> memref<512xi32, #tpu.memory_space<hbm>>
      %dma_start3A_24 = tpu.memref_slice %arg3[%add3A_21] : memref<327680xi32, #tpu.memory_space<hbm>> -> memref<512xi32, #tpu.memory_space<hbm>>
      tpu.enqueue_dma source(%dma_start3A_24 : memref<512xi32, #tpu.memory_space<hbm>>) target(%arg12 : memref<512xi32, #tpu.memory_space<vmem>>) target_semaphore(%arg19 : memref<!tpu.dma_semaphore, #tpu.memory_space<semaphore_mem>>)
      %dma_start3A_25 = tpu.memref_slice %arg4[%add3A_21] : memref<327680xi32, #tpu.memory_space<hbm>> -> memref<512xi32, #tpu.memory_space<hbm>>
      %dma_start3A_26 = tpu.memref_slice %arg4[%add3A_21] : memref<327680xi32, #tpu.memory_space<hbm>> -> memref<512xi32, #tpu.memory_space<hbm>>
      tpu.enqueue_dma source(%dma_start3A_26 : memref<512xi32, #tpu.memory_space<hbm>>) target(%arg13 : memref<512xi32, #tpu.memory_space<vmem>>) target_semaphore(%arg19 : memref<!tpu.dma_semaphore, #tpu.memory_space<semaphore_mem>>)
      %dma_wait3A = tpu.memref_slice %arg2[%add3A_21] : memref<327680xi32, #tpu.memory_space<hbm>> -> memref<512xi32, #tpu.memory_space<hbm>>
      %dma_wait3A_27 = tpu.memref_slice %arg2[%add3A_21] : memref<327680xi32, #tpu.memory_space<hbm>> -> memref<512xi32, #tpu.memory_space<hbm>>
      tpu.wait_dma2 semaphore(%arg19 : memref<!tpu.dma_semaphore, #tpu.memory_space<semaphore_mem>>) src(%dma_wait3A_27 : memref<512xi32, #tpu.memory_space<hbm>>) dst(%arg11 : memref<512xi32, #tpu.memory_space<vmem>>)
      %dma_wait3A_28 = tpu.memref_slice %arg3[%add3A_21] : memref<327680xi32, #tpu.memory_space<hbm>> -> memref<512xi32, #tpu.memory_space<hbm>>
      %dma_wait3A_29 = tpu.memref_slice %arg3[%add3A_21] : memref<327680xi32, #tpu.memory_space<hbm>> -> memref<512xi32, #tpu.memory_space<hbm>>
      tpu.wait_dma2 semaphore(%arg19 : memref<!tpu.dma_semaphore, #tpu.memory_space<semaphore_mem>>) src(%dma_wait3A_29 : memref<512xi32, #tpu.memory_space<hbm>>) dst(%arg12 : memref<512xi32, #tpu.memory_space<vmem>>)
      %dma_wait3A_30 = tpu.memref_slice %arg4[%add3A_21] : memref<327680xi32, #tpu.memory_space<hbm>> -> memref<512xi32, #tpu.memory_space<hbm>>
      %dma_wait3A_31 = tpu.memref_slice %arg4[%add3A_21] : memref<327680xi32, #tpu.memory_space<hbm>> -> memref<512xi32, #tpu.memory_space<hbm>>
      tpu.wait_dma2 semaphore(%arg19 : memref<!tpu.dma_semaphore, #tpu.memory_space<semaphore_mem>>) src(%dma_wait3A_31 : memref<512xi32, #tpu.memory_space<hbm>>) dst(%arg13 : memref<512xi32, #tpu.memory_space<vmem>>)
      %dma_start3A_32 = arith.constant 0 : i32
      %dma_start3A_33 = arith.constant 0 : i32
      %dma_start3A_34 = tpu.memref_slice %arg5[%dma_start3A_32, %dma_start3A_33] : memref<10016x16xf32, #tpu.memory_space<hbm>> -> memref<10016x16xf32, #tpu.memory_space<hbm>>
      tpu.enqueue_indirect_dma source(%dma_start3A_34 : memref<10016x16xf32, #tpu.memory_space<hbm>>) target(%arg14 : memref<512x16xf32, #tpu.memory_space<vmem>>) offsets(%arg11 : memref<512xi32, #tpu.memory_space<vmem>>) semaphore(%arg19 : memref<!tpu.dma_semaphore, #tpu.memory_space<semaphore_mem>>)
      %dma_start3A_35 = arith.constant 0 : i32
      %dma_start3A_36 = arith.constant 0 : i32
      %dma_start3A_37 = tpu.memref_slice %arg6[%dma_start3A_35, %dma_start3A_36] : memref<10016x16xf32, #tpu.memory_space<hbm>> -> memref<10016x16xf32, #tpu.memory_space<hbm>>
      tpu.enqueue_indirect_dma source(%dma_start3A_37 : memref<10016x16xf32, #tpu.memory_space<hbm>>) target(%arg15 : memref<512x16xf32, #tpu.memory_space<vmem>>) offsets(%arg12 : memref<512xi32, #tpu.memory_space<vmem>>) semaphore(%arg19 : memref<!tpu.dma_semaphore, #tpu.memory_space<semaphore_mem>>)
      %dma_start3A_38 = arith.constant 0 : i32
      %dma_start3A_39 = arith.constant 0 : i32
      %dma_start3A_40 = tpu.memref_slice %arg7[%dma_start3A_38, %dma_start3A_39] : memref<6x16xf32, #tpu.memory_space<hbm>> -> memref<6x16xf32, #tpu.memory_space<hbm>>
      tpu.enqueue_indirect_dma source(%dma_start3A_40 : memref<6x16xf32, #tpu.memory_space<hbm>>) target(%arg16 : memref<512x16xf32, #tpu.memory_space<vmem>>) offsets(%arg13 : memref<512xi32, #tpu.memory_space<vmem>>) semaphore(%arg19 : memref<!tpu.dma_semaphore, #tpu.memory_space<semaphore_mem>>)
      %dma_wait3A_41 = arith.constant 0 : i32
      %dma_wait3A_42 = arith.constant 0 : i32
      %dma_wait3A_43 = tpu.memref_slice %arg5[%dma_wait3A_41, %dma_wait3A_42] : memref<10016x16xf32, #tpu.memory_space<hbm>> -> memref<10016x16xf32, #tpu.memory_space<hbm>>
      tpu.wait_indirect_dma semaphore(%arg19 : memref<!tpu.dma_semaphore, #tpu.memory_space<semaphore_mem>>) src(%dma_wait3A_43 : memref<10016x16xf32, #tpu.memory_space<hbm>>) dst(%arg14 : memref<512x16xf32, #tpu.memory_space<vmem>>)
      %dma_wait3A_44 = arith.constant 0 : i32
      %dma_wait3A_45 = arith.constant 0 : i32
      %dma_wait3A_46 = tpu.memref_slice %arg6[%dma_wait3A_44, %dma_wait3A_45] : memref<10016x16xf32, #tpu.memory_space<hbm>> -> memref<10016x16xf32, #tpu.memory_space<hbm>>
      tpu.wait_indirect_dma semaphore(%arg19 : memref<!tpu.dma_semaphore, #tpu.memory_space<semaphore_mem>>) src(%dma_wait3A_46 : memref<10016x16xf32, #tpu.memory_space<hbm>>) dst(%arg15 : memref<512x16xf32, #tpu.memory_space<vmem>>)
      %dma_wait3A_47 = arith.constant 0 : i32
      %dma_wait3A_48 = arith.constant 0 : i32
      %dma_wait3A_49 = tpu.memref_slice %arg7[%dma_wait3A_47, %dma_wait3A_48] : memref<6x16xf32, #tpu.memory_space<hbm>> -> memref<6x16xf32, #tpu.memory_space<hbm>>
      tpu.wait_indirect_dma semaphore(%arg19 : memref<!tpu.dma_semaphore, #tpu.memory_space<semaphore_mem>>) src(%dma_wait3A_49 : memref<6x16xf32, #tpu.memory_space<hbm>>) dst(%arg16 : memref<512x16xf32, #tpu.memory_space<vmem>>)
      %scan3A_50 = arith.constant 0 : i32
      %scan3A_51 = arith.constant 0 : i32
      %scan3A_52 = arith.constant 512 : i32
      %scan3A_53 = arith.addi %scan3A_51, %scan3A_52 : i32
      %scan3A_54 = arith.constant 1 : i32
      %scan3A_55 = scf.for %scan3A_58 = %scan3A_51 to %scan3A_53 step %scan3A_54 iter_args(%scan3A_59 = %scan3A_50) -> (i32)  : i32 {
        %get3A = arith.index_cast %scan3A_58 : i32 to index
        %get3A_60 = arith.constant 0 : index
        %get3A_61 = tpu.vector_load %arg14[%get3A, %get3A_60] {strides = array<i32>} : memref<512x16xf32, #tpu.memory_space<vmem>>, vector<1x16xf32>,
        %get3A_62 = vector.shape_cast %get3A_61 : vector<1x16xf32> to vector<16xf32>
        %get3A_63 = arith.index_cast %scan3A_58 : i32 to index
        %get3A_64 = arith.constant 0 : index
        %get3A_65 = tpu.vector_load %arg15[%get3A_63, %get3A_64] {strides = array<i32>} : memref<512x16xf32, #tpu.memory_space<vmem>>, vector<1x16xf32>,
        %get3A_66 = vector.shape_cast %get3A_65 : vector<1x16xf32> to vector<16xf32>
        %add3A_67 = arith.addf %get3A_62, %get3A_66 : vector<16xf32>
        %get3A_68 = arith.index_cast %scan3A_58 : i32 to index
        %get3A_69 = arith.constant 0 : index
        %get3A_70 = tpu.vector_load %arg16[%get3A_68, %get3A_69] {strides = array<i32>} : memref<512x16xf32, #tpu.memory_space<vmem>>, vector<1x16xf32>,
        %get3A_71 = vector.shape_cast %get3A_70 : vector<1x16xf32> to vector<16xf32>
        %add3A_72 = arith.addf %add3A_67, %get3A_71 : vector<16xf32>
        %mul3A_73 = arith.constant 2.000000e-01 : f32
        %mul3A_74 = vector.broadcast %mul3A_73 : f32 to vector<16xf32>
        %mul3A_75 = arith.mulf %mul3A_74, %add3A_72 : vector<16xf32>
        %max3A = arith.maximumf %add3A_72, %mul3A_75 : vector<16xf32>
        %exp3A = math.exp %max3A : vector<16xf32>
        %swap3A = arith.index_cast %scan3A_58 : i32 to index
        %swap3A_76 = arith.constant 0 : index
        %swap3A_77 = tpu.vector_load %arg17[%swap3A, %swap3A_76] {strides = array<i32>} : memref<512x16xf32, #tpu.memory_space<vmem>>, vector<1x16xf32>,
        %swap3A_78 = vector.shape_cast %swap3A_77 : vector<1x16xf32> to vector<16xf32>
        %swap3A_79 = vector.shape_cast %exp3A : vector<16xf32> to vector<1x16xf32>
        tpu.vector_store %arg17[%swap3A, %swap3A_76], %swap3A_79 {strides = array<i32>} : memref<512x16xf32, #tpu.memory_space<vmem>>, vector<1x16xf32>,
        %scan3A_80 = arith.constant 0 : i32
        scf.yield %scan3A_80 : i32
      }
      %scan3A_56 = arith.constant 512 : i32
      "tpu.region"() ({
        %run_scoped3A = tpu.sem_alloc : memref<!tpu.dma_semaphore, #tpu.memory_space<semaphore_mem>>
        %dma_start3A_58 = arith.constant 0 : i32
        %dma_start3A_59 = arith.constant 0 : i32
        %dma_start3A_60 = tpu.memref_slice %arg18[%dma_start3A_58, %dma_start3A_59] : memref<10016x16xf32, #tpu.memory_space<vmem_shared>> -> memref<10016x16xf32, #tpu.memory_space<vmem_shared>>
        tpu.enqueue_indirect_dma source(%arg17 : memref<512x16xf32, #tpu.memory_space<vmem>>) target(%dma_start3A_60 : memref<10016x16xf32, #tpu.memory_space<vmem_shared>>) offsets(%arg12 : memref<512xi32, #tpu.memory_space<vmem>>) semaphore(%run_scoped3A : memref<!tpu.dma_semaphore, #tpu.memory_space<semaphore_mem>>) {add = true}
        %dma_wait3A_61 = arith.constant 0 : i32
        %dma_wait3A_62 = arith.constant 0 : i32
        %dma_wait3A_63 = tpu.memref_slice %arg18[%dma_wait3A_61, %dma_wait3A_62] : memref<10016x16xf32, #tpu.memory_space<vmem_shared>> -> memref<10016x16xf32, #tpu.memory_space<vmem_shared>>
        tpu.wait_indirect_dma semaphore(%run_scoped3A : memref<!tpu.dma_semaphore, #tpu.memory_space<semaphore_mem>>) src(%arg17 : memref<512x16xf32, #tpu.memory_space<vmem>>) dst(%dma_wait3A_63 : memref<10016x16xf32, #tpu.memory_space<vmem_shared>>)
        tpu.yield
      }) : () -> ()
      "tpu.region"() ({
        %run_scoped3A = tpu.sem_alloc : memref<!tpu.dma_semaphore, #tpu.memory_space<semaphore_mem>>
        %dma_start3A_58 = arith.constant 0 : i32
        %dma_start3A_59 = tpu.memref_slice %arg10[%add3A_21, %dma_start3A_58] : memref<327680x16xf32, #tpu.memory_space<hbm>> -> memref<512x16xf32, #tpu.memory_space<hbm>>
        %dma_start3A_60 = arith.constant 0 : i32
        %dma_start3A_61 = tpu.memref_slice %arg10[%add3A_21, %dma_start3A_60] : memref<327680x16xf32, #tpu.memory_space<hbm>> -> memref<512x16xf32, #tpu.memory_space<hbm>>
        tpu.enqueue_dma source(%arg17 : memref<512x16xf32, #tpu.memory_space<vmem>>) target(%dma_start3A_61 : memref<512x16xf32, #tpu.memory_space<hbm>>) target_semaphore(%run_scoped3A : memref<!tpu.dma_semaphore, #tpu.memory_space<semaphore_mem>>)
        %dma_wait3A_62 = arith.constant 0 : i32
        %dma_wait3A_63 = tpu.memref_slice %arg10[%add3A_21, %dma_wait3A_62] : memref<327680x16xf32, #tpu.memory_space<hbm>> -> memref<512x16xf32, #tpu.memory_space<hbm>>
        %dma_wait3A_64 = arith.constant 0 : i32
        %dma_wait3A_65 = tpu.memref_slice %arg10[%add3A_21, %dma_wait3A_64] : memref<327680x16xf32, #tpu.memory_space<hbm>> -> memref<512x16xf32, #tpu.memory_space<hbm>>
        tpu.wait_dma2 semaphore(%run_scoped3A : memref<!tpu.dma_semaphore, #tpu.memory_space<semaphore_mem>>) src(%arg17 : memref<512x16xf32, #tpu.memory_space<vmem>>) dst(%dma_wait3A_65 : memref<512x16xf32, #tpu.memory_space<hbm>>)
        tpu.yield
      }) : () -> ()
      %scan3A_57 = arith.constant 0 : i32
      scf.yield %scan3A_57 : i32
    }
    %scan3A_8 = arith.constant 20 : i32
    %barrier3A_9 = arith.constant 0 : index
    tpu.barrier barrier_id(%barrier3A_9)
    %eq3A_10 = arith.constant 0 : i32
    %eq3A_11 = arith.cmpi eq, %arg1, %eq3A_10 : i32
    %convert_element_type3A_12 = arith.extui %eq3A_11 : i1 to i32
    %cond3A_13 = arith.constant 0 : i32
    %cond3A_14 = arith.cmpi ne, %convert_element_type3A_12, %cond3A_13 : i32
    scf.if %cond3A_14 {
      "tpu.region"() ({
        %run_scoped3A = tpu.sem_alloc : memref<!tpu.dma_semaphore, #tpu.memory_space<semaphore_mem>>
        %dma_start3A = arith.constant 0 : i32
        %dma_start3A_15 = arith.constant 0 : i32
        %dma_start3A_16 = tpu.memref_slice %arg9[%arg0, %dma_start3A, %dma_start3A_15] : memref<2x10016x16xf32, #tpu.memory_space<hbm>> -> memref<1x10016x16xf32, #tpu.memory_space<hbm>>
        %dma_start3A_17 = tpu.memref_squeeze %dma_start3A_16 : memref<1x10016x16xf32, #tpu.memory_space<hbm>> -> memref<10016x16xf32, #tpu.memory_space<hbm>>
        tpu.enqueue_dma source(%arg18 : memref<10016x16xf32, #tpu.memory_space<vmem_shared>>) target(%dma_start3A_17 : memref<10016x16xf32, #tpu.memory_space<hbm>>) target_semaphore(%run_scoped3A : memref<!tpu.dma_semaphore, #tpu.memory_space<semaphore_mem>>)
        %dma_wait3A = arith.constant 0 : i32
        %dma_wait3A_18 = arith.constant 0 : i32
        %dma_wait3A_19 = tpu.memref_slice %arg9[%arg0, %dma_wait3A, %dma_wait3A_18] : memref<2x10016x16xf32, #tpu.memory_space<hbm>> -> memref<1x10016x16xf32, #tpu.memory_space<hbm>>
        %dma_wait3A_20 = tpu.memref_squeeze %dma_wait3A_19 : memref<1x10016x16xf32, #tpu.memory_space<hbm>> -> memref<10016x16xf32, #tpu.memory_space<hbm>>
        tpu.wait_dma2 semaphore(%run_scoped3A : memref<!tpu.dma_semaphore, #tpu.memory_space<semaphore_mem>>) src(%arg18 : memref<10016x16xf32, #tpu.memory_space<vmem_shared>>) dst(%dma_wait3A_20 : memref<10016x16xf32, #tpu.memory_space<hbm>>)
        tpu.yield
      }) : () -> ()
    } else {
    }
    return
  }
}

#map = affine_map<(d0, d1) -> (0)>
#map1 = affine_map<(d0, d1) -> (0, 0)>
#map2 = affine_map<(d0, d1) -> (0, 0, 0)>
module attributes {stable_mosaic.version = 14 : i64} {
  func.func @_sc_pass_b_cat(%arg0: i32, %arg1: i32, %arg2: memref<327680xi32, #tpu.memory_space<hbm>>, %arg3: memref<327680xi32, #tpu.memory_space<hbm>>, %arg4: memref<327680x16xf32, #tpu.memory_space<hbm>>, %arg5: memref<10016x16xf32, #tpu.memory_space<hbm>>, %arg6: memref<10016x96xf32, #tpu.memory_space<hbm>>, %arg7: memref<10016x96xf32, #tpu.memory_space<hbm>>, %arg8: memref<2x10016x96xf32, #tpu.memory_space<hbm>>, %arg9: memref<256xi32, #tpu.memory_space<vmem>>, %arg10: memref<256xi32, #tpu.memory_space<vmem>>, %arg11: memref<256x16xf32, #tpu.memory_space<vmem>>, %arg12: memref<256x16xf32, #tpu.memory_space<vmem>>, %arg13: memref<256x96xf32, #tpu.memory_space<vmem>>, %arg14: memref<256x96xf32, #tpu.memory_space<vmem>>, %arg15: memref<10016x96xf32, #tpu.memory_space<vmem_shared>>, %arg16: memref<!tpu.dma_semaphore, #tpu.memory_space<semaphore_mem>>) attributes {dimension_semantics = [#tpu.dimension_semantics<core_parallel>, #tpu.dimension_semantics<subcore_parallel>], iteration_bounds = array<i64: 2, 16>, scalar_prefetch = 0 : i64, scratch_operands = 8 : i64, tpu.core_type = #tpu.core_type<sc_vector_subcore>, window_params = [{transform_indices = #map}, {transform_indices = #map}, {transform_indices = #map1}, {transform_indices = #map1}, {transform_indices = #map1}, {transform_indices = #map1}, {transform_indices = #map2}]} {
    %mul3A = arith.constant 16 : i32
    %mul3A_0 = arith.muli %arg0, %mul3A : i32
    %add3A = arith.addi %mul3A_0, %arg1 : i32
    %eq3A = arith.constant 0 : i32
    %eq3A_1 = arith.cmpi eq, %arg1, %eq3A : i32
    %convert_element_type3A = arith.extui %eq3A_1 : i1 to i32
    %cond3A = arith.constant 0 : i32
    %cond3A_2 = arith.cmpi ne, %convert_element_type3A, %cond3A : i32
    scf.if %cond3A_2 {
      "tpu.region"() ({
        %run_scoped3A = tpu.sem_alloc : memref<!tpu.dma_semaphore, #tpu.memory_space<semaphore_mem>>
        tpu.enqueue_dma source(%arg7 : memref<10016x96xf32, #tpu.memory_space<hbm>>) target(%arg15 : memref<10016x96xf32, #tpu.memory_space<vmem_shared>>) target_semaphore(%run_scoped3A : memref<!tpu.dma_semaphore, #tpu.memory_space<semaphore_mem>>)
        tpu.wait_dma2 semaphore(%run_scoped3A : memref<!tpu.dma_semaphore, #tpu.memory_space<semaphore_mem>>) src(%arg7 : memref<10016x96xf32, #tpu.memory_space<hbm>>) dst(%arg15 : memref<10016x96xf32, #tpu.memory_space<vmem_shared>>)
        tpu.yield
      }) : () -> ()
    } else {
    }
    %barrier3A = arith.constant 0 : index
    tpu.barrier barrier_id(%barrier3A)
    %scan3A = arith.constant 0 : i32
    %scan3A_3 = arith.constant 0 : i32
    %scan3A_4 = arith.constant 40 : i32
    %scan3A_5 = arith.addi %scan3A_3, %scan3A_4 : i32
    %scan3A_6 = arith.constant 1 : i32
    %scan3A_7 = scf.for %scan3A_15 = %scan3A_3 to %scan3A_5 step %scan3A_6 iter_args(%scan3A_16 = %scan3A) -> (i32)  : i32 {
      %mul3A_17 = arith.constant 10240 : i32
      %mul3A_18 = arith.muli %add3A, %mul3A_17 : i32
      %mul3A_19 = arith.constant 256 : i32
      %mul3A_20 = arith.muli %scan3A_15, %mul3A_19 : i32
      %add3A_21 = arith.addi %mul3A_18, %mul3A_20 : i32
      %dma_start3A = tpu.memref_slice %arg2[%add3A_21] : memref<327680xi32, #tpu.memory_space<hbm>> -> memref<256xi32, #tpu.memory_space<hbm>>
      %dma_start3A_22 = tpu.memref_slice %arg2[%add3A_21] : memref<327680xi32, #tpu.memory_space<hbm>> -> memref<256xi32, #tpu.memory_space<hbm>>
      tpu.enqueue_dma source(%dma_start3A_22 : memref<256xi32, #tpu.memory_space<hbm>>) target(%arg9 : memref<256xi32, #tpu.memory_space<vmem>>) target_semaphore(%arg16 : memref<!tpu.dma_semaphore, #tpu.memory_space<semaphore_mem>>)
      %dma_start3A_23 = tpu.memref_slice %arg3[%add3A_21] : memref<327680xi32, #tpu.memory_space<hbm>> -> memref<256xi32, #tpu.memory_space<hbm>>
      %dma_start3A_24 = tpu.memref_slice %arg3[%add3A_21] : memref<327680xi32, #tpu.memory_space<hbm>> -> memref<256xi32, #tpu.memory_space<hbm>>
      tpu.enqueue_dma source(%dma_start3A_24 : memref<256xi32, #tpu.memory_space<hbm>>) target(%arg10 : memref<256xi32, #tpu.memory_space<vmem>>) target_semaphore(%arg16 : memref<!tpu.dma_semaphore, #tpu.memory_space<semaphore_mem>>)
      %dma_start3A_25 = arith.constant 0 : i32
      %dma_start3A_26 = tpu.memref_slice %arg4[%add3A_21, %dma_start3A_25] : memref<327680x16xf32, #tpu.memory_space<hbm>> -> memref<256x16xf32, #tpu.memory_space<hbm>>
      %dma_start3A_27 = arith.constant 0 : i32
      %dma_start3A_28 = tpu.memref_slice %arg4[%add3A_21, %dma_start3A_27] : memref<327680x16xf32, #tpu.memory_space<hbm>> -> memref<256x16xf32, #tpu.memory_space<hbm>>
      tpu.enqueue_dma source(%dma_start3A_28 : memref<256x16xf32, #tpu.memory_space<hbm>>) target(%arg11 : memref<256x16xf32, #tpu.memory_space<vmem>>) target_semaphore(%arg16 : memref<!tpu.dma_semaphore, #tpu.memory_space<semaphore_mem>>)
      %dma_wait3A = tpu.memref_slice %arg2[%add3A_21] : memref<327680xi32, #tpu.memory_space<hbm>> -> memref<256xi32, #tpu.memory_space<hbm>>
      %dma_wait3A_29 = tpu.memref_slice %arg2[%add3A_21] : memref<327680xi32, #tpu.memory_space<hbm>> -> memref<256xi32, #tpu.memory_space<hbm>>
      tpu.wait_dma2 semaphore(%arg16 : memref<!tpu.dma_semaphore, #tpu.memory_space<semaphore_mem>>) src(%dma_wait3A_29 : memref<256xi32, #tpu.memory_space<hbm>>) dst(%arg9 : memref<256xi32, #tpu.memory_space<vmem>>)
      %dma_wait3A_30 = tpu.memref_slice %arg3[%add3A_21] : memref<327680xi32, #tpu.memory_space<hbm>> -> memref<256xi32, #tpu.memory_space<hbm>>
      %dma_wait3A_31 = tpu.memref_slice %arg3[%add3A_21] : memref<327680xi32, #tpu.memory_space<hbm>> -> memref<256xi32, #tpu.memory_space<hbm>>
      tpu.wait_dma2 semaphore(%arg16 : memref<!tpu.dma_semaphore, #tpu.memory_space<semaphore_mem>>) src(%dma_wait3A_31 : memref<256xi32, #tpu.memory_space<hbm>>) dst(%arg10 : memref<256xi32, #tpu.memory_space<vmem>>)
      %dma_wait3A_32 = arith.constant 0 : i32
      %dma_wait3A_33 = tpu.memref_slice %arg4[%add3A_21, %dma_wait3A_32] : memref<327680x16xf32, #tpu.memory_space<hbm>> -> memref<256x16xf32, #tpu.memory_space<hbm>>
      %dma_wait3A_34 = arith.constant 0 : i32
      %dma_wait3A_35 = tpu.memref_slice %arg4[%add3A_21, %dma_wait3A_34] : memref<327680x16xf32, #tpu.memory_space<hbm>> -> memref<256x16xf32, #tpu.memory_space<hbm>>
      tpu.wait_dma2 semaphore(%arg16 : memref<!tpu.dma_semaphore, #tpu.memory_space<semaphore_mem>>) src(%dma_wait3A_35 : memref<256x16xf32, #tpu.memory_space<hbm>>) dst(%arg11 : memref<256x16xf32, #tpu.memory_space<vmem>>)
      %dma_start3A_36 = arith.constant 0 : i32
      %dma_start3A_37 = arith.constant 0 : i32
      %dma_start3A_38 = tpu.memref_slice %arg5[%dma_start3A_36, %dma_start3A_37] : memref<10016x16xf32, #tpu.memory_space<hbm>> -> memref<10016x16xf32, #tpu.memory_space<hbm>>
      tpu.enqueue_indirect_dma source(%dma_start3A_38 : memref<10016x16xf32, #tpu.memory_space<hbm>>) target(%arg12 : memref<256x16xf32, #tpu.memory_space<vmem>>) offsets(%arg10 : memref<256xi32, #tpu.memory_space<vmem>>) semaphore(%arg16 : memref<!tpu.dma_semaphore, #tpu.memory_space<semaphore_mem>>)
      %dma_start3A_39 = arith.constant 0 : i32
      %dma_start3A_40 = arith.constant 0 : i32
      %dma_start3A_41 = tpu.memref_slice %arg6[%dma_start3A_39, %dma_start3A_40] : memref<10016x96xf32, #tpu.memory_space<hbm>> -> memref<10016x96xf32, #tpu.memory_space<hbm>>
      tpu.enqueue_indirect_dma source(%dma_start3A_41 : memref<10016x96xf32, #tpu.memory_space<hbm>>) target(%arg13 : memref<256x96xf32, #tpu.memory_space<vmem>>) offsets(%arg9 : memref<256xi32, #tpu.memory_space<vmem>>) semaphore(%arg16 : memref<!tpu.dma_semaphore, #tpu.memory_space<semaphore_mem>>)
      %dma_wait3A_42 = arith.constant 0 : i32
      %dma_wait3A_43 = arith.constant 0 : i32
      %dma_wait3A_44 = tpu.memref_slice %arg5[%dma_wait3A_42, %dma_wait3A_43] : memref<10016x16xf32, #tpu.memory_space<hbm>> -> memref<10016x16xf32, #tpu.memory_space<hbm>>
      tpu.wait_indirect_dma semaphore(%arg16 : memref<!tpu.dma_semaphore, #tpu.memory_space<semaphore_mem>>) src(%dma_wait3A_44 : memref<10016x16xf32, #tpu.memory_space<hbm>>) dst(%arg12 : memref<256x16xf32, #tpu.memory_space<vmem>>)
      %dma_wait3A_45 = arith.constant 0 : i32
      %dma_wait3A_46 = arith.constant 0 : i32
      %dma_wait3A_47 = tpu.memref_slice %arg6[%dma_wait3A_45, %dma_wait3A_46] : memref<10016x96xf32, #tpu.memory_space<hbm>> -> memref<10016x96xf32, #tpu.memory_space<hbm>>
      tpu.wait_indirect_dma semaphore(%arg16 : memref<!tpu.dma_semaphore, #tpu.memory_space<semaphore_mem>>) src(%dma_wait3A_47 : memref<10016x96xf32, #tpu.memory_space<hbm>>) dst(%arg13 : memref<256x96xf32, #tpu.memory_space<vmem>>)
      %scan3A_48 = arith.constant 0 : i32
      %scan3A_49 = arith.constant 0 : i32
      %scan3A_50 = arith.constant 256 : i32
      %scan3A_51 = arith.addi %scan3A_49, %scan3A_50 : i32
      %scan3A_52 = arith.constant 1 : i32
      %scan3A_53 = scf.for %scan3A_56 = %scan3A_49 to %scan3A_51 step %scan3A_52 iter_args(%scan3A_57 = %scan3A_48) -> (i32)  : i32 {
        %get3A = arith.index_cast %scan3A_56 : i32 to index
        %get3A_58 = arith.constant 0 : index
        %get3A_59 = tpu.vector_load %arg11[%get3A, %get3A_58] {strides = array<i32>} : memref<256x16xf32, #tpu.memory_space<vmem>>, vector<1x16xf32>,
        %get3A_60 = vector.shape_cast %get3A_59 : vector<1x16xf32> to vector<16xf32>
        %get3A_61 = arith.index_cast %scan3A_56 : i32 to index
        %get3A_62 = arith.constant 0 : index
        %get3A_63 = tpu.vector_load %arg12[%get3A_61, %get3A_62] {strides = array<i32>} : memref<256x16xf32, #tpu.memory_space<vmem>>, vector<1x16xf32>,
        %get3A_64 = vector.shape_cast %get3A_63 : vector<1x16xf32> to vector<16xf32>
        %mul3A_65 = arith.mulf %get3A_60, %get3A_64 : vector<16xf32>
        %slice3A = vector.extract_strided_slice %mul3A_65 {offsets = [0], sizes = [1], strides = [1]} : vector<16xf32> to vector<1xf32>
        %squeeze3A = vector.extract %slice3A[0] : f32 from vector<1xf32>
        %get3A_66 = arith.index_cast %scan3A_56 : i32 to index
        %get3A_67 = arith.constant 0 : index
        %get3A_68 = tpu.vector_load %arg13[%get3A_66, %get3A_67] {strides = array<i32>} : memref<256x96xf32, #tpu.memory_space<vmem>>, vector<1x16xf32>,
        %get3A_69 = vector.shape_cast %get3A_68 : vector<1x16xf32> to vector<16xf32>
        %mul3A_70 = vector.broadcast %squeeze3A : f32 to vector<16xf32>
        %mul3A_71 = arith.mulf %mul3A_70, %get3A_69 : vector<16xf32>
        %swap3A = arith.index_cast %scan3A_56 : i32 to index
        %swap3A_72 = arith.constant 0 : index
        %swap3A_73 = tpu.vector_load %arg14[%swap3A, %swap3A_72] {strides = array<i32>} : memref<256x96xf32, #tpu.memory_space<vmem>>, vector<1x16xf32>,
        %swap3A_74 = vector.shape_cast %swap3A_73 : vector<1x16xf32> to vector<16xf32>
        %swap3A_75 = vector.shape_cast %mul3A_71 : vector<16xf32> to vector<1x16xf32>
        tpu.vector_store %arg14[%swap3A, %swap3A_72], %swap3A_75 {strides = array<i32>} : memref<256x96xf32, #tpu.memory_space<vmem>>, vector<1x16xf32>,
        %slice3A_76 = vector.extract_strided_slice %mul3A_65 {offsets = [1], sizes = [1], strides = [1]} : vector<16xf32> to vector<1xf32>
        %squeeze3A_77 = vector.extract %slice3A_76[0] : f32 from vector<1xf32>
        %get3A_78 = arith.index_cast %scan3A_56 : i32 to index
        %get3A_79 = arith.constant 16 : index
        %get3A_80 = tpu.vector_load %arg13[%get3A_78, %get3A_79] {strides = array<i32>} : memref<256x96xf32, #tpu.memory_space<vmem>>, vector<1x16xf32>,
        %get3A_81 = vector.shape_cast %get3A_80 : vector<1x16xf32> to vector<16xf32>
        %mul3A_82 = vector.broadcast %squeeze3A_77 : f32 to vector<16xf32>
        %mul3A_83 = arith.mulf %mul3A_82, %get3A_81 : vector<16xf32>
        %swap3A_84 = arith.index_cast %scan3A_56 : i32 to index
        %swap3A_85 = arith.constant 16 : index
        %swap3A_86 = tpu.vector_load %arg14[%swap3A_84, %swap3A_85] {strides = array<i32>} : memref<256x96xf32, #tpu.memory_space<vmem>>, vector<1x16xf32>,
        %swap3A_87 = vector.shape_cast %swap3A_86 : vector<1x16xf32> to vector<16xf32>
        %swap3A_88 = vector.shape_cast %mul3A_83 : vector<16xf32> to vector<1x16xf32>
        tpu.vector_store %arg14[%swap3A_84, %swap3A_85], %swap3A_88 {strides = array<i32>} : memref<256x96xf32, #tpu.memory_space<vmem>>, vector<1x16xf32>,
        %slice3A_89 = vector.extract_strided_slice %mul3A_65 {offsets = [2], sizes = [1], strides = [1]} : vector<16xf32> to vector<1xf32>
        %squeeze3A_90 = vector.extract %slice3A_89[0] : f32 from vector<1xf32>
        %get3A_91 = arith.index_cast %scan3A_56 : i32 to index
        %get3A_92 = arith.constant 32 : index
        %get3A_93 = tpu.vector_load %arg13[%get3A_91, %get3A_92] {strides = array<i32>} : memref<256x96xf32, #tpu.memory_space<vmem>>, vector<1x16xf32>,
        %get3A_94 = vector.shape_cast %get3A_93 : vector<1x16xf32> to vector<16xf32>
        %mul3A_95 = vector.broadcast %squeeze3A_90 : f32 to vector<16xf32>
        %mul3A_96 = arith.mulf %mul3A_95, %get3A_94 : vector<16xf32>
        %swap3A_97 = arith.index_cast %scan3A_56 : i32 to index
        %swap3A_98 = arith.constant 32 : index
        %swap3A_99 = tpu.vector_load %arg14[%swap3A_97, %swap3A_98] {strides = array<i32>} : memref<256x96xf32, #tpu.memory_space<vmem>>, vector<1x16xf32>,
        %swap3A_100 = vector.shape_cast %swap3A_99 : vector<1x16xf32> to vector<16xf32>
        %swap3A_101 = vector.shape_cast %mul3A_96 : vector<16xf32> to vector<1x16xf32>
        tpu.vector_store %arg14[%swap3A_97, %swap3A_98], %swap3A_101 {strides = array<i32>} : memref<256x96xf32, #tpu.memory_space<vmem>>, vector<1x16xf32>,
        %slice3A_102 = vector.extract_strided_slice %mul3A_65 {offsets = [3], sizes = [1], strides = [1]} : vector<16xf32> to vector<1xf32>
        %squeeze3A_103 = vector.extract %slice3A_102[0] : f32 from vector<1xf32>
        %get3A_104 = arith.index_cast %scan3A_56 : i32 to index
        %get3A_105 = arith.constant 48 : index
        %get3A_106 = tpu.vector_load %arg13[%get3A_104, %get3A_105] {strides = array<i32>} : memref<256x96xf32, #tpu.memory_space<vmem>>, vector<1x16xf32>,
        %get3A_107 = vector.shape_cast %get3A_106 : vector<1x16xf32> to vector<16xf32>
        %mul3A_108 = vector.broadcast %squeeze3A_103 : f32 to vector<16xf32>
        %mul3A_109 = arith.mulf %mul3A_108, %get3A_107 : vector<16xf32>
        %swap3A_110 = arith.index_cast %scan3A_56 : i32 to index
        %swap3A_111 = arith.constant 48 : index
        %swap3A_112 = tpu.vector_load %arg14[%swap3A_110, %swap3A_111] {strides = array<i32>} : memref<256x96xf32, #tpu.memory_space<vmem>>, vector<1x16xf32>,
        %swap3A_113 = vector.shape_cast %swap3A_112 : vector<1x16xf32> to vector<16xf32>
        %swap3A_114 = vector.shape_cast %mul3A_109 : vector<16xf32> to vector<1x16xf32>
        tpu.vector_store %arg14[%swap3A_110, %swap3A_111], %swap3A_114 {strides = array<i32>} : memref<256x96xf32, #tpu.memory_space<vmem>>, vector<1x16xf32>,
        %slice3A_115 = vector.extract_strided_slice %mul3A_65 {offsets = [4], sizes = [1], strides = [1]} : vector<16xf32> to vector<1xf32>
        %squeeze3A_116 = vector.extract %slice3A_115[0] : f32 from vector<1xf32>
        %get3A_117 = arith.index_cast %scan3A_56 : i32 to index
        %get3A_118 = arith.constant 64 : index
        %get3A_119 = tpu.vector_load %arg13[%get3A_117, %get3A_118] {strides = array<i32>} : memref<256x96xf32, #tpu.memory_space<vmem>>, vector<1x16xf32>,
        %get3A_120 = vector.shape_cast %get3A_119 : vector<1x16xf32> to vector<16xf32>
        %mul3A_121 = vector.broadcast %squeeze3A_116 : f32 to vector<16xf32>
        %mul3A_122 = arith.mulf %mul3A_121, %get3A_120 : vector<16xf32>
        %swap3A_123 = arith.index_cast %scan3A_56 : i32 to index
        %swap3A_124 = arith.constant 64 : index
        %swap3A_125 = tpu.vector_load %arg14[%swap3A_123, %swap3A_124] {strides = array<i32>} : memref<256x96xf32, #tpu.memory_space<vmem>>, vector<1x16xf32>,
        %swap3A_126 = vector.shape_cast %swap3A_125 : vector<1x16xf32> to vector<16xf32>
        %swap3A_127 = vector.shape_cast %mul3A_122 : vector<16xf32> to vector<1x16xf32>
        tpu.vector_store %arg14[%swap3A_123, %swap3A_124], %swap3A_127 {strides = array<i32>} : memref<256x96xf32, #tpu.memory_space<vmem>>, vector<1x16xf32>,
        %slice3A_128 = vector.extract_strided_slice %mul3A_65 {offsets = [5], sizes = [1], strides = [1]} : vector<16xf32> to vector<1xf32>
        %squeeze3A_129 = vector.extract %slice3A_128[0] : f32 from vector<1xf32>
        %get3A_130 = arith.index_cast %scan3A_56 : i32 to index
        %get3A_131 = arith.constant 80 : index
        %get3A_132 = tpu.vector_load %arg13[%get3A_130, %get3A_131] {strides = array<i32>} : memref<256x96xf32, #tpu.memory_space<vmem>>, vector<1x16xf32>,
        %get3A_133 = vector.shape_cast %get3A_132 : vector<1x16xf32> to vector<16xf32>
        %mul3A_134 = vector.broadcast %squeeze3A_129 : f32 to vector<16xf32>
        %mul3A_135 = arith.mulf %mul3A_134, %get3A_133 : vector<16xf32>
        %swap3A_136 = arith.index_cast %scan3A_56 : i32 to index
        %swap3A_137 = arith.constant 80 : index
        %swap3A_138 = tpu.vector_load %arg14[%swap3A_136, %swap3A_137] {strides = array<i32>} : memref<256x96xf32, #tpu.memory_space<vmem>>, vector<1x16xf32>,
        %swap3A_139 = vector.shape_cast %swap3A_138 : vector<1x16xf32> to vector<16xf32>
        %swap3A_140 = vector.shape_cast %mul3A_135 : vector<16xf32> to vector<1x16xf32>
        tpu.vector_store %arg14[%swap3A_136, %swap3A_137], %swap3A_140 {strides = array<i32>} : memref<256x96xf32, #tpu.memory_space<vmem>>, vector<1x16xf32>,
        %scan3A_141 = arith.constant 0 : i32
        scf.yield %scan3A_141 : i32
      }
      %scan3A_54 = arith.constant 256 : i32
      "tpu.region"() ({
        %run_scoped3A = tpu.sem_alloc : memref<!tpu.dma_semaphore, #tpu.memory_space<semaphore_mem>>
        %dma_start3A_56 = arith.constant 0 : i32
        %dma_start3A_57 = arith.constant 0 : i32
        %dma_start3A_58 = tpu.memref_slice %arg15[%dma_start3A_56, %dma_start3A_57] : memref<10016x96xf32, #tpu.memory_space<vmem_shared>> -> memref<10016x96xf32, #tpu.memory_space<vmem_shared>>
        tpu.enqueue_indirect_dma source(%arg14 : memref<256x96xf32, #tpu.memory_space<vmem>>) target(%dma_start3A_58 : memref<10016x96xf32, #tpu.memory_space<vmem_shared>>) offsets(%arg10 : memref<256xi32, #tpu.memory_space<vmem>>) semaphore(%run_scoped3A : memref<!tpu.dma_semaphore, #tpu.memory_space<semaphore_mem>>) {add = true}
        %dma_wait3A_59 = arith.constant 0 : i32
        %dma_wait3A_60 = arith.constant 0 : i32
        %dma_wait3A_61 = tpu.memref_slice %arg15[%dma_wait3A_59, %dma_wait3A_60] : memref<10016x96xf32, #tpu.memory_space<vmem_shared>> -> memref<10016x96xf32, #tpu.memory_space<vmem_shared>>
        tpu.wait_indirect_dma semaphore(%run_scoped3A : memref<!tpu.dma_semaphore, #tpu.memory_space<semaphore_mem>>) src(%arg14 : memref<256x96xf32, #tpu.memory_space<vmem>>) dst(%dma_wait3A_61 : memref<10016x96xf32, #tpu.memory_space<vmem_shared>>)
        tpu.yield
      }) : () -> ()
      %scan3A_55 = arith.constant 0 : i32
      scf.yield %scan3A_55 : i32
    }
    %scan3A_8 = arith.constant 40 : i32
    %barrier3A_9 = arith.constant 0 : index
    tpu.barrier barrier_id(%barrier3A_9)
    %eq3A_10 = arith.constant 0 : i32
    %eq3A_11 = arith.cmpi eq, %arg1, %eq3A_10 : i32
    %convert_element_type3A_12 = arith.extui %eq3A_11 : i1 to i32
    %cond3A_13 = arith.constant 0 : i32
    %cond3A_14 = arith.cmpi ne, %convert_element_type3A_12, %cond3A_13 : i32
    scf.if %cond3A_14 {
      "tpu.region"() ({
        %run_scoped3A = tpu.sem_alloc : memref<!tpu.dma_semaphore, #tpu.memory_space<semaphore_mem>>
        %dma_start3A = arith.constant 0 : i32
        %dma_start3A_15 = arith.constant 0 : i32
        %dma_start3A_16 = tpu.memref_slice %arg8[%arg0, %dma_start3A, %dma_start3A_15] : memref<2x10016x96xf32, #tpu.memory_space<hbm>> -> memref<1x10016x96xf32, #tpu.memory_space<hbm>>
        %dma_start3A_17 = tpu.memref_squeeze %dma_start3A_16 : memref<1x10016x96xf32, #tpu.memory_space<hbm>> -> memref<10016x96xf32, #tpu.memory_space<hbm>>
        tpu.enqueue_dma source(%arg15 : memref<10016x96xf32, #tpu.memory_space<vmem_shared>>) target(%dma_start3A_17 : memref<10016x96xf32, #tpu.memory_space<hbm>>) target_semaphore(%run_scoped3A : memref<!tpu.dma_semaphore, #tpu.memory_space<semaphore_mem>>)
        %dma_wait3A = arith.constant 0 : i32
        %dma_wait3A_18 = arith.constant 0 : i32
        %dma_wait3A_19 = tpu.memref_slice %arg8[%arg0, %dma_wait3A, %dma_wait3A_18] : memref<2x10016x96xf32, #tpu.memory_space<hbm>> -> memref<1x10016x96xf32, #tpu.memory_space<hbm>>
        %dma_wait3A_20 = tpu.memref_squeeze %dma_wait3A_19 : memref<1x10016x96xf32, #tpu.memory_space<hbm>> -> memref<10016x96xf32, #tpu.memory_space<hbm>>
        tpu.wait_dma2 semaphore(%run_scoped3A : memref<!tpu.dma_semaphore, #tpu.memory_space<semaphore_mem>>) src(%arg15 : memref<10016x96xf32, #tpu.memory_space<vmem_shared>>) dst(%dma_wait3A_20 : memref<10016x96xf32, #tpu.memory_space<hbm>>)
        tpu.yield
      }) : () -> ()
    } else {
    }
    return
  }
}

#map = affine_map<(d0, d1) -> (0)>
#map1 = affine_map<(d0, d1) -> (0, 0)>
#map2 = affine_map<(d0, d1) -> (0, 0, 0)>
module attributes {stable_mosaic.version = 14 : i64} {
  func.func @_sc_pass_a(%arg0: i32, %arg1: i32, %arg2: memref<327680xi32, #tpu.memory_space<hbm>>, %arg3: memref<327680xi32, #tpu.memory_space<hbm>>, %arg4: memref<327680xi32, #tpu.memory_space<hbm>>, %arg5: memref<10016x16xf32, #tpu.memory_space<hbm>>, %arg6: memref<10016x16xf32, #tpu.memory_space<hbm>>, %arg7: memref<6x16xf32, #tpu.memory_space<hbm>>, %arg8: memref<10016x16xf32, #tpu.memory_space<hbm>>, %arg9: memref<2x10016x16xf32, #tpu.memory_space<hbm>>, %arg10: memref<327680x16xf32, #tpu.memory_space<hbm>>, %arg11: memref<512xi32, #tpu.memory_space<vmem>>, %arg12: memref<512xi32, #tpu.memory_space<vmem>>, %arg13: memref<512xi32, #tpu.memory_space<vmem>>, %arg14: memref<512x16xf32, #tpu.memory_space<vmem>>, %arg15: memref<512x16xf32, #tpu.memory_space<vmem>>, %arg16: memref<512x16xf32, #tpu.memory_space<vmem>>, %arg17: memref<512x16xf32, #tpu.memory_space<vmem>>, %arg18: memref<10016x16xf32, #tpu.memory_space<vmem_shared>>, %arg19: memref<!tpu.dma_semaphore, #tpu.memory_space<semaphore_mem>>) attributes {dimension_semantics = [#tpu.dimension_semantics<core_parallel>, #tpu.dimension_semantics<subcore_parallel>], iteration_bounds = array<i64: 2, 16>, scalar_prefetch = 0 : i64, scratch_operands = 9 : i64, tpu.core_type = #tpu.core_type<sc_vector_subcore>, window_params = [{transform_indices = #map}, {transform_indices = #map}, {transform_indices = #map}, {transform_indices = #map1}, {transform_indices = #map1}, {transform_indices = #map1}, {transform_indices = #map1}, {transform_indices = #map2}, {transform_indices = #map1}]} {
    %mul3A = arith.constant 16 : i32
    %mul3A_0 = arith.muli %arg0, %mul3A : i32
    %add3A = arith.addi %mul3A_0, %arg1 : i32
    %eq3A = arith.constant 0 : i32
    %eq3A_1 = arith.cmpi eq, %arg1, %eq3A : i32
    %convert_element_type3A = arith.extui %eq3A_1 : i1 to i32
    %cond3A = arith.constant 0 : i32
    %cond3A_2 = arith.cmpi ne, %convert_element_type3A, %cond3A : i32
    scf.if %cond3A_2 {
      "tpu.region"() ({
        %run_scoped3A = tpu.sem_alloc : memref<!tpu.dma_semaphore, #tpu.memory_space<semaphore_mem>>
        tpu.enqueue_dma source(%arg8 : memref<10016x16xf32, #tpu.memory_space<hbm>>) target(%arg18 : memref<10016x16xf32, #tpu.memory_space<vmem_shared>>) target_semaphore(%run_scoped3A : memref<!tpu.dma_semaphore, #tpu.memory_space<semaphore_mem>>)
        tpu.wait_dma2 semaphore(%run_scoped3A : memref<!tpu.dma_semaphore, #tpu.memory_space<semaphore_mem>>) src(%arg8 : memref<10016x16xf32, #tpu.memory_space<hbm>>) dst(%arg18 : memref<10016x16xf32, #tpu.memory_space<vmem_shared>>)
        tpu.yield
      }) : () -> ()
    } else {
    }
    %barrier3A = arith.constant 0 : index
    tpu.barrier barrier_id(%barrier3A)
    %scan3A = arith.constant 0 : i32
    %scan3A_3 = arith.constant 0 : i32
    %scan3A_4 = arith.constant 20 : i32
    %scan3A_5 = arith.addi %scan3A_3, %scan3A_4 : i32
    %scan3A_6 = arith.constant 1 : i32
    %scan3A_7 = scf.for %scan3A_15 = %scan3A_3 to %scan3A_5 step %scan3A_6 iter_args(%scan3A_16 = %scan3A) -> (i32)  : i32 {
      %mul3A_17 = arith.constant 10240 : i32
      %mul3A_18 = arith.muli %add3A, %mul3A_17 : i32
      %mul3A_19 = arith.constant 512 : i32
      %mul3A_20 = arith.muli %scan3A_15, %mul3A_19 : i32
      %add3A_21 = arith.addi %mul3A_18, %mul3A_20 : i32
      %dma_start3A = tpu.memref_slice %arg2[%add3A_21] : memref<327680xi32, #tpu.memory_space<hbm>> -> memref<512xi32, #tpu.memory_space<hbm>>
      %dma_start3A_22 = tpu.memref_slice %arg2[%add3A_21] : memref<327680xi32, #tpu.memory_space<hbm>> -> memref<512xi32, #tpu.memory_space<hbm>>
      tpu.enqueue_dma source(%dma_start3A_22 : memref<512xi32, #tpu.memory_space<hbm>>) target(%arg11 : memref<512xi32, #tpu.memory_space<vmem>>) target_semaphore(%arg19 : memref<!tpu.dma_semaphore, #tpu.memory_space<semaphore_mem>>)
      %dma_start3A_23 = tpu.memref_slice %arg3[%add3A_21] : memref<327680xi32, #tpu.memory_space<hbm>> -> memref<512xi32, #tpu.memory_space<hbm>>
      %dma_start3A_24 = tpu.memref_slice %arg3[%add3A_21] : memref<327680xi32, #tpu.memory_space<hbm>> -> memref<512xi32, #tpu.memory_space<hbm>>
      tpu.enqueue_dma source(%dma_start3A_24 : memref<512xi32, #tpu.memory_space<hbm>>) target(%arg12 : memref<512xi32, #tpu.memory_space<vmem>>) target_semaphore(%arg19 : memref<!tpu.dma_semaphore, #tpu.memory_space<semaphore_mem>>)
      %dma_start3A_25 = tpu.memref_slice %arg4[%add3A_21] : memref<327680xi32, #tpu.memory_space<hbm>> -> memref<512xi32, #tpu.memory_space<hbm>>
      %dma_start3A_26 = tpu.memref_slice %arg4[%add3A_21] : memref<327680xi32, #tpu.memory_space<hbm>> -> memref<512xi32, #tpu.memory_space<hbm>>
      tpu.enqueue_dma source(%dma_start3A_26 : memref<512xi32, #tpu.memory_space<hbm>>) target(%arg13 : memref<512xi32, #tpu.memory_space<vmem>>) target_semaphore(%arg19 : memref<!tpu.dma_semaphore, #tpu.memory_space<semaphore_mem>>)
      %dma_wait3A = tpu.memref_slice %arg2[%add3A_21] : memref<327680xi32, #tpu.memory_space<hbm>> -> memref<512xi32, #tpu.memory_space<hbm>>
      %dma_wait3A_27 = tpu.memref_slice %arg2[%add3A_21] : memref<327680xi32, #tpu.memory_space<hbm>> -> memref<512xi32, #tpu.memory_space<hbm>>
      tpu.wait_dma2 semaphore(%arg19 : memref<!tpu.dma_semaphore, #tpu.memory_space<semaphore_mem>>) src(%dma_wait3A_27 : memref<512xi32, #tpu.memory_space<hbm>>) dst(%arg11 : memref<512xi32, #tpu.memory_space<vmem>>)
      %dma_wait3A_28 = tpu.memref_slice %arg3[%add3A_21] : memref<327680xi32, #tpu.memory_space<hbm>> -> memref<512xi32, #tpu.memory_space<hbm>>
      %dma_wait3A_29 = tpu.memref_slice %arg3[%add3A_21] : memref<327680xi32, #tpu.memory_space<hbm>> -> memref<512xi32, #tpu.memory_space<hbm>>
      tpu.wait_dma2 semaphore(%arg19 : memref<!tpu.dma_semaphore, #tpu.memory_space<semaphore_mem>>) src(%dma_wait3A_29 : memref<512xi32, #tpu.memory_space<hbm>>) dst(%arg12 : memref<512xi32, #tpu.memory_space<vmem>>)
      %dma_wait3A_30 = tpu.memref_slice %arg4[%add3A_21] : memref<327680xi32, #tpu.memory_space<hbm>> -> memref<512xi32, #tpu.memory_space<hbm>>
      %dma_wait3A_31 = tpu.memref_slice %arg4[%add3A_21] : memref<327680xi32, #tpu.memory_space<hbm>> -> memref<512xi32, #tpu.memory_space<hbm>>
      tpu.wait_dma2 semaphore(%arg19 : memref<!tpu.dma_semaphore, #tpu.memory_space<semaphore_mem>>) src(%dma_wait3A_31 : memref<512xi32, #tpu.memory_space<hbm>>) dst(%arg13 : memref<512xi32, #tpu.memory_space<vmem>>)
      %dma_start3A_32 = arith.constant 0 : i32
      %dma_start3A_33 = arith.constant 0 : i32
      %dma_start3A_34 = tpu.memref_slice %arg5[%dma_start3A_32, %dma_start3A_33] : memref<10016x16xf32, #tpu.memory_space<hbm>> -> memref<10016x16xf32, #tpu.memory_space<hbm>>
      tpu.enqueue_indirect_dma source(%dma_start3A_34 : memref<10016x16xf32, #tpu.memory_space<hbm>>) target(%arg14 : memref<512x16xf32, #tpu.memory_space<vmem>>) offsets(%arg11 : memref<512xi32, #tpu.memory_space<vmem>>) semaphore(%arg19 : memref<!tpu.dma_semaphore, #tpu.memory_space<semaphore_mem>>)
      %dma_start3A_35 = arith.constant 0 : i32
      %dma_start3A_36 = arith.constant 0 : i32
      %dma_start3A_37 = tpu.memref_slice %arg6[%dma_start3A_35, %dma_start3A_36] : memref<10016x16xf32, #tpu.memory_space<hbm>> -> memref<10016x16xf32, #tpu.memory_space<hbm>>
      tpu.enqueue_indirect_dma source(%dma_start3A_37 : memref<10016x16xf32, #tpu.memory_space<hbm>>) target(%arg15 : memref<512x16xf32, #tpu.memory_space<vmem>>) offsets(%arg12 : memref<512xi32, #tpu.memory_space<vmem>>) semaphore(%arg19 : memref<!tpu.dma_semaphore, #tpu.memory_space<semaphore_mem>>)
      %dma_start3A_38 = arith.constant 0 : i32
      %dma_start3A_39 = arith.constant 0 : i32
      %dma_start3A_40 = tpu.memref_slice %arg7[%dma_start3A_38, %dma_start3A_39] : memref<6x16xf32, #tpu.memory_space<hbm>> -> memref<6x16xf32, #tpu.memory_space<hbm>>
      tpu.enqueue_indirect_dma source(%dma_start3A_40 : memref<6x16xf32, #tpu.memory_space<hbm>>) target(%arg16 : memref<512x16xf32, #tpu.memory_space<vmem>>) offsets(%arg13 : memref<512xi32, #tpu.memory_space<vmem>>) semaphore(%arg19 : memref<!tpu.dma_semaphore, #tpu.memory_space<semaphore_mem>>)
      %dma_wait3A_41 = arith.constant 0 : i32
      %dma_wait3A_42 = arith.constant 0 : i32
      %dma_wait3A_43 = tpu.memref_slice %arg5[%dma_wait3A_41, %dma_wait3A_42] : memref<10016x16xf32, #tpu.memory_space<hbm>> -> memref<10016x16xf32, #tpu.memory_space<hbm>>
      tpu.wait_indirect_dma semaphore(%arg19 : memref<!tpu.dma_semaphore, #tpu.memory_space<semaphore_mem>>) src(%dma_wait3A_43 : memref<10016x16xf32, #tpu.memory_space<hbm>>) dst(%arg14 : memref<512x16xf32, #tpu.memory_space<vmem>>)
      %dma_wait3A_44 = arith.constant 0 : i32
      %dma_wait3A_45 = arith.constant 0 : i32
      %dma_wait3A_46 = tpu.memref_slice %arg6[%dma_wait3A_44, %dma_wait3A_45] : memref<10016x16xf32, #tpu.memory_space<hbm>> -> memref<10016x16xf32, #tpu.memory_space<hbm>>
      tpu.wait_indirect_dma semaphore(%arg19 : memref<!tpu.dma_semaphore, #tpu.memory_space<semaphore_mem>>) src(%dma_wait3A_46 : memref<10016x16xf32, #tpu.memory_space<hbm>>) dst(%arg15 : memref<512x16xf32, #tpu.memory_space<vmem>>)
      %dma_wait3A_47 = arith.constant 0 : i32
      %dma_wait3A_48 = arith.constant 0 : i32
      %dma_wait3A_49 = tpu.memref_slice %arg7[%dma_wait3A_47, %dma_wait3A_48] : memref<6x16xf32, #tpu.memory_space<hbm>> -> memref<6x16xf32, #tpu.memory_space<hbm>>
      tpu.wait_indirect_dma semaphore(%arg19 : memref<!tpu.dma_semaphore, #tpu.memory_space<semaphore_mem>>) src(%dma_wait3A_49 : memref<6x16xf32, #tpu.memory_space<hbm>>) dst(%arg16 : memref<512x16xf32, #tpu.memory_space<vmem>>)
      %scan3A_50 = arith.constant 0 : i32
      %scan3A_51 = arith.constant 0 : i32
      %scan3A_52 = arith.constant 512 : i32
      %scan3A_53 = arith.addi %scan3A_51, %scan3A_52 : i32
      %scan3A_54 = arith.constant 1 : i32
      %scan3A_55 = scf.for %scan3A_58 = %scan3A_51 to %scan3A_53 step %scan3A_54 iter_args(%scan3A_59 = %scan3A_50) -> (i32)  : i32 {
        %get3A = arith.index_cast %scan3A_58 : i32 to index
        %get3A_60 = arith.constant 0 : index
        %get3A_61 = tpu.vector_load %arg14[%get3A, %get3A_60] {strides = array<i32>} : memref<512x16xf32, #tpu.memory_space<vmem>>, vector<1x16xf32>,
        %get3A_62 = vector.shape_cast %get3A_61 : vector<1x16xf32> to vector<16xf32>
        %get3A_63 = arith.index_cast %scan3A_58 : i32 to index
        %get3A_64 = arith.constant 0 : index
        %get3A_65 = tpu.vector_load %arg15[%get3A_63, %get3A_64] {strides = array<i32>} : memref<512x16xf32, #tpu.memory_space<vmem>>, vector<1x16xf32>,
        %get3A_66 = vector.shape_cast %get3A_65 : vector<1x16xf32> to vector<16xf32>
        %add3A_67 = arith.addf %get3A_62, %get3A_66 : vector<16xf32>
        %get3A_68 = arith.index_cast %scan3A_58 : i32 to index
        %get3A_69 = arith.constant 0 : index
        %get3A_70 = tpu.vector_load %arg16[%get3A_68, %get3A_69] {strides = array<i32>} : memref<512x16xf32, #tpu.memory_space<vmem>>, vector<1x16xf32>,
        %get3A_71 = vector.shape_cast %get3A_70 : vector<1x16xf32> to vector<16xf32>
        %add3A_72 = arith.addf %add3A_67, %get3A_71 : vector<16xf32>
        %mul3A_73 = arith.constant 2.000000e-01 : f32
        %mul3A_74 = vector.broadcast %mul3A_73 : f32 to vector<16xf32>
        %mul3A_75 = arith.mulf %mul3A_74, %add3A_72 : vector<16xf32>
        %max3A = arith.maximumf %add3A_72, %mul3A_75 : vector<16xf32>
        %exp3A = math.exp %max3A : vector<16xf32>
        %swap3A = arith.index_cast %scan3A_58 : i32 to index
        %swap3A_76 = arith.constant 0 : index
        %swap3A_77 = tpu.vector_load %arg17[%swap3A, %swap3A_76] {strides = array<i32>} : memref<512x16xf32, #tpu.memory_space<vmem>>, vector<1x16xf32>,
        %swap3A_78 = vector.shape_cast %swap3A_77 : vector<1x16xf32> to vector<16xf32>
        %swap3A_79 = vector.shape_cast %exp3A : vector<16xf32> to vector<1x16xf32>
        tpu.vector_store %arg17[%swap3A, %swap3A_76], %swap3A_79 {strides = array<i32>} : memref<512x16xf32, #tpu.memory_space<vmem>>, vector<1x16xf32>,
        %scan3A_80 = arith.constant 0 : i32
        scf.yield %scan3A_80 : i32
      }
      %scan3A_56 = arith.constant 512 : i32
      "tpu.region"() ({
        %run_scoped3A = tpu.sem_alloc : memref<!tpu.dma_semaphore, #tpu.memory_space<semaphore_mem>>
        %dma_start3A_58 = arith.constant 0 : i32
        %dma_start3A_59 = arith.constant 0 : i32
        %dma_start3A_60 = tpu.memref_slice %arg18[%dma_start3A_58, %dma_start3A_59] : memref<10016x16xf32, #tpu.memory_space<vmem_shared>> -> memref<10016x16xf32, #tpu.memory_space<vmem_shared>>
        tpu.enqueue_indirect_dma source(%arg17 : memref<512x16xf32, #tpu.memory_space<vmem>>) target(%dma_start3A_60 : memref<10016x16xf32, #tpu.memory_space<vmem_shared>>) offsets(%arg12 : memref<512xi32, #tpu.memory_space<vmem>>) semaphore(%run_scoped3A : memref<!tpu.dma_semaphore, #tpu.memory_space<semaphore_mem>>) {add = true}
        %dma_wait3A_61 = arith.constant 0 : i32
        %dma_wait3A_62 = arith.constant 0 : i32
        %dma_wait3A_63 = tpu.memref_slice %arg18[%dma_wait3A_61, %dma_wait3A_62] : memref<10016x16xf32, #tpu.memory_space<vmem_shared>> -> memref<10016x16xf32, #tpu.memory_space<vmem_shared>>
        tpu.wait_indirect_dma semaphore(%run_scoped3A : memref<!tpu.dma_semaphore, #tpu.memory_space<semaphore_mem>>) src(%arg17 : memref<512x16xf32, #tpu.memory_space<vmem>>) dst(%dma_wait3A_63 : memref<10016x16xf32, #tpu.memory_space<vmem_shared>>)
        tpu.yield
      }) : () -> ()
      "tpu.region"() ({
        %run_scoped3A = tpu.sem_alloc : memref<!tpu.dma_semaphore, #tpu.memory_space<semaphore_mem>>
        %dma_start3A_58 = arith.constant 0 : i32
        %dma_start3A_59 = tpu.memref_slice %arg10[%add3A_21, %dma_start3A_58] : memref<327680x16xf32, #tpu.memory_space<hbm>> -> memref<512x16xf32, #tpu.memory_space<hbm>>
        %dma_start3A_60 = arith.constant 0 : i32
        %dma_start3A_61 = tpu.memref_slice %arg10[%add3A_21, %dma_start3A_60] : memref<327680x16xf32, #tpu.memory_space<hbm>> -> memref<512x16xf32, #tpu.memory_space<hbm>>
        tpu.enqueue_dma source(%arg17 : memref<512x16xf32, #tpu.memory_space<vmem>>) target(%dma_start3A_61 : memref<512x16xf32, #tpu.memory_space<hbm>>) target_semaphore(%run_scoped3A : memref<!tpu.dma_semaphore, #tpu.memory_space<semaphore_mem>>)
        %dma_wait3A_62 = arith.constant 0 : i32
        %dma_wait3A_63 = tpu.memref_slice %arg10[%add3A_21, %dma_wait3A_62] : memref<327680x16xf32, #tpu.memory_space<hbm>> -> memref<512x16xf32, #tpu.memory_space<hbm>>
        %dma_wait3A_64 = arith.constant 0 : i32
        %dma_wait3A_65 = tpu.memref_slice %arg10[%add3A_21, %dma_wait3A_64] : memref<327680x16xf32, #tpu.memory_space<hbm>> -> memref<512x16xf32, #tpu.memory_space<hbm>>
        tpu.wait_dma2 semaphore(%run_scoped3A : memref<!tpu.dma_semaphore, #tpu.memory_space<semaphore_mem>>) src(%arg17 : memref<512x16xf32, #tpu.memory_space<vmem>>) dst(%dma_wait3A_65 : memref<512x16xf32, #tpu.memory_space<hbm>>)
        tpu.yield
      }) : () -> ()
      %scan3A_57 = arith.constant 0 : i32
      scf.yield %scan3A_57 : i32
    }
    %scan3A_8 = arith.constant 20 : i32
    %barrier3A_9 = arith.constant 0 : index
    tpu.barrier barrier_id(%barrier3A_9)
    %eq3A_10 = arith.constant 0 : i32
    %eq3A_11 = arith.cmpi eq, %arg1, %eq3A_10 : i32
    %convert_element_type3A_12 = arith.extui %eq3A_11 : i1 to i32
    %cond3A_13 = arith.constant 0 : i32
    %cond3A_14 = arith.cmpi ne, %convert_element_type3A_12, %cond3A_13 : i32
    scf.if %cond3A_14 {
      "tpu.region"() ({
        %run_scoped3A = tpu.sem_alloc : memref<!tpu.dma_semaphore, #tpu.memory_space<semaphore_mem>>
        %dma_start3A = arith.constant 0 : i32
        %dma_start3A_15 = arith.constant 0 : i32
        %dma_start3A_16 = tpu.memref_slice %arg9[%arg0, %dma_start3A, %dma_start3A_15] : memref<2x10016x16xf32, #tpu.memory_space<hbm>> -> memref<1x10016x16xf32, #tpu.memory_space<hbm>>
        %dma_start3A_17 = tpu.memref_squeeze %dma_start3A_16 : memref<1x10016x16xf32, #tpu.memory_space<hbm>> -> memref<10016x16xf32, #tpu.memory_space<hbm>>
        tpu.enqueue_dma source(%arg18 : memref<10016x16xf32, #tpu.memory_space<vmem_shared>>) target(%dma_start3A_17 : memref<10016x16xf32, #tpu.memory_space<hbm>>) target_semaphore(%run_scoped3A : memref<!tpu.dma_semaphore, #tpu.memory_space<semaphore_mem>>)
        %dma_wait3A = arith.constant 0 : i32
        %dma_wait3A_18 = arith.constant 0 : i32
        %dma_wait3A_19 = tpu.memref_slice %arg9[%arg0, %dma_wait3A, %dma_wait3A_18] : memref<2x10016x16xf32, #tpu.memory_space<hbm>> -> memref<1x10016x16xf32, #tpu.memory_space<hbm>>
        %dma_wait3A_20 = tpu.memref_squeeze %dma_wait3A_19 : memref<1x10016x16xf32, #tpu.memory_space<hbm>> -> memref<10016x16xf32, #tpu.memory_space<hbm>>
        tpu.wait_dma2 semaphore(%run_scoped3A : memref<!tpu.dma_semaphore, #tpu.memory_space<semaphore_mem>>) src(%arg18 : memref<10016x16xf32, #tpu.memory_space<vmem_shared>>) dst(%dma_wait3A_20 : memref<10016x16xf32, #tpu.memory_space<hbm>>)
        tpu.yield
      }) : () -> ()
    } else {
    }
    return
  }
}

#map = affine_map<(d0, d1) -> (0)>
#map1 = affine_map<(d0, d1) -> (0, 0)>
#map2 = affine_map<(d0, d1) -> (0, 0, 0)>
module attributes {stable_mosaic.version = 14 : i64} {
  func.func @_sc_pass_b_cat(%arg0: i32, %arg1: i32, %arg2: memref<327680xi32, #tpu.memory_space<hbm>>, %arg3: memref<327680xi32, #tpu.memory_space<hbm>>, %arg4: memref<327680x16xf32, #tpu.memory_space<hbm>>, %arg5: memref<10016x16xf32, #tpu.memory_space<hbm>>, %arg6: memref<10016x96xf32, #tpu.memory_space<hbm>>, %arg7: memref<10016x96xf32, #tpu.memory_space<hbm>>, %arg8: memref<2x10016x96xf32, #tpu.memory_space<hbm>>, %arg9: memref<256xi32, #tpu.memory_space<vmem>>, %arg10: memref<256xi32, #tpu.memory_space<vmem>>, %arg11: memref<256x16xf32, #tpu.memory_space<vmem>>, %arg12: memref<256x16xf32, #tpu.memory_space<vmem>>, %arg13: memref<256x96xf32, #tpu.memory_space<vmem>>, %arg14: memref<256x96xf32, #tpu.memory_space<vmem>>, %arg15: memref<10016x96xf32, #tpu.memory_space<vmem_shared>>, %arg16: memref<!tpu.dma_semaphore, #tpu.memory_space<semaphore_mem>>) attributes {dimension_semantics = [#tpu.dimension_semantics<core_parallel>, #tpu.dimension_semantics<subcore_parallel>], iteration_bounds = array<i64: 2, 16>, scalar_prefetch = 0 : i64, scratch_operands = 8 : i64, tpu.core_type = #tpu.core_type<sc_vector_subcore>, window_params = [{transform_indices = #map}, {transform_indices = #map}, {transform_indices = #map1}, {transform_indices = #map1}, {transform_indices = #map1}, {transform_indices = #map1}, {transform_indices = #map2}]} {
    %mul3A = arith.constant 16 : i32
    %mul3A_0 = arith.muli %arg0, %mul3A : i32
    %add3A = arith.addi %mul3A_0, %arg1 : i32
    %eq3A = arith.constant 0 : i32
    %eq3A_1 = arith.cmpi eq, %arg1, %eq3A : i32
    %convert_element_type3A = arith.extui %eq3A_1 : i1 to i32
    %cond3A = arith.constant 0 : i32
    %cond3A_2 = arith.cmpi ne, %convert_element_type3A, %cond3A : i32
    scf.if %cond3A_2 {
      "tpu.region"() ({
        %run_scoped3A = tpu.sem_alloc : memref<!tpu.dma_semaphore, #tpu.memory_space<semaphore_mem>>
        tpu.enqueue_dma source(%arg7 : memref<10016x96xf32, #tpu.memory_space<hbm>>) target(%arg15 : memref<10016x96xf32, #tpu.memory_space<vmem_shared>>) target_semaphore(%run_scoped3A : memref<!tpu.dma_semaphore, #tpu.memory_space<semaphore_mem>>)
        tpu.wait_dma2 semaphore(%run_scoped3A : memref<!tpu.dma_semaphore, #tpu.memory_space<semaphore_mem>>) src(%arg7 : memref<10016x96xf32, #tpu.memory_space<hbm>>) dst(%arg15 : memref<10016x96xf32, #tpu.memory_space<vmem_shared>>)
        tpu.yield
      }) : () -> ()
    } else {
    }
    %barrier3A = arith.constant 0 : index
    tpu.barrier barrier_id(%barrier3A)
    %scan3A = arith.constant 0 : i32
    %scan3A_3 = arith.constant 0 : i32
    %scan3A_4 = arith.constant 40 : i32
    %scan3A_5 = arith.addi %scan3A_3, %scan3A_4 : i32
    %scan3A_6 = arith.constant 1 : i32
    %scan3A_7 = scf.for %scan3A_15 = %scan3A_3 to %scan3A_5 step %scan3A_6 iter_args(%scan3A_16 = %scan3A) -> (i32)  : i32 {
      %mul3A_17 = arith.constant 10240 : i32
      %mul3A_18 = arith.muli %add3A, %mul3A_17 : i32
      %mul3A_19 = arith.constant 256 : i32
      %mul3A_20 = arith.muli %scan3A_15, %mul3A_19 : i32
      %add3A_21 = arith.addi %mul3A_18, %mul3A_20 : i32
      %dma_start3A = tpu.memref_slice %arg2[%add3A_21] : memref<327680xi32, #tpu.memory_space<hbm>> -> memref<256xi32, #tpu.memory_space<hbm>>
      %dma_start3A_22 = tpu.memref_slice %arg2[%add3A_21] : memref<327680xi32, #tpu.memory_space<hbm>> -> memref<256xi32, #tpu.memory_space<hbm>>
      tpu.enqueue_dma source(%dma_start3A_22 : memref<256xi32, #tpu.memory_space<hbm>>) target(%arg9 : memref<256xi32, #tpu.memory_space<vmem>>) target_semaphore(%arg16 : memref<!tpu.dma_semaphore, #tpu.memory_space<semaphore_mem>>)
      %dma_start3A_23 = tpu.memref_slice %arg3[%add3A_21] : memref<327680xi32, #tpu.memory_space<hbm>> -> memref<256xi32, #tpu.memory_space<hbm>>
      %dma_start3A_24 = tpu.memref_slice %arg3[%add3A_21] : memref<327680xi32, #tpu.memory_space<hbm>> -> memref<256xi32, #tpu.memory_space<hbm>>
      tpu.enqueue_dma source(%dma_start3A_24 : memref<256xi32, #tpu.memory_space<hbm>>) target(%arg10 : memref<256xi32, #tpu.memory_space<vmem>>) target_semaphore(%arg16 : memref<!tpu.dma_semaphore, #tpu.memory_space<semaphore_mem>>)
      %dma_start3A_25 = arith.constant 0 : i32
      %dma_start3A_26 = tpu.memref_slice %arg4[%add3A_21, %dma_start3A_25] : memref<327680x16xf32, #tpu.memory_space<hbm>> -> memref<256x16xf32, #tpu.memory_space<hbm>>
      %dma_start3A_27 = arith.constant 0 : i32
      %dma_start3A_28 = tpu.memref_slice %arg4[%add3A_21, %dma_start3A_27] : memref<327680x16xf32, #tpu.memory_space<hbm>> -> memref<256x16xf32, #tpu.memory_space<hbm>>
      tpu.enqueue_dma source(%dma_start3A_28 : memref<256x16xf32, #tpu.memory_space<hbm>>) target(%arg11 : memref<256x16xf32, #tpu.memory_space<vmem>>) target_semaphore(%arg16 : memref<!tpu.dma_semaphore, #tpu.memory_space<semaphore_mem>>)
      %dma_wait3A = tpu.memref_slice %arg2[%add3A_21] : memref<327680xi32, #tpu.memory_space<hbm>> -> memref<256xi32, #tpu.memory_space<hbm>>
      %dma_wait3A_29 = tpu.memref_slice %arg2[%add3A_21] : memref<327680xi32, #tpu.memory_space<hbm>> -> memref<256xi32, #tpu.memory_space<hbm>>
      tpu.wait_dma2 semaphore(%arg16 : memref<!tpu.dma_semaphore, #tpu.memory_space<semaphore_mem>>) src(%dma_wait3A_29 : memref<256xi32, #tpu.memory_space<hbm>>) dst(%arg9 : memref<256xi32, #tpu.memory_space<vmem>>)
      %dma_wait3A_30 = tpu.memref_slice %arg3[%add3A_21] : memref<327680xi32, #tpu.memory_space<hbm>> -> memref<256xi32, #tpu.memory_space<hbm>>
      %dma_wait3A_31 = tpu.memref_slice %arg3[%add3A_21] : memref<327680xi32, #tpu.memory_space<hbm>> -> memref<256xi32, #tpu.memory_space<hbm>>
      tpu.wait_dma2 semaphore(%arg16 : memref<!tpu.dma_semaphore, #tpu.memory_space<semaphore_mem>>) src(%dma_wait3A_31 : memref<256xi32, #tpu.memory_space<hbm>>) dst(%arg10 : memref<256xi32, #tpu.memory_space<vmem>>)
      %dma_wait3A_32 = arith.constant 0 : i32
      %dma_wait3A_33 = tpu.memref_slice %arg4[%add3A_21, %dma_wait3A_32] : memref<327680x16xf32, #tpu.memory_space<hbm>> -> memref<256x16xf32, #tpu.memory_space<hbm>>
      %dma_wait3A_34 = arith.constant 0 : i32
      %dma_wait3A_35 = tpu.memref_slice %arg4[%add3A_21, %dma_wait3A_34] : memref<327680x16xf32, #tpu.memory_space<hbm>> -> memref<256x16xf32, #tpu.memory_space<hbm>>
      tpu.wait_dma2 semaphore(%arg16 : memref<!tpu.dma_semaphore, #tpu.memory_space<semaphore_mem>>) src(%dma_wait3A_35 : memref<256x16xf32, #tpu.memory_space<hbm>>) dst(%arg11 : memref<256x16xf32, #tpu.memory_space<vmem>>)
      %dma_start3A_36 = arith.constant 0 : i32
      %dma_start3A_37 = arith.constant 0 : i32
      %dma_start3A_38 = tpu.memref_slice %arg5[%dma_start3A_36, %dma_start3A_37] : memref<10016x16xf32, #tpu.memory_space<hbm>> -> memref<10016x16xf32, #tpu.memory_space<hbm>>
      tpu.enqueue_indirect_dma source(%dma_start3A_38 : memref<10016x16xf32, #tpu.memory_space<hbm>>) target(%arg12 : memref<256x16xf32, #tpu.memory_space<vmem>>) offsets(%arg10 : memref<256xi32, #tpu.memory_space<vmem>>) semaphore(%arg16 : memref<!tpu.dma_semaphore, #tpu.memory_space<semaphore_mem>>)
      %dma_start3A_39 = arith.constant 0 : i32
      %dma_start3A_40 = arith.constant 0 : i32
      %dma_start3A_41 = tpu.memref_slice %arg6[%dma_start3A_39, %dma_start3A_40] : memref<10016x96xf32, #tpu.memory_space<hbm>> -> memref<10016x96xf32, #tpu.memory_space<hbm>>
      tpu.enqueue_indirect_dma source(%dma_start3A_41 : memref<10016x96xf32, #tpu.memory_space<hbm>>) target(%arg13 : memref<256x96xf32, #tpu.memory_space<vmem>>) offsets(%arg9 : memref<256xi32, #tpu.memory_space<vmem>>) semaphore(%arg16 : memref<!tpu.dma_semaphore, #tpu.memory_space<semaphore_mem>>)
      %dma_wait3A_42 = arith.constant 0 : i32
      %dma_wait3A_43 = arith.constant 0 : i32
      %dma_wait3A_44 = tpu.memref_slice %arg5[%dma_wait3A_42, %dma_wait3A_43] : memref<10016x16xf32, #tpu.memory_space<hbm>> -> memref<10016x16xf32, #tpu.memory_space<hbm>>
      tpu.wait_indirect_dma semaphore(%arg16 : memref<!tpu.dma_semaphore, #tpu.memory_space<semaphore_mem>>) src(%dma_wait3A_44 : memref<10016x16xf32, #tpu.memory_space<hbm>>) dst(%arg12 : memref<256x16xf32, #tpu.memory_space<vmem>>)
      %dma_wait3A_45 = arith.constant 0 : i32
      %dma_wait3A_46 = arith.constant 0 : i32
      %dma_wait3A_47 = tpu.memref_slice %arg6[%dma_wait3A_45, %dma_wait3A_46] : memref<10016x96xf32, #tpu.memory_space<hbm>> -> memref<10016x96xf32, #tpu.memory_space<hbm>>
      tpu.wait_indirect_dma semaphore(%arg16 : memref<!tpu.dma_semaphore, #tpu.memory_space<semaphore_mem>>) src(%dma_wait3A_47 : memref<10016x96xf32, #tpu.memory_space<hbm>>) dst(%arg13 : memref<256x96xf32, #tpu.memory_space<vmem>>)
      %scan3A_48 = arith.constant 0 : i32
      %scan3A_49 = arith.constant 0 : i32
      %scan3A_50 = arith.constant 256 : i32
      %scan3A_51 = arith.addi %scan3A_49, %scan3A_50 : i32
      %scan3A_52 = arith.constant 1 : i32
      %scan3A_53 = scf.for %scan3A_56 = %scan3A_49 to %scan3A_51 step %scan3A_52 iter_args(%scan3A_57 = %scan3A_48) -> (i32)  : i32 {
        %get3A = arith.index_cast %scan3A_56 : i32 to index
        %get3A_58 = arith.constant 0 : index
        %get3A_59 = tpu.vector_load %arg11[%get3A, %get3A_58] {strides = array<i32>} : memref<256x16xf32, #tpu.memory_space<vmem>>, vector<1x16xf32>,
        %get3A_60 = vector.shape_cast %get3A_59 : vector<1x16xf32> to vector<16xf32>
        %get3A_61 = arith.index_cast %scan3A_56 : i32 to index
        %get3A_62 = arith.constant 0 : index
        %get3A_63 = tpu.vector_load %arg12[%get3A_61, %get3A_62] {strides = array<i32>} : memref<256x16xf32, #tpu.memory_space<vmem>>, vector<1x16xf32>,
        %get3A_64 = vector.shape_cast %get3A_63 : vector<1x16xf32> to vector<16xf32>
        %mul3A_65 = arith.mulf %get3A_60, %get3A_64 : vector<16xf32>
        %slice3A = vector.extract_strided_slice %mul3A_65 {offsets = [0], sizes = [1], strides = [1]} : vector<16xf32> to vector<1xf32>
        %squeeze3A = vector.extract %slice3A[0] : f32 from vector<1xf32>
        %get3A_66 = arith.index_cast %scan3A_56 : i32 to index
        %get3A_67 = arith.constant 0 : index
        %get3A_68 = tpu.vector_load %arg13[%get3A_66, %get3A_67] {strides = array<i32>} : memref<256x96xf32, #tpu.memory_space<vmem>>, vector<1x16xf32>,
        %get3A_69 = vector.shape_cast %get3A_68 : vector<1x16xf32> to vector<16xf32>
        %mul3A_70 = vector.broadcast %squeeze3A : f32 to vector<16xf32>
        %mul3A_71 = arith.mulf %mul3A_70, %get3A_69 : vector<16xf32>
        %swap3A = arith.index_cast %scan3A_56 : i32 to index
        %swap3A_72 = arith.constant 0 : index
        %swap3A_73 = tpu.vector_load %arg14[%swap3A, %swap3A_72] {strides = array<i32>} : memref<256x96xf32, #tpu.memory_space<vmem>>, vector<1x16xf32>,
        %swap3A_74 = vector.shape_cast %swap3A_73 : vector<1x16xf32> to vector<16xf32>
        %swap3A_75 = vector.shape_cast %mul3A_71 : vector<16xf32> to vector<1x16xf32>
        tpu.vector_store %arg14[%swap3A, %swap3A_72], %swap3A_75 {strides = array<i32>} : memref<256x96xf32, #tpu.memory_space<vmem>>, vector<1x16xf32>,
        %slice3A_76 = vector.extract_strided_slice %mul3A_65 {offsets = [1], sizes = [1], strides = [1]} : vector<16xf32> to vector<1xf32>
        %squeeze3A_77 = vector.extract %slice3A_76[0] : f32 from vector<1xf32>
        %get3A_78 = arith.index_cast %scan3A_56 : i32 to index
        %get3A_79 = arith.constant 16 : index
        %get3A_80 = tpu.vector_load %arg13[%get3A_78, %get3A_79] {strides = array<i32>} : memref<256x96xf32, #tpu.memory_space<vmem>>, vector<1x16xf32>,
        %get3A_81 = vector.shape_cast %get3A_80 : vector<1x16xf32> to vector<16xf32>
        %mul3A_82 = vector.broadcast %squeeze3A_77 : f32 to vector<16xf32>
        %mul3A_83 = arith.mulf %mul3A_82, %get3A_81 : vector<16xf32>
        %swap3A_84 = arith.index_cast %scan3A_56 : i32 to index
        %swap3A_85 = arith.constant 16 : index
        %swap3A_86 = tpu.vector_load %arg14[%swap3A_84, %swap3A_85] {strides = array<i32>} : memref<256x96xf32, #tpu.memory_space<vmem>>, vector<1x16xf32>,
        %swap3A_87 = vector.shape_cast %swap3A_86 : vector<1x16xf32> to vector<16xf32>
        %swap3A_88 = vector.shape_cast %mul3A_83 : vector<16xf32> to vector<1x16xf32>
        tpu.vector_store %arg14[%swap3A_84, %swap3A_85], %swap3A_88 {strides = array<i32>} : memref<256x96xf32, #tpu.memory_space<vmem>>, vector<1x16xf32>,
        %slice3A_89 = vector.extract_strided_slice %mul3A_65 {offsets = [2], sizes = [1], strides = [1]} : vector<16xf32> to vector<1xf32>
        %squeeze3A_90 = vector.extract %slice3A_89[0] : f32 from vector<1xf32>
        %get3A_91 = arith.index_cast %scan3A_56 : i32 to index
        %get3A_92 = arith.constant 32 : index
        %get3A_93 = tpu.vector_load %arg13[%get3A_91, %get3A_92] {strides = array<i32>} : memref<256x96xf32, #tpu.memory_space<vmem>>, vector<1x16xf32>,
        %get3A_94 = vector.shape_cast %get3A_93 : vector<1x16xf32> to vector<16xf32>
        %mul3A_95 = vector.broadcast %squeeze3A_90 : f32 to vector<16xf32>
        %mul3A_96 = arith.mulf %mul3A_95, %get3A_94 : vector<16xf32>
        %swap3A_97 = arith.index_cast %scan3A_56 : i32 to index
        %swap3A_98 = arith.constant 32 : index
        %swap3A_99 = tpu.vector_load %arg14[%swap3A_97, %swap3A_98] {strides = array<i32>} : memref<256x96xf32, #tpu.memory_space<vmem>>, vector<1x16xf32>,
        %swap3A_100 = vector.shape_cast %swap3A_99 : vector<1x16xf32> to vector<16xf32>
        %swap3A_101 = vector.shape_cast %mul3A_96 : vector<16xf32> to vector<1x16xf32>
        tpu.vector_store %arg14[%swap3A_97, %swap3A_98], %swap3A_101 {strides = array<i32>} : memref<256x96xf32, #tpu.memory_space<vmem>>, vector<1x16xf32>,
        %slice3A_102 = vector.extract_strided_slice %mul3A_65 {offsets = [3], sizes = [1], strides = [1]} : vector<16xf32> to vector<1xf32>
        %squeeze3A_103 = vector.extract %slice3A_102[0] : f32 from vector<1xf32>
        %get3A_104 = arith.index_cast %scan3A_56 : i32 to index
        %get3A_105 = arith.constant 48 : index
        %get3A_106 = tpu.vector_load %arg13[%get3A_104, %get3A_105] {strides = array<i32>} : memref<256x96xf32, #tpu.memory_space<vmem>>, vector<1x16xf32>,
        %get3A_107 = vector.shape_cast %get3A_106 : vector<1x16xf32> to vector<16xf32>
        %mul3A_108 = vector.broadcast %squeeze3A_103 : f32 to vector<16xf32>
        %mul3A_109 = arith.mulf %mul3A_108, %get3A_107 : vector<16xf32>
        %swap3A_110 = arith.index_cast %scan3A_56 : i32 to index
        %swap3A_111 = arith.constant 48 : index
        %swap3A_112 = tpu.vector_load %arg14[%swap3A_110, %swap3A_111] {strides = array<i32>} : memref<256x96xf32, #tpu.memory_space<vmem>>, vector<1x16xf32>,
        %swap3A_113 = vector.shape_cast %swap3A_112 : vector<1x16xf32> to vector<16xf32>
        %swap3A_114 = vector.shape_cast %mul3A_109 : vector<16xf32> to vector<1x16xf32>
        tpu.vector_store %arg14[%swap3A_110, %swap3A_111], %swap3A_114 {strides = array<i32>} : memref<256x96xf32, #tpu.memory_space<vmem>>, vector<1x16xf32>,
        %slice3A_115 = vector.extract_strided_slice %mul3A_65 {offsets = [4], sizes = [1], strides = [1]} : vector<16xf32> to vector<1xf32>
        %squeeze3A_116 = vector.extract %slice3A_115[0] : f32 from vector<1xf32>
        %get3A_117 = arith.index_cast %scan3A_56 : i32 to index
        %get3A_118 = arith.constant 64 : index
        %get3A_119 = tpu.vector_load %arg13[%get3A_117, %get3A_118] {strides = array<i32>} : memref<256x96xf32, #tpu.memory_space<vmem>>, vector<1x16xf32>,
        %get3A_120 = vector.shape_cast %get3A_119 : vector<1x16xf32> to vector<16xf32>
        %mul3A_121 = vector.broadcast %squeeze3A_116 : f32 to vector<16xf32>
        %mul3A_122 = arith.mulf %mul3A_121, %get3A_120 : vector<16xf32>
        %swap3A_123 = arith.index_cast %scan3A_56 : i32 to index
        %swap3A_124 = arith.constant 64 : index
        %swap3A_125 = tpu.vector_load %arg14[%swap3A_123, %swap3A_124] {strides = array<i32>} : memref<256x96xf32, #tpu.memory_space<vmem>>, vector<1x16xf32>,
        %swap3A_126 = vector.shape_cast %swap3A_125 : vector<1x16xf32> to vector<16xf32>
        %swap3A_127 = vector.shape_cast %mul3A_122 : vector<16xf32> to vector<1x16xf32>
        tpu.vector_store %arg14[%swap3A_123, %swap3A_124], %swap3A_127 {strides = array<i32>} : memref<256x96xf32, #tpu.memory_space<vmem>>, vector<1x16xf32>,
        %slice3A_128 = vector.extract_strided_slice %mul3A_65 {offsets = [5], sizes = [1], strides = [1]} : vector<16xf32> to vector<1xf32>
        %squeeze3A_129 = vector.extract %slice3A_128[0] : f32 from vector<1xf32>
        %get3A_130 = arith.index_cast %scan3A_56 : i32 to index
        %get3A_131 = arith.constant 80 : index
        %get3A_132 = tpu.vector_load %arg13[%get3A_130, %get3A_131] {strides = array<i32>} : memref<256x96xf32, #tpu.memory_space<vmem>>, vector<1x16xf32>,
        %get3A_133 = vector.shape_cast %get3A_132 : vector<1x16xf32> to vector<16xf32>
        %mul3A_134 = vector.broadcast %squeeze3A_129 : f32 to vector<16xf32>
        %mul3A_135 = arith.mulf %mul3A_134, %get3A_133 : vector<16xf32>
        %swap3A_136 = arith.index_cast %scan3A_56 : i32 to index
        %swap3A_137 = arith.constant 80 : index
        %swap3A_138 = tpu.vector_load %arg14[%swap3A_136, %swap3A_137] {strides = array<i32>} : memref<256x96xf32, #tpu.memory_space<vmem>>, vector<1x16xf32>,
        %swap3A_139 = vector.shape_cast %swap3A_138 : vector<1x16xf32> to vector<16xf32>
        %swap3A_140 = vector.shape_cast %mul3A_135 : vector<16xf32> to vector<1x16xf32>
        tpu.vector_store %arg14[%swap3A_136, %swap3A_137], %swap3A_140 {strides = array<i32>} : memref<256x96xf32, #tpu.memory_space<vmem>>, vector<1x16xf32>,
        %scan3A_141 = arith.constant 0 : i32
        scf.yield %scan3A_141 : i32
      }
      %scan3A_54 = arith.constant 256 : i32
      "tpu.region"() ({
        %run_scoped3A = tpu.sem_alloc : memref<!tpu.dma_semaphore, #tpu.memory_space<semaphore_mem>>
        %dma_start3A_56 = arith.constant 0 : i32
        %dma_start3A_57 = arith.constant 0 : i32
        %dma_start3A_58 = tpu.memref_slice %arg15[%dma_start3A_56, %dma_start3A_57] : memref<10016x96xf32, #tpu.memory_space<vmem_shared>> -> memref<10016x96xf32, #tpu.memory_space<vmem_shared>>
        tpu.enqueue_indirect_dma source(%arg14 : memref<256x96xf32, #tpu.memory_space<vmem>>) target(%dma_start3A_58 : memref<10016x96xf32, #tpu.memory_space<vmem_shared>>) offsets(%arg10 : memref<256xi32, #tpu.memory_space<vmem>>) semaphore(%run_scoped3A : memref<!tpu.dma_semaphore, #tpu.memory_space<semaphore_mem>>) {add = true}
        %dma_wait3A_59 = arith.constant 0 : i32
        %dma_wait3A_60 = arith.constant 0 : i32
        %dma_wait3A_61 = tpu.memref_slice %arg15[%dma_wait3A_59, %dma_wait3A_60] : memref<10016x96xf32, #tpu.memory_space<vmem_shared>> -> memref<10016x96xf32, #tpu.memory_space<vmem_shared>>
        tpu.wait_indirect_dma semaphore(%run_scoped3A : memref<!tpu.dma_semaphore, #tpu.memory_space<semaphore_mem>>) src(%arg14 : memref<256x96xf32, #tpu.memory_space<vmem>>) dst(%dma_wait3A_61 : memref<10016x96xf32, #tpu.memory_space<vmem_shared>>)
        tpu.yield
      }) : () -> ()
      %scan3A_55 = arith.constant 0 : i32
      scf.yield %scan3A_55 : i32
    }
    %scan3A_8 = arith.constant 40 : i32
    %barrier3A_9 = arith.constant 0 : index
    tpu.barrier barrier_id(%barrier3A_9)
    %eq3A_10 = arith.constant 0 : i32
    %eq3A_11 = arith.cmpi eq, %arg1, %eq3A_10 : i32
    %convert_element_type3A_12 = arith.extui %eq3A_11 : i1 to i32
    %cond3A_13 = arith.constant 0 : i32
    %cond3A_14 = arith.cmpi ne, %convert_element_type3A_12, %cond3A_13 : i32
    scf.if %cond3A_14 {
      "tpu.region"() ({
        %run_scoped3A = tpu.sem_alloc : memref<!tpu.dma_semaphore, #tpu.memory_space<semaphore_mem>>
        %dma_start3A = arith.constant 0 : i32
        %dma_start3A_15 = arith.constant 0 : i32
        %dma_start3A_16 = tpu.memref_slice %arg8[%arg0, %dma_start3A, %dma_start3A_15] : memref<2x10016x96xf32, #tpu.memory_space<hbm>> -> memref<1x10016x96xf32, #tpu.memory_space<hbm>>
        %dma_start3A_17 = tpu.memref_squeeze %dma_start3A_16 : memref<1x10016x96xf32, #tpu.memory_space<hbm>> -> memref<10016x96xf32, #tpu.memory_space<hbm>>
        tpu.enqueue_dma source(%arg15 : memref<10016x96xf32, #tpu.memory_space<vmem_shared>>) target(%dma_start3A_17 : memref<10016x96xf32, #tpu.memory_space<hbm>>) target_semaphore(%run_scoped3A : memref<!tpu.dma_semaphore, #tpu.memory_space<semaphore_mem>>)
        %dma_wait3A = arith.constant 0 : i32
        %dma_wait3A_18 = arith.constant 0 : i32
        %dma_wait3A_19 = tpu.memref_slice %arg8[%arg0, %dma_wait3A, %dma_wait3A_18] : memref<2x10016x96xf32, #tpu.memory_space<hbm>> -> memref<1x10016x96xf32, #tpu.memory_space<hbm>>
        %dma_wait3A_20 = tpu.memref_squeeze %dma_wait3A_19 : memref<1x10016x96xf32, #tpu.memory_space<hbm>> -> memref<10016x96xf32, #tpu.memory_space<hbm>>
        tpu.wait_dma2 semaphore(%run_scoped3A : memref<!tpu.dma_semaphore, #tpu.memory_space<semaphore_mem>>) src(%arg15 : memref<10016x96xf32, #tpu.memory_space<vmem_shared>>) dst(%dma_wait3A_20 : memref<10016x96xf32, #tpu.memory_space<hbm>>)
        tpu.yield
      }) : () -> ()
    } else {
    }
    return
  }
}

#map = affine_map<(d0, d1) -> (0)>
#map1 = affine_map<(d0, d1) -> (0, 0)>
#map2 = affine_map<(d0, d1) -> (0, 0, 0)>
module attributes {stable_mosaic.version = 14 : i64} {
  func.func @_sc_pass_a(%arg0: i32, %arg1: i32, %arg2: memref<327680xi32, #tpu.memory_space<hbm>>, %arg3: memref<327680xi32, #tpu.memory_space<hbm>>, %arg4: memref<327680xi32, #tpu.memory_space<hbm>>, %arg5: memref<10016x16xf32, #tpu.memory_space<hbm>>, %arg6: memref<10016x16xf32, #tpu.memory_space<hbm>>, %arg7: memref<6x16xf32, #tpu.memory_space<hbm>>, %arg8: memref<10016x16xf32, #tpu.memory_space<hbm>>, %arg9: memref<2x10016x16xf32, #tpu.memory_space<hbm>>, %arg10: memref<327680x16xf32, #tpu.memory_space<hbm>>, %arg11: memref<512xi32, #tpu.memory_space<vmem>>, %arg12: memref<512xi32, #tpu.memory_space<vmem>>, %arg13: memref<512xi32, #tpu.memory_space<vmem>>, %arg14: memref<512x16xf32, #tpu.memory_space<vmem>>, %arg15: memref<512x16xf32, #tpu.memory_space<vmem>>, %arg16: memref<512x16xf32, #tpu.memory_space<vmem>>, %arg17: memref<512x16xf32, #tpu.memory_space<vmem>>, %arg18: memref<10016x16xf32, #tpu.memory_space<vmem_shared>>, %arg19: memref<!tpu.dma_semaphore, #tpu.memory_space<semaphore_mem>>) attributes {dimension_semantics = [#tpu.dimension_semantics<core_parallel>, #tpu.dimension_semantics<subcore_parallel>], iteration_bounds = array<i64: 2, 16>, scalar_prefetch = 0 : i64, scratch_operands = 9 : i64, tpu.core_type = #tpu.core_type<sc_vector_subcore>, window_params = [{transform_indices = #map}, {transform_indices = #map}, {transform_indices = #map}, {transform_indices = #map1}, {transform_indices = #map1}, {transform_indices = #map1}, {transform_indices = #map1}, {transform_indices = #map2}, {transform_indices = #map1}]} {
    %mul3A = arith.constant 16 : i32
    %mul3A_0 = arith.muli %arg0, %mul3A : i32
    %add3A = arith.addi %mul3A_0, %arg1 : i32
    %eq3A = arith.constant 0 : i32
    %eq3A_1 = arith.cmpi eq, %arg1, %eq3A : i32
    %convert_element_type3A = arith.extui %eq3A_1 : i1 to i32
    %cond3A = arith.constant 0 : i32
    %cond3A_2 = arith.cmpi ne, %convert_element_type3A, %cond3A : i32
    scf.if %cond3A_2 {
      "tpu.region"() ({
        %run_scoped3A = tpu.sem_alloc : memref<!tpu.dma_semaphore, #tpu.memory_space<semaphore_mem>>
        tpu.enqueue_dma source(%arg8 : memref<10016x16xf32, #tpu.memory_space<hbm>>) target(%arg18 : memref<10016x16xf32, #tpu.memory_space<vmem_shared>>) target_semaphore(%run_scoped3A : memref<!tpu.dma_semaphore, #tpu.memory_space<semaphore_mem>>)
        tpu.wait_dma2 semaphore(%run_scoped3A : memref<!tpu.dma_semaphore, #tpu.memory_space<semaphore_mem>>) src(%arg8 : memref<10016x16xf32, #tpu.memory_space<hbm>>) dst(%arg18 : memref<10016x16xf32, #tpu.memory_space<vmem_shared>>)
        tpu.yield
      }) : () -> ()
    } else {
    }
    %barrier3A = arith.constant 0 : index
    tpu.barrier barrier_id(%barrier3A)
    %scan3A = arith.constant 0 : i32
    %scan3A_3 = arith.constant 0 : i32
    %scan3A_4 = arith.constant 20 : i32
    %scan3A_5 = arith.addi %scan3A_3, %scan3A_4 : i32
    %scan3A_6 = arith.constant 1 : i32
    %scan3A_7 = scf.for %scan3A_15 = %scan3A_3 to %scan3A_5 step %scan3A_6 iter_args(%scan3A_16 = %scan3A) -> (i32)  : i32 {
      %mul3A_17 = arith.constant 10240 : i32
      %mul3A_18 = arith.muli %add3A, %mul3A_17 : i32
      %mul3A_19 = arith.constant 512 : i32
      %mul3A_20 = arith.muli %scan3A_15, %mul3A_19 : i32
      %add3A_21 = arith.addi %mul3A_18, %mul3A_20 : i32
      %dma_start3A = tpu.memref_slice %arg2[%add3A_21] : memref<327680xi32, #tpu.memory_space<hbm>> -> memref<512xi32, #tpu.memory_space<hbm>>
      %dma_start3A_22 = tpu.memref_slice %arg2[%add3A_21] : memref<327680xi32, #tpu.memory_space<hbm>> -> memref<512xi32, #tpu.memory_space<hbm>>
      tpu.enqueue_dma source(%dma_start3A_22 : memref<512xi32, #tpu.memory_space<hbm>>) target(%arg11 : memref<512xi32, #tpu.memory_space<vmem>>) target_semaphore(%arg19 : memref<!tpu.dma_semaphore, #tpu.memory_space<semaphore_mem>>)
      %dma_start3A_23 = tpu.memref_slice %arg3[%add3A_21] : memref<327680xi32, #tpu.memory_space<hbm>> -> memref<512xi32, #tpu.memory_space<hbm>>
      %dma_start3A_24 = tpu.memref_slice %arg3[%add3A_21] : memref<327680xi32, #tpu.memory_space<hbm>> -> memref<512xi32, #tpu.memory_space<hbm>>
      tpu.enqueue_dma source(%dma_start3A_24 : memref<512xi32, #tpu.memory_space<hbm>>) target(%arg12 : memref<512xi32, #tpu.memory_space<vmem>>) target_semaphore(%arg19 : memref<!tpu.dma_semaphore, #tpu.memory_space<semaphore_mem>>)
      %dma_start3A_25 = tpu.memref_slice %arg4[%add3A_21] : memref<327680xi32, #tpu.memory_space<hbm>> -> memref<512xi32, #tpu.memory_space<hbm>>
      %dma_start3A_26 = tpu.memref_slice %arg4[%add3A_21] : memref<327680xi32, #tpu.memory_space<hbm>> -> memref<512xi32, #tpu.memory_space<hbm>>
      tpu.enqueue_dma source(%dma_start3A_26 : memref<512xi32, #tpu.memory_space<hbm>>) target(%arg13 : memref<512xi32, #tpu.memory_space<vmem>>) target_semaphore(%arg19 : memref<!tpu.dma_semaphore, #tpu.memory_space<semaphore_mem>>)
      %dma_wait3A = tpu.memref_slice %arg2[%add3A_21] : memref<327680xi32, #tpu.memory_space<hbm>> -> memref<512xi32, #tpu.memory_space<hbm>>
      %dma_wait3A_27 = tpu.memref_slice %arg2[%add3A_21] : memref<327680xi32, #tpu.memory_space<hbm>> -> memref<512xi32, #tpu.memory_space<hbm>>
      tpu.wait_dma2 semaphore(%arg19 : memref<!tpu.dma_semaphore, #tpu.memory_space<semaphore_mem>>) src(%dma_wait3A_27 : memref<512xi32, #tpu.memory_space<hbm>>) dst(%arg11 : memref<512xi32, #tpu.memory_space<vmem>>)
      %dma_wait3A_28 = tpu.memref_slice %arg3[%add3A_21] : memref<327680xi32, #tpu.memory_space<hbm>> -> memref<512xi32, #tpu.memory_space<hbm>>
      %dma_wait3A_29 = tpu.memref_slice %arg3[%add3A_21] : memref<327680xi32, #tpu.memory_space<hbm>> -> memref<512xi32, #tpu.memory_space<hbm>>
      tpu.wait_dma2 semaphore(%arg19 : memref<!tpu.dma_semaphore, #tpu.memory_space<semaphore_mem>>) src(%dma_wait3A_29 : memref<512xi32, #tpu.memory_space<hbm>>) dst(%arg12 : memref<512xi32, #tpu.memory_space<vmem>>)
      %dma_wait3A_30 = tpu.memref_slice %arg4[%add3A_21] : memref<327680xi32, #tpu.memory_space<hbm>> -> memref<512xi32, #tpu.memory_space<hbm>>
      %dma_wait3A_31 = tpu.memref_slice %arg4[%add3A_21] : memref<327680xi32, #tpu.memory_space<hbm>> -> memref<512xi32, #tpu.memory_space<hbm>>
      tpu.wait_dma2 semaphore(%arg19 : memref<!tpu.dma_semaphore, #tpu.memory_space<semaphore_mem>>) src(%dma_wait3A_31 : memref<512xi32, #tpu.memory_space<hbm>>) dst(%arg13 : memref<512xi32, #tpu.memory_space<vmem>>)
      %dma_start3A_32 = arith.constant 0 : i32
      %dma_start3A_33 = arith.constant 0 : i32
      %dma_start3A_34 = tpu.memref_slice %arg5[%dma_start3A_32, %dma_start3A_33] : memref<10016x16xf32, #tpu.memory_space<hbm>> -> memref<10016x16xf32, #tpu.memory_space<hbm>>
      tpu.enqueue_indirect_dma source(%dma_start3A_34 : memref<10016x16xf32, #tpu.memory_space<hbm>>) target(%arg14 : memref<512x16xf32, #tpu.memory_space<vmem>>) offsets(%arg11 : memref<512xi32, #tpu.memory_space<vmem>>) semaphore(%arg19 : memref<!tpu.dma_semaphore, #tpu.memory_space<semaphore_mem>>)
      %dma_start3A_35 = arith.constant 0 : i32
      %dma_start3A_36 = arith.constant 0 : i32
      %dma_start3A_37 = tpu.memref_slice %arg6[%dma_start3A_35, %dma_start3A_36] : memref<10016x16xf32, #tpu.memory_space<hbm>> -> memref<10016x16xf32, #tpu.memory_space<hbm>>
      tpu.enqueue_indirect_dma source(%dma_start3A_37 : memref<10016x16xf32, #tpu.memory_space<hbm>>) target(%arg15 : memref<512x16xf32, #tpu.memory_space<vmem>>) offsets(%arg12 : memref<512xi32, #tpu.memory_space<vmem>>) semaphore(%arg19 : memref<!tpu.dma_semaphore, #tpu.memory_space<semaphore_mem>>)
      %dma_start3A_38 = arith.constant 0 : i32
      %dma_start3A_39 = arith.constant 0 : i32
      %dma_start3A_40 = tpu.memref_slice %arg7[%dma_start3A_38, %dma_start3A_39] : memref<6x16xf32, #tpu.memory_space<hbm>> -> memref<6x16xf32, #tpu.memory_space<hbm>>
      tpu.enqueue_indirect_dma source(%dma_start3A_40 : memref<6x16xf32, #tpu.memory_space<hbm>>) target(%arg16 : memref<512x16xf32, #tpu.memory_space<vmem>>) offsets(%arg13 : memref<512xi32, #tpu.memory_space<vmem>>) semaphore(%arg19 : memref<!tpu.dma_semaphore, #tpu.memory_space<semaphore_mem>>)
      %dma_wait3A_41 = arith.constant 0 : i32
      %dma_wait3A_42 = arith.constant 0 : i32
      %dma_wait3A_43 = tpu.memref_slice %arg5[%dma_wait3A_41, %dma_wait3A_42] : memref<10016x16xf32, #tpu.memory_space<hbm>> -> memref<10016x16xf32, #tpu.memory_space<hbm>>
      tpu.wait_indirect_dma semaphore(%arg19 : memref<!tpu.dma_semaphore, #tpu.memory_space<semaphore_mem>>) src(%dma_wait3A_43 : memref<10016x16xf32, #tpu.memory_space<hbm>>) dst(%arg14 : memref<512x16xf32, #tpu.memory_space<vmem>>)
      %dma_wait3A_44 = arith.constant 0 : i32
      %dma_wait3A_45 = arith.constant 0 : i32
      %dma_wait3A_46 = tpu.memref_slice %arg6[%dma_wait3A_44, %dma_wait3A_45] : memref<10016x16xf32, #tpu.memory_space<hbm>> -> memref<10016x16xf32, #tpu.memory_space<hbm>>
      tpu.wait_indirect_dma semaphore(%arg19 : memref<!tpu.dma_semaphore, #tpu.memory_space<semaphore_mem>>) src(%dma_wait3A_46 : memref<10016x16xf32, #tpu.memory_space<hbm>>) dst(%arg15 : memref<512x16xf32, #tpu.memory_space<vmem>>)
      %dma_wait3A_47 = arith.constant 0 : i32
      %dma_wait3A_48 = arith.constant 0 : i32
      %dma_wait3A_49 = tpu.memref_slice %arg7[%dma_wait3A_47, %dma_wait3A_48] : memref<6x16xf32, #tpu.memory_space<hbm>> -> memref<6x16xf32, #tpu.memory_space<hbm>>
      tpu.wait_indirect_dma semaphore(%arg19 : memref<!tpu.dma_semaphore, #tpu.memory_space<semaphore_mem>>) src(%dma_wait3A_49 : memref<6x16xf32, #tpu.memory_space<hbm>>) dst(%arg16 : memref<512x16xf32, #tpu.memory_space<vmem>>)
      %scan3A_50 = arith.constant 0 : i32
      %scan3A_51 = arith.constant 0 : i32
      %scan3A_52 = arith.constant 512 : i32
      %scan3A_53 = arith.addi %scan3A_51, %scan3A_52 : i32
      %scan3A_54 = arith.constant 1 : i32
      %scan3A_55 = scf.for %scan3A_58 = %scan3A_51 to %scan3A_53 step %scan3A_54 iter_args(%scan3A_59 = %scan3A_50) -> (i32)  : i32 {
        %get3A = arith.index_cast %scan3A_58 : i32 to index
        %get3A_60 = arith.constant 0 : index
        %get3A_61 = tpu.vector_load %arg14[%get3A, %get3A_60] {strides = array<i32>} : memref<512x16xf32, #tpu.memory_space<vmem>>, vector<1x16xf32>,
        %get3A_62 = vector.shape_cast %get3A_61 : vector<1x16xf32> to vector<16xf32>
        %get3A_63 = arith.index_cast %scan3A_58 : i32 to index
        %get3A_64 = arith.constant 0 : index
        %get3A_65 = tpu.vector_load %arg15[%get3A_63, %get3A_64] {strides = array<i32>} : memref<512x16xf32, #tpu.memory_space<vmem>>, vector<1x16xf32>,
        %get3A_66 = vector.shape_cast %get3A_65 : vector<1x16xf32> to vector<16xf32>
        %add3A_67 = arith.addf %get3A_62, %get3A_66 : vector<16xf32>
        %get3A_68 = arith.index_cast %scan3A_58 : i32 to index
        %get3A_69 = arith.constant 0 : index
        %get3A_70 = tpu.vector_load %arg16[%get3A_68, %get3A_69] {strides = array<i32>} : memref<512x16xf32, #tpu.memory_space<vmem>>, vector<1x16xf32>,
        %get3A_71 = vector.shape_cast %get3A_70 : vector<1x16xf32> to vector<16xf32>
        %add3A_72 = arith.addf %add3A_67, %get3A_71 : vector<16xf32>
        %mul3A_73 = arith.constant 2.000000e-01 : f32
        %mul3A_74 = vector.broadcast %mul3A_73 : f32 to vector<16xf32>
        %mul3A_75 = arith.mulf %mul3A_74, %add3A_72 : vector<16xf32>
        %max3A = arith.maximumf %add3A_72, %mul3A_75 : vector<16xf32>
        %exp3A = math.exp %max3A : vector<16xf32>
        %swap3A = arith.index_cast %scan3A_58 : i32 to index
        %swap3A_76 = arith.constant 0 : index
        %swap3A_77 = tpu.vector_load %arg17[%swap3A, %swap3A_76] {strides = array<i32>} : memref<512x16xf32, #tpu.memory_space<vmem>>, vector<1x16xf32>,
        %swap3A_78 = vector.shape_cast %swap3A_77 : vector<1x16xf32> to vector<16xf32>
        %swap3A_79 = vector.shape_cast %exp3A : vector<16xf32> to vector<1x16xf32>
        tpu.vector_store %arg17[%swap3A, %swap3A_76], %swap3A_79 {strides = array<i32>} : memref<512x16xf32, #tpu.memory_space<vmem>>, vector<1x16xf32>,
        %scan3A_80 = arith.constant 0 : i32
        scf.yield %scan3A_80 : i32
      }
      %scan3A_56 = arith.constant 512 : i32
      "tpu.region"() ({
        %run_scoped3A = tpu.sem_alloc : memref<!tpu.dma_semaphore, #tpu.memory_space<semaphore_mem>>
        %dma_start3A_58 = arith.constant 0 : i32
        %dma_start3A_59 = arith.constant 0 : i32
        %dma_start3A_60 = tpu.memref_slice %arg18[%dma_start3A_58, %dma_start3A_59] : memref<10016x16xf32, #tpu.memory_space<vmem_shared>> -> memref<10016x16xf32, #tpu.memory_space<vmem_shared>>
        tpu.enqueue_indirect_dma source(%arg17 : memref<512x16xf32, #tpu.memory_space<vmem>>) target(%dma_start3A_60 : memref<10016x16xf32, #tpu.memory_space<vmem_shared>>) offsets(%arg12 : memref<512xi32, #tpu.memory_space<vmem>>) semaphore(%run_scoped3A : memref<!tpu.dma_semaphore, #tpu.memory_space<semaphore_mem>>) {add = true}
        %dma_wait3A_61 = arith.constant 0 : i32
        %dma_wait3A_62 = arith.constant 0 : i32
        %dma_wait3A_63 = tpu.memref_slice %arg18[%dma_wait3A_61, %dma_wait3A_62] : memref<10016x16xf32, #tpu.memory_space<vmem_shared>> -> memref<10016x16xf32, #tpu.memory_space<vmem_shared>>
        tpu.wait_indirect_dma semaphore(%run_scoped3A : memref<!tpu.dma_semaphore, #tpu.memory_space<semaphore_mem>>) src(%arg17 : memref<512x16xf32, #tpu.memory_space<vmem>>) dst(%dma_wait3A_63 : memref<10016x16xf32, #tpu.memory_space<vmem_shared>>)
        tpu.yield
      }) : () -> ()
      "tpu.region"() ({
        %run_scoped3A = tpu.sem_alloc : memref<!tpu.dma_semaphore, #tpu.memory_space<semaphore_mem>>
        %dma_start3A_58 = arith.constant 0 : i32
        %dma_start3A_59 = tpu.memref_slice %arg10[%add3A_21, %dma_start3A_58] : memref<327680x16xf32, #tpu.memory_space<hbm>> -> memref<512x16xf32, #tpu.memory_space<hbm>>
        %dma_start3A_60 = arith.constant 0 : i32
        %dma_start3A_61 = tpu.memref_slice %arg10[%add3A_21, %dma_start3A_60] : memref<327680x16xf32, #tpu.memory_space<hbm>> -> memref<512x16xf32, #tpu.memory_space<hbm>>
        tpu.enqueue_dma source(%arg17 : memref<512x16xf32, #tpu.memory_space<vmem>>) target(%dma_start3A_61 : memref<512x16xf32, #tpu.memory_space<hbm>>) target_semaphore(%run_scoped3A : memref<!tpu.dma_semaphore, #tpu.memory_space<semaphore_mem>>)
        %dma_wait3A_62 = arith.constant 0 : i32
        %dma_wait3A_63 = tpu.memref_slice %arg10[%add3A_21, %dma_wait3A_62] : memref<327680x16xf32, #tpu.memory_space<hbm>> -> memref<512x16xf32, #tpu.memory_space<hbm>>
        %dma_wait3A_64 = arith.constant 0 : i32
        %dma_wait3A_65 = tpu.memref_slice %arg10[%add3A_21, %dma_wait3A_64] : memref<327680x16xf32, #tpu.memory_space<hbm>> -> memref<512x16xf32, #tpu.memory_space<hbm>>
        tpu.wait_dma2 semaphore(%run_scoped3A : memref<!tpu.dma_semaphore, #tpu.memory_space<semaphore_mem>>) src(%arg17 : memref<512x16xf32, #tpu.memory_space<vmem>>) dst(%dma_wait3A_65 : memref<512x16xf32, #tpu.memory_space<hbm>>)
        tpu.yield
      }) : () -> ()
      %scan3A_57 = arith.constant 0 : i32
      scf.yield %scan3A_57 : i32
    }
    %scan3A_8 = arith.constant 20 : i32
    %barrier3A_9 = arith.constant 0 : index
    tpu.barrier barrier_id(%barrier3A_9)
    %eq3A_10 = arith.constant 0 : i32
    %eq3A_11 = arith.cmpi eq, %arg1, %eq3A_10 : i32
    %convert_element_type3A_12 = arith.extui %eq3A_11 : i1 to i32
    %cond3A_13 = arith.constant 0 : i32
    %cond3A_14 = arith.cmpi ne, %convert_element_type3A_12, %cond3A_13 : i32
    scf.if %cond3A_14 {
      "tpu.region"() ({
        %run_scoped3A = tpu.sem_alloc : memref<!tpu.dma_semaphore, #tpu.memory_space<semaphore_mem>>
        %dma_start3A = arith.constant 0 : i32
        %dma_start3A_15 = arith.constant 0 : i32
        %dma_start3A_16 = tpu.memref_slice %arg9[%arg0, %dma_start3A, %dma_start3A_15] : memref<2x10016x16xf32, #tpu.memory_space<hbm>> -> memref<1x10016x16xf32, #tpu.memory_space<hbm>>
        %dma_start3A_17 = tpu.memref_squeeze %dma_start3A_16 : memref<1x10016x16xf32, #tpu.memory_space<hbm>> -> memref<10016x16xf32, #tpu.memory_space<hbm>>
        tpu.enqueue_dma source(%arg18 : memref<10016x16xf32, #tpu.memory_space<vmem_shared>>) target(%dma_start3A_17 : memref<10016x16xf32, #tpu.memory_space<hbm>>) target_semaphore(%run_scoped3A : memref<!tpu.dma_semaphore, #tpu.memory_space<semaphore_mem>>)
        %dma_wait3A = arith.constant 0 : i32
        %dma_wait3A_18 = arith.constant 0 : i32
        %dma_wait3A_19 = tpu.memref_slice %arg9[%arg0, %dma_wait3A, %dma_wait3A_18] : memref<2x10016x16xf32, #tpu.memory_space<hbm>> -> memref<1x10016x16xf32, #tpu.memory_space<hbm>>
        %dma_wait3A_20 = tpu.memref_squeeze %dma_wait3A_19 : memref<1x10016x16xf32, #tpu.memory_space<hbm>> -> memref<10016x16xf32, #tpu.memory_space<hbm>>
        tpu.wait_dma2 semaphore(%run_scoped3A : memref<!tpu.dma_semaphore, #tpu.memory_space<semaphore_mem>>) src(%arg18 : memref<10016x16xf32, #tpu.memory_space<vmem_shared>>) dst(%dma_wait3A_20 : memref<10016x16xf32, #tpu.memory_space<hbm>>)
        tpu.yield
      }) : () -> ()
    } else {
    }
    return
  }
}

#map = affine_map<(d0, d1) -> (0)>
#map1 = affine_map<(d0, d1) -> (0, 0)>
#map2 = affine_map<(d0, d1) -> (0, 0, 0)>
module attributes {stable_mosaic.version = 14 : i64} {
  func.func @_sc_pass_b_mean(%arg0: i32, %arg1: i32, %arg2: memref<327680xi32, #tpu.memory_space<hbm>>, %arg3: memref<327680xi32, #tpu.memory_space<hbm>>, %arg4: memref<327680x16xf32, #tpu.memory_space<hbm>>, %arg5: memref<10016x16xf32, #tpu.memory_space<hbm>>, %arg6: memref<10016x384xf32, #tpu.memory_space<hbm>>, %arg7: memref<10016x384xf32, #tpu.memory_space<hbm>>, %arg8: memref<10016x128xf32, #tpu.memory_space<hbm>>, %arg9: memref<2x10016x128xf32, #tpu.memory_space<hbm>>, %arg10: memref<32xi32, #tpu.memory_space<vmem>>, %arg11: memref<32xi32, #tpu.memory_space<vmem>>, %arg12: memref<32x16xf32, #tpu.memory_space<vmem>>, %arg13: memref<32x16xf32, #tpu.memory_space<vmem>>, %arg14: memref<32x384xf32, #tpu.memory_space<vmem>>, %arg15: memref<32x384xf32, #tpu.memory_space<vmem>>, %arg16: memref<32x128xf32, #tpu.memory_space<vmem>>, %arg17: memref<10016x128xf32, #tpu.memory_space<vmem_shared>>, %arg18: memref<!tpu.dma_semaphore, #tpu.memory_space<semaphore_mem>>) attributes {dimension_semantics = [#tpu.dimension_semantics<core_parallel>, #tpu.dimension_semantics<subcore_parallel>], iteration_bounds = array<i64: 2, 16>, scalar_prefetch = 0 : i64, scratch_operands = 9 : i64, tpu.core_type = #tpu.core_type<sc_vector_subcore>, window_params = [{transform_indices = #map}, {transform_indices = #map}, {transform_indices = #map1}, {transform_indices = #map1}, {transform_indices = #map1}, {transform_indices = #map1}, {transform_indices = #map1}, {transform_indices = #map2}]} {
    %mul3A = arith.constant 16 : i32
    %mul3A_0 = arith.muli %arg0, %mul3A : i32
    %add3A = arith.addi %mul3A_0, %arg1 : i32
    %eq3A = arith.constant 0 : i32
    %eq3A_1 = arith.cmpi eq, %arg1, %eq3A : i32
    %convert_element_type3A = arith.extui %eq3A_1 : i1 to i32
    %cond3A = arith.constant 0 : i32
    %cond3A_2 = arith.cmpi ne, %convert_element_type3A, %cond3A : i32
    scf.if %cond3A_2 {
      "tpu.region"() ({
        %run_scoped3A = tpu.sem_alloc : memref<!tpu.dma_semaphore, #tpu.memory_space<semaphore_mem>>
        tpu.enqueue_dma source(%arg8 : memref<10016x128xf32, #tpu.memory_space<hbm>>) target(%arg17 : memref<10016x128xf32, #tpu.memory_space<vmem_shared>>) target_semaphore(%run_scoped3A : memref<!tpu.dma_semaphore, #tpu.memory_space<semaphore_mem>>)
        tpu.wait_dma2 semaphore(%run_scoped3A : memref<!tpu.dma_semaphore, #tpu.memory_space<semaphore_mem>>) src(%arg8 : memref<10016x128xf32, #tpu.memory_space<hbm>>) dst(%arg17 : memref<10016x128xf32, #tpu.memory_space<vmem_shared>>)
        tpu.yield
      }) : () -> ()
    } else {
    }
    %barrier3A = arith.constant 0 : index
    tpu.barrier barrier_id(%barrier3A)
    %scan3A = arith.constant 0 : i32
    %scan3A_3 = arith.constant 0 : i32
    %scan3A_4 = arith.constant 320 : i32
    %scan3A_5 = arith.addi %scan3A_3, %scan3A_4 : i32
    %scan3A_6 = arith.constant 1 : i32
    %scan3A_7 = scf.for %scan3A_15 = %scan3A_3 to %scan3A_5 step %scan3A_6 iter_args(%scan3A_16 = %scan3A) -> (i32)  : i32 {
      %mul3A_17 = arith.constant 10240 : i32
      %mul3A_18 = arith.muli %add3A, %mul3A_17 : i32
      %mul3A_19 = arith.constant 32 : i32
      %mul3A_20 = arith.muli %scan3A_15, %mul3A_19 : i32
      %add3A_21 = arith.addi %mul3A_18, %mul3A_20 : i32
      %dma_start3A = tpu.memref_slice %arg2[%add3A_21] : memref<327680xi32, #tpu.memory_space<hbm>> -> memref<32xi32, #tpu.memory_space<hbm>>
      %dma_start3A_22 = tpu.memref_slice %arg2[%add3A_21] : memref<327680xi32, #tpu.memory_space<hbm>> -> memref<32xi32, #tpu.memory_space<hbm>>
      tpu.enqueue_dma source(%dma_start3A_22 : memref<32xi32, #tpu.memory_space<hbm>>) target(%arg10 : memref<32xi32, #tpu.memory_space<vmem>>) target_semaphore(%arg18 : memref<!tpu.dma_semaphore, #tpu.memory_space<semaphore_mem>>)
      %dma_start3A_23 = tpu.memref_slice %arg3[%add3A_21] : memref<327680xi32, #tpu.memory_space<hbm>> -> memref<32xi32, #tpu.memory_space<hbm>>
      %dma_start3A_24 = tpu.memref_slice %arg3[%add3A_21] : memref<327680xi32, #tpu.memory_space<hbm>> -> memref<32xi32, #tpu.memory_space<hbm>>
      tpu.enqueue_dma source(%dma_start3A_24 : memref<32xi32, #tpu.memory_space<hbm>>) target(%arg11 : memref<32xi32, #tpu.memory_space<vmem>>) target_semaphore(%arg18 : memref<!tpu.dma_semaphore, #tpu.memory_space<semaphore_mem>>)
      %dma_start3A_25 = arith.constant 0 : i32
      %dma_start3A_26 = tpu.memref_slice %arg4[%add3A_21, %dma_start3A_25] : memref<327680x16xf32, #tpu.memory_space<hbm>> -> memref<32x16xf32, #tpu.memory_space<hbm>>
      %dma_start3A_27 = arith.constant 0 : i32
      %dma_start3A_28 = tpu.memref_slice %arg4[%add3A_21, %dma_start3A_27] : memref<327680x16xf32, #tpu.memory_space<hbm>> -> memref<32x16xf32, #tpu.memory_space<hbm>>
      tpu.enqueue_dma source(%dma_start3A_28 : memref<32x16xf32, #tpu.memory_space<hbm>>) target(%arg12 : memref<32x16xf32, #tpu.memory_space<vmem>>) target_semaphore(%arg18 : memref<!tpu.dma_semaphore, #tpu.memory_space<semaphore_mem>>)
      %dma_wait3A = tpu.memref_slice %arg2[%add3A_21] : memref<327680xi32, #tpu.memory_space<hbm>> -> memref<32xi32, #tpu.memory_space<hbm>>
      %dma_wait3A_29 = tpu.memref_slice %arg2[%add3A_21] : memref<327680xi32, #tpu.memory_space<hbm>> -> memref<32xi32, #tpu.memory_space<hbm>>
      tpu.wait_dma2 semaphore(%arg18 : memref<!tpu.dma_semaphore, #tpu.memory_space<semaphore_mem>>) src(%dma_wait3A_29 : memref<32xi32, #tpu.memory_space<hbm>>) dst(%arg10 : memref<32xi32, #tpu.memory_space<vmem>>)
      %dma_wait3A_30 = tpu.memref_slice %arg3[%add3A_21] : memref<327680xi32, #tpu.memory_space<hbm>> -> memref<32xi32, #tpu.memory_space<hbm>>
      %dma_wait3A_31 = tpu.memref_slice %arg3[%add3A_21] : memref<327680xi32, #tpu.memory_space<hbm>> -> memref<32xi32, #tpu.memory_space<hbm>>
      tpu.wait_dma2 semaphore(%arg18 : memref<!tpu.dma_semaphore, #tpu.memory_space<semaphore_mem>>) src(%dma_wait3A_31 : memref<32xi32, #tpu.memory_space<hbm>>) dst(%arg11 : memref<32xi32, #tpu.memory_space<vmem>>)
      %dma_wait3A_32 = arith.constant 0 : i32
      %dma_wait3A_33 = tpu.memref_slice %arg4[%add3A_21, %dma_wait3A_32] : memref<327680x16xf32, #tpu.memory_space<hbm>> -> memref<32x16xf32, #tpu.memory_space<hbm>>
      %dma_wait3A_34 = arith.constant 0 : i32
      %dma_wait3A_35 = tpu.memref_slice %arg4[%add3A_21, %dma_wait3A_34] : memref<327680x16xf32, #tpu.memory_space<hbm>> -> memref<32x16xf32, #tpu.memory_space<hbm>>
      tpu.wait_dma2 semaphore(%arg18 : memref<!tpu.dma_semaphore, #tpu.memory_space<semaphore_mem>>) src(%dma_wait3A_35 : memref<32x16xf32, #tpu.memory_space<hbm>>) dst(%arg12 : memref<32x16xf32, #tpu.memory_space<vmem>>)
      %dma_start3A_36 = arith.constant 0 : i32
      %dma_start3A_37 = arith.constant 0 : i32
      %dma_start3A_38 = tpu.memref_slice %arg5[%dma_start3A_36, %dma_start3A_37] : memref<10016x16xf32, #tpu.memory_space<hbm>> -> memref<10016x16xf32, #tpu.memory_space<hbm>>
      tpu.enqueue_indirect_dma source(%dma_start3A_38 : memref<10016x16xf32, #tpu.memory_space<hbm>>) target(%arg13 : memref<32x16xf32, #tpu.memory_space<vmem>>) offsets(%arg11 : memref<32xi32, #tpu.memory_space<vmem>>) semaphore(%arg18 : memref<!tpu.dma_semaphore, #tpu.memory_space<semaphore_mem>>)
      %dma_start3A_39 = arith.constant 0 : i32
      %dma_start3A_40 = arith.constant 0 : i32
      %dma_start3A_41 = tpu.memref_slice %arg6[%dma_start3A_39, %dma_start3A_40] : memref<10016x384xf32, #tpu.memory_space<hbm>> -> memref<10016x384xf32, #tpu.memory_space<hbm>>
      tpu.enqueue_indirect_dma source(%dma_start3A_41 : memref<10016x384xf32, #tpu.memory_space<hbm>>) target(%arg14 : memref<32x384xf32, #tpu.memory_space<vmem>>) offsets(%arg10 : memref<32xi32, #tpu.memory_space<vmem>>) semaphore(%arg18 : memref<!tpu.dma_semaphore, #tpu.memory_space<semaphore_mem>>)
      %dma_start3A_42 = arith.constant 0 : i32
      %dma_start3A_43 = arith.constant 0 : i32
      %dma_start3A_44 = tpu.memref_slice %arg7[%dma_start3A_42, %dma_start3A_43] : memref<10016x384xf32, #tpu.memory_space<hbm>> -> memref<10016x384xf32, #tpu.memory_space<hbm>>
      tpu.enqueue_indirect_dma source(%dma_start3A_44 : memref<10016x384xf32, #tpu.memory_space<hbm>>) target(%arg15 : memref<32x384xf32, #tpu.memory_space<vmem>>) offsets(%arg10 : memref<32xi32, #tpu.memory_space<vmem>>) semaphore(%arg18 : memref<!tpu.dma_semaphore, #tpu.memory_space<semaphore_mem>>)
      %dma_wait3A_45 = arith.constant 0 : i32
      %dma_wait3A_46 = arith.constant 0 : i32
      %dma_wait3A_47 = tpu.memref_slice %arg5[%dma_wait3A_45, %dma_wait3A_46] : memref<10016x16xf32, #tpu.memory_space<hbm>> -> memref<10016x16xf32, #tpu.memory_space<hbm>>
      tpu.wait_indirect_dma semaphore(%arg18 : memref<!tpu.dma_semaphore, #tpu.memory_space<semaphore_mem>>) src(%dma_wait3A_47 : memref<10016x16xf32, #tpu.memory_space<hbm>>) dst(%arg13 : memref<32x16xf32, #tpu.memory_space<vmem>>)
      %dma_wait3A_48 = arith.constant 0 : i32
      %dma_wait3A_49 = arith.constant 0 : i32
      %dma_wait3A_50 = tpu.memref_slice %arg6[%dma_wait3A_48, %dma_wait3A_49] : memref<10016x384xf32, #tpu.memory_space<hbm>> -> memref<10016x384xf32, #tpu.memory_space<hbm>>
      tpu.wait_indirect_dma semaphore(%arg18 : memref<!tpu.dma_semaphore, #tpu.memory_space<semaphore_mem>>) src(%dma_wait3A_50 : memref<10016x384xf32, #tpu.memory_space<hbm>>) dst(%arg14 : memref<32x384xf32, #tpu.memory_space<vmem>>)
      %dma_wait3A_51 = arith.constant 0 : i32
      %dma_wait3A_52 = arith.constant 0 : i32
      %dma_wait3A_53 = tpu.memref_slice %arg7[%dma_wait3A_51, %dma_wait3A_52] : memref<10016x384xf32, #tpu.memory_space<hbm>> -> memref<10016x384xf32, #tpu.memory_space<hbm>>
      tpu.wait_indirect_dma semaphore(%arg18 : memref<!tpu.dma_semaphore, #tpu.memory_space<semaphore_mem>>) src(%dma_wait3A_53 : memref<10016x384xf32, #tpu.memory_space<hbm>>) dst(%arg15 : memref<32x384xf32, #tpu.memory_space<vmem>>)
      %scan3A_54 = arith.constant 0 : i32
      %scan3A_55 = arith.constant 0 : i32
      %scan3A_56 = arith.constant 32 : i32
      %scan3A_57 = arith.addi %scan3A_55, %scan3A_56 : i32
      %scan3A_58 = arith.constant 1 : i32
      %scan3A_59 = scf.for %scan3A_69 = %scan3A_55 to %scan3A_57 step %scan3A_58 iter_args(%scan3A_70 = %scan3A_54) -> (i32)  : i32 {
        %get3A = arith.index_cast %scan3A_69 : i32 to index
        %get3A_71 = arith.constant 0 : index
        %get3A_72 = tpu.vector_load %arg12[%get3A, %get3A_71] {strides = array<i32>} : memref<32x16xf32, #tpu.memory_space<vmem>>, vector<1x16xf32>,
        %get3A_73 = vector.shape_cast %get3A_72 : vector<1x16xf32> to vector<16xf32>
        %get3A_74 = arith.index_cast %scan3A_69 : i32 to index
        %get3A_75 = arith.constant 0 : index
        %get3A_76 = tpu.vector_load %arg13[%get3A_74, %get3A_75] {strides = array<i32>} : memref<32x16xf32, #tpu.memory_space<vmem>>, vector<1x16xf32>,
        %get3A_77 = vector.shape_cast %get3A_76 : vector<1x16xf32> to vector<16xf32>
        %mul3A_78 = arith.mulf %get3A_73, %get3A_77 : vector<16xf32>
        %scan3A_79 = arith.constant 0 : i32
        %scan3A_80 = arith.constant 0 : i32
        %scan3A_81 = arith.constant 8 : i32
        %scan3A_82 = arith.addi %scan3A_80, %scan3A_81 : i32
        %scan3A_83 = arith.constant 1 : i32
        %scan3A_84 = scf.for %scan3A_87 = %scan3A_80 to %scan3A_82 step %scan3A_83 iter_args(%scan3A_88 = %scan3A_79) -> (i32)  : i32 {
          %mul3A_89 = arith.constant 16 : i32
          %mul3A_90 = arith.muli %scan3A_87, %mul3A_89 : i32
          %slice3A = vector.extract_strided_slice %mul3A_78 {offsets = [0], sizes = [1], strides = [1]} : vector<16xf32> to vector<1xf32>
          %squeeze3A = vector.extract %slice3A[0] : f32 from vector<1xf32>
          %get3A_91 = arith.index_cast %scan3A_69 : i32 to index
          %get3A_92 = arith.index_cast %mul3A_90 : i32 to index
          %get3A_93 = tpu.vector_load %arg14[%get3A_91, %get3A_92] {strides = array<i32>} : memref<32x384xf32, #tpu.memory_space<vmem>>, vector<1x16xf32>,
          %get3A_94 = vector.shape_cast %get3A_93 : vector<1x16xf32> to vector<16xf32>
          %mul3A_95 = vector.broadcast %squeeze3A : f32 to vector<16xf32>
          %mul3A_96 = arith.mulf %mul3A_95, %get3A_94 : vector<16xf32>
          %slice3A_97 = vector.extract_strided_slice %mul3A_78 {offsets = [1], sizes = [1], strides = [1]} : vector<16xf32> to vector<1xf32>
          %squeeze3A_98 = vector.extract %slice3A_97[0] : f32 from vector<1xf32>
          %add3A_99 = arith.constant 128 : i32
          %add3A_100 = arith.addi %add3A_99, %mul3A_90 : i32
          %get3A_101 = arith.index_cast %scan3A_69 : i32 to index
          %get3A_102 = arith.index_cast %add3A_100 : i32 to index
          %get3A_103 = tpu.vector_load %arg14[%get3A_101, %get3A_102] {strides = array<i32>} : memref<32x384xf32, #tpu.memory_space<vmem>>, vector<1x16xf32>,
          %get3A_104 = vector.shape_cast %get3A_103 : vector<1x16xf32> to vector<16xf32>
          %mul3A_105 = vector.broadcast %squeeze3A_98 : f32 to vector<16xf32>
          %mul3A_106 = arith.mulf %mul3A_105, %get3A_104 : vector<16xf32>
          %add3A_107 = arith.addf %mul3A_96, %mul3A_106 : vector<16xf32>
          %slice3A_108 = vector.extract_strided_slice %mul3A_78 {offsets = [2], sizes = [1], strides = [1]} : vector<16xf32> to vector<1xf32>
          %squeeze3A_109 = vector.extract %slice3A_108[0] : f32 from vector<1xf32>
          %add3A_110 = arith.constant 256 : i32
          %add3A_111 = arith.addi %add3A_110, %mul3A_90 : i32
          %get3A_112 = arith.index_cast %scan3A_69 : i32 to index
          %get3A_113 = arith.index_cast %add3A_111 : i32 to index
          %get3A_114 = tpu.vector_load %arg14[%get3A_112, %get3A_113] {strides = array<i32>} : memref<32x384xf32, #tpu.memory_space<vmem>>, vector<1x16xf32>,
          %get3A_115 = vector.shape_cast %get3A_114 : vector<1x16xf32> to vector<16xf32>
          %mul3A_116 = vector.broadcast %squeeze3A_109 : f32 to vector<16xf32>
          %mul3A_117 = arith.mulf %mul3A_116, %get3A_115 : vector<16xf32>
          %add3A_118 = arith.addf %add3A_107, %mul3A_117 : vector<16xf32>
          %swap3A = arith.index_cast %scan3A_69 : i32 to index
          %swap3A_119 = arith.index_cast %mul3A_90 : i32 to index
          %swap3A_120 = tpu.vector_load %arg16[%swap3A, %swap3A_119] {strides = array<i32>} : memref<32x128xf32, #tpu.memory_space<vmem>>, vector<1x16xf32>,
          %swap3A_121 = vector.shape_cast %swap3A_120 : vector<1x16xf32> to vector<16xf32>
          %swap3A_122 = vector.shape_cast %add3A_118 : vector<16xf32> to vector<1x16xf32>
          tpu.vector_store %arg16[%swap3A, %swap3A_119], %swap3A_122 {strides = array<i32>} : memref<32x128xf32, #tpu.memory_space<vmem>>, vector<1x16xf32>,
          %scan3A_123 = arith.constant 0 : i32
          scf.yield %scan3A_123 : i32
        }
        %scan3A_85 = arith.constant 8 : i32
        %scan3A_86 = arith.constant 0 : i32
        scf.yield %scan3A_86 : i32
      }
      %scan3A_60 = arith.constant 32 : i32
      %scan3A_61 = arith.constant 0 : i32
      %scan3A_62 = arith.constant 0 : i32
      %scan3A_63 = arith.constant 32 : i32
      %scan3A_64 = arith.addi %scan3A_62, %scan3A_63 : i32
      %scan3A_65 = arith.constant 1 : i32
      %scan3A_66 = scf.for %scan3A_69 = %scan3A_62 to %scan3A_64 step %scan3A_65 iter_args(%scan3A_70 = %scan3A_61) -> (i32)  : i32 {
        %get3A = arith.index_cast %scan3A_69 : i32 to index
        %get3A_71 = arith.constant 0 : index
        %get3A_72 = tpu.vector_load %arg12[%get3A, %get3A_71] {strides = array<i32>} : memref<32x16xf32, #tpu.memory_space<vmem>>, vector<1x16xf32>,
        %get3A_73 = vector.shape_cast %get3A_72 : vector<1x16xf32> to vector<16xf32>
        %get3A_74 = arith.index_cast %scan3A_69 : i32 to index
        %get3A_75 = arith.constant 0 : index
        %get3A_76 = tpu.vector_load %arg13[%get3A_74, %get3A_75] {strides = array<i32>} : memref<32x16xf32, #tpu.memory_space<vmem>>, vector<1x16xf32>,
        %get3A_77 = vector.shape_cast %get3A_76 : vector<1x16xf32> to vector<16xf32>
        %mul3A_78 = arith.mulf %get3A_73, %get3A_77 : vector<16xf32>
        %scan3A_79 = arith.constant 0 : i32
        %scan3A_80 = arith.constant 0 : i32
        %scan3A_81 = arith.constant 8 : i32
        %scan3A_82 = arith.addi %scan3A_80, %scan3A_81 : i32
        %scan3A_83 = arith.constant 1 : i32
        %scan3A_84 = scf.for %scan3A_87 = %scan3A_80 to %scan3A_82 step %scan3A_83 iter_args(%scan3A_88 = %scan3A_79) -> (i32)  : i32 {
          %mul3A_89 = arith.constant 16 : i32
          %mul3A_90 = arith.muli %scan3A_87, %mul3A_89 : i32
          %slice3A = vector.extract_strided_slice %mul3A_78 {offsets = [3], sizes = [1], strides = [1]} : vector<16xf32> to vector<1xf32>
          %squeeze3A = vector.extract %slice3A[0] : f32 from vector<1xf32>
          %get3A_91 = arith.index_cast %scan3A_69 : i32 to index
          %get3A_92 = arith.index_cast %mul3A_90 : i32 to index
          %get3A_93 = tpu.vector_load %arg15[%get3A_91, %get3A_92] {strides = array<i32>} : memref<32x384xf32, #tpu.memory_space<vmem>>, vector<1x16xf32>,
          %get3A_94 = vector.shape_cast %get3A_93 : vector<1x16xf32> to vector<16xf32>
          %mul3A_95 = vector.broadcast %squeeze3A : f32 to vector<16xf32>
          %mul3A_96 = arith.mulf %mul3A_95, %get3A_94 : vector<16xf32>
          %slice3A_97 = vector.extract_strided_slice %mul3A_78 {offsets = [4], sizes = [1], strides = [1]} : vector<16xf32> to vector<1xf32>
          %squeeze3A_98 = vector.extract %slice3A_97[0] : f32 from vector<1xf32>
          %add3A_99 = arith.constant 128 : i32
          %add3A_100 = arith.addi %add3A_99, %mul3A_90 : i32
          %get3A_101 = arith.index_cast %scan3A_69 : i32 to index
          %get3A_102 = arith.index_cast %add3A_100 : i32 to index
          %get3A_103 = tpu.vector_load %arg15[%get3A_101, %get3A_102] {strides = array<i32>} : memref<32x384xf32, #tpu.memory_space<vmem>>, vector<1x16xf32>,
          %get3A_104 = vector.shape_cast %get3A_103 : vector<1x16xf32> to vector<16xf32>
          %mul3A_105 = vector.broadcast %squeeze3A_98 : f32 to vector<16xf32>
          %mul3A_106 = arith.mulf %mul3A_105, %get3A_104 : vector<16xf32>
          %add3A_107 = arith.addf %mul3A_96, %mul3A_106 : vector<16xf32>
          %slice3A_108 = vector.extract_strided_slice %mul3A_78 {offsets = [5], sizes = [1], strides = [1]} : vector<16xf32> to vector<1xf32>
          %squeeze3A_109 = vector.extract %slice3A_108[0] : f32 from vector<1xf32>
          %add3A_110 = arith.constant 256 : i32
          %add3A_111 = arith.addi %add3A_110, %mul3A_90 : i32
          %get3A_112 = arith.index_cast %scan3A_69 : i32 to index
          %get3A_113 = arith.index_cast %add3A_111 : i32 to index
          %get3A_114 = tpu.vector_load %arg15[%get3A_112, %get3A_113] {strides = array<i32>} : memref<32x384xf32, #tpu.memory_space<vmem>>, vector<1x16xf32>,
          %get3A_115 = vector.shape_cast %get3A_114 : vector<1x16xf32> to vector<16xf32>
          %mul3A_116 = vector.broadcast %squeeze3A_109 : f32 to vector<16xf32>
          %mul3A_117 = arith.mulf %mul3A_116, %get3A_115 : vector<16xf32>
          %add3A_118 = arith.addf %add3A_107, %mul3A_117 : vector<16xf32>
          %get3A_119 = arith.index_cast %scan3A_69 : i32 to index
          %get3A_120 = arith.index_cast %mul3A_90 : i32 to index
          %get3A_121 = tpu.vector_load %arg16[%get3A_119, %get3A_120] {strides = array<i32>} : memref<32x128xf32, #tpu.memory_space<vmem>>, vector<1x16xf32>,
          %get3A_122 = vector.shape_cast %get3A_121 : vector<1x16xf32> to vector<16xf32>
          %add3A_123 = arith.addf %get3A_122, %add3A_118 : vector<16xf32>
          %swap3A = arith.index_cast %scan3A_69 : i32 to index
          %swap3A_124 = arith.index_cast %mul3A_90 : i32 to index
          %swap3A_125 = tpu.vector_load %arg16[%swap3A, %swap3A_124] {strides = array<i32>} : memref<32x128xf32, #tpu.memory_space<vmem>>, vector<1x16xf32>,
          %swap3A_126 = vector.shape_cast %swap3A_125 : vector<1x16xf32> to vector<16xf32>
          %swap3A_127 = vector.shape_cast %add3A_123 : vector<16xf32> to vector<1x16xf32>
          tpu.vector_store %arg16[%swap3A, %swap3A_124], %swap3A_127 {strides = array<i32>} : memref<32x128xf32, #tpu.memory_space<vmem>>, vector<1x16xf32>,
          %scan3A_128 = arith.constant 0 : i32
          scf.yield %scan3A_128 : i32
        }
        %scan3A_85 = arith.constant 8 : i32
        %scan3A_86 = arith.constant 0 : i32
        scf.yield %scan3A_86 : i32
      }
      %scan3A_67 = arith.constant 32 : i32
      "tpu.region"() ({
        %run_scoped3A = tpu.sem_alloc : memref<!tpu.dma_semaphore, #tpu.memory_space<semaphore_mem>>
        %dma_start3A_69 = arith.constant 0 : i32
        %dma_start3A_70 = arith.constant 0 : i32
        %dma_start3A_71 = tpu.memref_slice %arg17[%dma_start3A_69, %dma_start3A_70] : memref<10016x128xf32, #tpu.memory_space<vmem_shared>> -> memref<10016x128xf32, #tpu.memory_space<vmem_shared>>
        tpu.enqueue_indirect_dma source(%arg16 : memref<32x128xf32, #tpu.memory_space<vmem>>) target(%dma_start3A_71 : memref<10016x128xf32, #tpu.memory_space<vmem_shared>>) offsets(%arg11 : memref<32xi32, #tpu.memory_space<vmem>>) semaphore(%run_scoped3A : memref<!tpu.dma_semaphore, #tpu.memory_space<semaphore_mem>>) {add = true}
        %dma_wait3A_72 = arith.constant 0 : i32
        %dma_wait3A_73 = arith.constant 0 : i32
        %dma_wait3A_74 = tpu.memref_slice %arg17[%dma_wait3A_72, %dma_wait3A_73] : memref<10016x128xf32, #tpu.memory_space<vmem_shared>> -> memref<10016x128xf32, #tpu.memory_space<vmem_shared>>
        tpu.wait_indirect_dma semaphore(%run_scoped3A : memref<!tpu.dma_semaphore, #tpu.memory_space<semaphore_mem>>) src(%arg16 : memref<32x128xf32, #tpu.memory_space<vmem>>) dst(%dma_wait3A_74 : memref<10016x128xf32, #tpu.memory_space<vmem_shared>>)
        tpu.yield
      }) : () -> ()
      %scan3A_68 = arith.constant 0 : i32
      scf.yield %scan3A_68 : i32
    }
    %scan3A_8 = arith.constant 320 : i32
    %barrier3A_9 = arith.constant 0 : index
    tpu.barrier barrier_id(%barrier3A_9)
    %eq3A_10 = arith.constant 0 : i32
    %eq3A_11 = arith.cmpi eq, %arg1, %eq3A_10 : i32
    %convert_element_type3A_12 = arith.extui %eq3A_11 : i1 to i32
    %cond3A_13 = arith.constant 0 : i32
    %cond3A_14 = arith.cmpi ne, %convert_element_type3A_12, %cond3A_13 : i32
    scf.if %cond3A_14 {
      "tpu.region"() ({
        %run_scoped3A = tpu.sem_alloc : memref<!tpu.dma_semaphore, #tpu.memory_space<semaphore_mem>>
        %dma_start3A = arith.constant 0 : i32
        %dma_start3A_15 = arith.constant 0 : i32
        %dma_start3A_16 = tpu.memref_slice %arg9[%arg0, %dma_start3A, %dma_start3A_15] : memref<2x10016x128xf32, #tpu.memory_space<hbm>> -> memref<1x10016x128xf32, #tpu.memory_space<hbm>>
        %dma_start3A_17 = tpu.memref_squeeze %dma_start3A_16 : memref<1x10016x128xf32, #tpu.memory_space<hbm>> -> memref<10016x128xf32, #tpu.memory_space<hbm>>
        tpu.enqueue_dma source(%arg17 : memref<10016x128xf32, #tpu.memory_space<vmem_shared>>) target(%dma_start3A_17 : memref<10016x128xf32, #tpu.memory_space<hbm>>) target_semaphore(%run_scoped3A : memref<!tpu.dma_semaphore, #tpu.memory_space<semaphore_mem>>)
        %dma_wait3A = arith.constant 0 : i32
        %dma_wait3A_18 = arith.constant 0 : i32
        %dma_wait3A_19 = tpu.memref_slice %arg9[%arg0, %dma_wait3A, %dma_wait3A_18] : memref<2x10016x128xf32, #tpu.memory_space<hbm>> -> memref<1x10016x128xf32, #tpu.memory_space<hbm>>
        %dma_wait3A_20 = tpu.memref_squeeze %dma_wait3A_19 : memref<1x10016x128xf32, #tpu.memory_space<hbm>> -> memref<10016x128xf32, #tpu.memory_space<hbm>>
        tpu.wait_dma2 semaphore(%run_scoped3A : memref<!tpu.dma_semaphore, #tpu.memory_space<semaphore_mem>>) src(%arg17 : memref<10016x128xf32, #tpu.memory_space<vmem_shared>>) dst(%dma_wait3A_20 : memref<10016x128xf32, #tpu.memory_space<hbm>>)
        tpu.yield
      }) : () -> ()
    } else {
    }
    return
  }
}

module attributes {stable_mosaic.version = 14 : i64} {
  func.func @_tc_dense1(%arg0: memref<10000x1xi32, #tpu.memory_space<vmem>>, %arg1: memref<11x128xf32, #tpu.memory_space<vmem>>, %arg2: memref<128x36xf32, #tpu.memory_space<vmem>>, %arg3: memref<128x36xf32, #tpu.memory_space<vmem>>, %arg4: memref<6x36xf32, #tpu.memory_space<vmem>>, %arg5: memref<36x96xf32, #tpu.memory_space<vmem>>, %arg6: memref<36x6xf32, #tpu.memory_space<vmem>>, %arg7: memref<36x6xf32, #tpu.memory_space<vmem>>, %arg8: memref<36x6xf32, #tpu.memory_space<vmem>>, %arg9: memref<10000x96xf32, #tpu.memory_space<vmem>>, %arg10: memref<10000x6xf32, #tpu.memory_space<vmem>>, %arg11: memref<10000x6xf32, #tpu.memory_space<vmem>>, %arg12: memref<6x6xf32, #tpu.memory_space<vmem>>, %arg13: memref<10000x36xf32, #tpu.memory_space<vmem>>) attributes {dimension_semantics = [], scalar_prefetch = 0 : i64, scratch_operands = 0 : i64, tpu.core_type = #tpu.core_type<tc>} {
    %get3A = arith.constant 0 : index
    %get3A_0 = arith.constant 0 : index
    %get3A_1 = vector.load %arg0[%get3A, %get3A_0] : memref<10000x1xi32, #tpu.memory_space<vmem>>, vector<10000x1xi32>
    %iota3A = tpu.iota {dimensions = array<i32: 1>} : vector<1x11xi32>
    %eq3A = vector.broadcast %get3A_1 : vector<10000x1xi32> to vector<10000x11xi32>
    %eq3A_2 = vector.broadcast %iota3A : vector<1x11xi32> to vector<10000x11xi32>
    %eq3A_3 = arith.cmpi eq, %eq3A, %eq3A_2 : vector<10000x11xi32>
    %convert_element_type3A = arith.extui %eq3A_3 : vector<10000x11xi1> to vector<10000x11xi32>
    %convert_element_type3A_4 = arith.sitofp %convert_element_type3A : vector<10000x11xi32> to vector<10000x11xf32>
    %get3A_5 = arith.constant 0 : index
    %get3A_6 = arith.constant 0 : index
    %get3A_7 = vector.load %arg1[%get3A_5, %get3A_6] : memref<11x128xf32, #tpu.memory_space<vmem>>, vector<11x128xf32>
    %dot_general3A = arith.constant dense<0.000000e+00> : vector<10000x128xf32>
    %dot_general3A_8 = tpu.matmul %convert_element_type3A_4, %get3A_7, %dot_general3A {dimension_numbers = #tpu.dot_dimension_numbers<[1], [0], [0], [1], [0, 0, 1, 1], [], []>, transpose_lhs_hint = false} : vector<10000x11xf32>, vector<11x128xf32>, vector<10000x128xf32> -> vector<10000x128xf32>
    %get3A_9 = arith.constant 0 : index
    %get3A_10 = arith.constant 0 : index
    %get3A_11 = vector.load %arg2[%get3A_9, %get3A_10] : memref<128x36xf32, #tpu.memory_space<vmem>>, vector<128x36xf32>
    %dot_general3A_12 = arith.constant dense<0.000000e+00> : vector<10000x36xf32>
    %dot_general3A_13 = tpu.matmul %dot_general3A_8, %get3A_11, %dot_general3A_12 {dimension_numbers = #tpu.dot_dimension_numbers<[1], [0], [0], [1], [0, 0, 1, 1], [], []>, transpose_lhs_hint = false} : vector<10000x128xf32>, vector<128x36xf32>, vector<10000x36xf32> -> vector<10000x36xf32>
    %get3A_14 = arith.constant 0 : index
    %get3A_15 = arith.constant 0 : index
    %get3A_16 = vector.load %arg5[%get3A_14, %get3A_15] : memref<36x96xf32, #tpu.memory_space<vmem>>, vector<36x96xf32>
    %dot_general3A_17 = arith.constant dense<0.000000e+00> : vector<10000x96xf32>
    %dot_general3A_18 = tpu.matmul %dot_general3A_13, %get3A_16, %dot_general3A_17 {dimension_numbers = #tpu.dot_dimension_numbers<[1], [0], [0], [1], [0, 0, 1, 1], [], []>, transpose_lhs_hint = false} : vector<10000x36xf32>, vector<36x96xf32>, vector<10000x96xf32> -> vector<10000x96xf32>
    %swap3A = arith.constant 0 : index
    %swap3A_19 = arith.constant 0 : index
    %swap3A_20 = vector.load %arg9[%swap3A, %swap3A_19] : memref<10000x96xf32, #tpu.memory_space<vmem>>, vector<10000x96xf32>
    tpu.vector_store %arg9[%swap3A, %swap3A_19], %dot_general3A_18 {strides = array<i32>} : memref<10000x96xf32, #tpu.memory_space<vmem>>, vector<10000x96xf32>,
    %get3A_21 = arith.constant 0 : index
    %get3A_22 = arith.constant 0 : index
    %get3A_23 = vector.load %arg6[%get3A_21, %get3A_22] : memref<36x6xf32, #tpu.memory_space<vmem>>, vector<36x6xf32>
    %dot_general3A_24 = arith.constant dense<0.000000e+00> : vector<10000x6xf32>
    %dot_general3A_25 = tpu.matmul %dot_general3A_13, %get3A_23, %dot_general3A_24 {dimension_numbers = #tpu.dot_dimension_numbers<[1], [0], [0], [1], [0, 0, 1, 1], [], []>, transpose_lhs_hint = false} : vector<10000x36xf32>, vector<36x6xf32>, vector<10000x6xf32> -> vector<10000x6xf32>
    %swap3A_26 = arith.constant 0 : index
    %swap3A_27 = arith.constant 0 : index
    %swap3A_28 = vector.load %arg10[%swap3A_26, %swap3A_27] : memref<10000x6xf32, #tpu.memory_space<vmem>>, vector<10000x6xf32>
    tpu.vector_store %arg10[%swap3A_26, %swap3A_27], %dot_general3A_25 {strides = array<i32>} : memref<10000x6xf32, #tpu.memory_space<vmem>>, vector<10000x6xf32>,
    %get3A_29 = arith.constant 0 : index
    %get3A_30 = arith.constant 0 : index
    %get3A_31 = vector.load %arg7[%get3A_29, %get3A_30] : memref<36x6xf32, #tpu.memory_space<vmem>>, vector<36x6xf32>
    %dot_general3A_32 = arith.constant dense<0.000000e+00> : vector<10000x6xf32>
    %dot_general3A_33 = tpu.matmul %dot_general3A_13, %get3A_31, %dot_general3A_32 {dimension_numbers = #tpu.dot_dimension_numbers<[1], [0], [0], [1], [0, 0, 1, 1], [], []>, transpose_lhs_hint = false} : vector<10000x36xf32>, vector<36x6xf32>, vector<10000x6xf32> -> vector<10000x6xf32>
    %swap3A_34 = arith.constant 0 : index
    %swap3A_35 = arith.constant 0 : index
    %swap3A_36 = vector.load %arg11[%swap3A_34, %swap3A_35] : memref<10000x6xf32, #tpu.memory_space<vmem>>, vector<10000x6xf32>
    tpu.vector_store %arg11[%swap3A_34, %swap3A_35], %dot_general3A_33 {strides = array<i32>} : memref<10000x6xf32, #tpu.memory_space<vmem>>, vector<10000x6xf32>,
    %get3A_37 = arith.constant 0 : index
    %get3A_38 = arith.constant 0 : index
    %get3A_39 = vector.load %arg4[%get3A_37, %get3A_38] : memref<6x36xf32, #tpu.memory_space<vmem>>, vector<6x36xf32>
    %get3A_40 = arith.constant 0 : index
    %get3A_41 = arith.constant 0 : index
    %get3A_42 = vector.load %arg8[%get3A_40, %get3A_41] : memref<36x6xf32, #tpu.memory_space<vmem>>, vector<36x6xf32>
    %dot_general3A_43 = arith.constant dense<0.000000e+00> : vector<6x6xf32>
    %dot_general3A_44 = tpu.matmul %get3A_39, %get3A_42, %dot_general3A_43 {dimension_numbers = #tpu.dot_dimension_numbers<[1], [0], [0], [1], [0, 0, 1, 1], [], []>, transpose_lhs_hint = false} : vector<6x36xf32>, vector<36x6xf32>, vector<6x6xf32> -> vector<6x6xf32>
    %swap3A_45 = arith.constant 0 : index
    %swap3A_46 = arith.constant 0 : index
    %swap3A_47 = vector.load %arg12[%swap3A_45, %swap3A_46] : memref<6x6xf32, #tpu.memory_space<vmem>>, vector<6x6xf32>
    tpu.vector_store %arg12[%swap3A_45, %swap3A_46], %dot_general3A_44 {strides = array<i32>} : memref<6x6xf32, #tpu.memory_space<vmem>>, vector<6x6xf32>,
    %get3A_48 = arith.constant 0 : index
    %get3A_49 = arith.constant 0 : index
    %get3A_50 = vector.load %arg3[%get3A_48, %get3A_49] : memref<128x36xf32, #tpu.memory_space<vmem>>, vector<128x36xf32>
    %dot_general3A_51 = arith.constant dense<0.000000e+00> : vector<10000x36xf32>
    %dot_general3A_52 = tpu.matmul %dot_general3A_8, %get3A_50, %dot_general3A_51 {dimension_numbers = #tpu.dot_dimension_numbers<[1], [0], [0], [1], [0, 0, 1, 1], [], []>, transpose_lhs_hint = false} : vector<10000x128xf32>, vector<128x36xf32>, vector<10000x36xf32> -> vector<10000x36xf32>
    %swap3A_53 = arith.constant 0 : index
    %swap3A_54 = arith.constant 0 : index
    %swap3A_55 = vector.load %arg13[%swap3A_53, %swap3A_54] : memref<10000x36xf32, #tpu.memory_space<vmem>>, vector<10000x36xf32>
    tpu.vector_store %arg13[%swap3A_53, %swap3A_54], %dot_general3A_52 {strides = array<i32>} : memref<10000x36xf32, #tpu.memory_space<vmem>>, vector<10000x36xf32>,
    return
  }
}

module attributes {stable_mosaic.version = 14 : i64} {
  func.func @_tc_inv(%arg0: memref<2x10016x16xf32, #tpu.memory_space<vmem>>, %arg1: memref<10016x16xf32, #tpu.memory_space<vmem>>) attributes {dimension_semantics = [], scalar_prefetch = 0 : i64, scratch_operands = 0 : i64, tpu.core_type = #tpu.core_type<tc>} {
    %get3A = arith.constant 0 : index
    %get3A_0 = arith.constant 0 : index
    %get3A_1 = arith.constant 0 : index
    %get3A_2 = vector.load %arg0[%get3A, %get3A_0, %get3A_1] : memref<2x10016x16xf32, #tpu.memory_space<vmem>>, vector<2x10016x16xf32>
    %slice3A = vector.extract_strided_slice %get3A_2 {offsets = [0, 0, 0], sizes = [1, 10016, 16], strides = [1, 1, 1]} : vector<2x10016x16xf32> to vector<1x10016x16xf32>
    %squeeze3A = vector.shape_cast %slice3A : vector<1x10016x16xf32> to vector<10016x16xf32>
    %slice3A_3 = vector.extract_strided_slice %get3A_2 {offsets = [1, 0, 0], sizes = [1, 10016, 16], strides = [1, 1, 1]} : vector<2x10016x16xf32> to vector<1x10016x16xf32>
    %squeeze3A_4 = vector.shape_cast %slice3A_3 : vector<1x10016x16xf32> to vector<10016x16xf32>
    %add3A = arith.addf %squeeze3A, %squeeze3A_4 : vector<10016x16xf32>
    %add3A_5 = arith.constant 1.000000e-16 : f32
    %add3A_6 = vector.broadcast %add3A_5 : f32 to vector<10016x16xf32>
    %add3A_7 = arith.addf %add3A, %add3A_6 : vector<10016x16xf32>
    %div3A = arith.constant 1.000000e+00 : f32
    %div3A_8 = vector.broadcast %div3A : f32 to vector<10016x16xf32>
    %div3A_9 = arith.divf %div3A_8, %add3A_7 : vector<10016x16xf32>
    %swap3A = arith.constant 0 : index
    %swap3A_10 = arith.constant 0 : index
    %swap3A_11 = vector.load %arg1[%swap3A, %swap3A_10] : memref<10016x16xf32, #tpu.memory_space<vmem>>, vector<10016x16xf32>
    tpu.vector_store %arg1[%swap3A, %swap3A_10], %div3A_9 {strides = array<i32>} : memref<10016x16xf32, #tpu.memory_space<vmem>>, vector<10016x16xf32>,
    return
  }
}

module attributes {stable_mosaic.version = 14 : i64} {
  func.func @_tc_dense2(%arg0: memref<2x10000x96xf32, #tpu.memory_space<vmem>>, %arg1: memref<10000x36xf32, #tpu.memory_space<vmem>>, %arg2: memref<36xf32, #tpu.memory_space<vmem>>, %arg3: memref<36x36xf32, #tpu.memory_space<vmem>>, %arg4: memref<6x36xf32, #tpu.memory_space<vmem>>, %arg5: memref<96x36xf32, #tpu.memory_space<vmem>>, %arg6: memref<36x96xf32, #tpu.memory_space<vmem>>, %arg7: memref<36x6xf32, #tpu.memory_space<vmem>>, %arg8: memref<36x6xf32, #tpu.memory_space<vmem>>, %arg9: memref<36x6xf32, #tpu.memory_space<vmem>>, %arg10: memref<10000x96xf32, #tpu.memory_space<vmem>>, %arg11: memref<10000x6xf32, #tpu.memory_space<vmem>>, %arg12: memref<10000x6xf32, #tpu.memory_space<vmem>>, %arg13: memref<6x6xf32, #tpu.memory_space<vmem>>, %arg14: memref<10000x36xf32, #tpu.memory_space<vmem>>) attributes {dimension_semantics = [], scalar_prefetch = 0 : i64, scratch_operands = 0 : i64, tpu.core_type = #tpu.core_type<tc>} {
    %get3A = arith.constant 0 : index
    %get3A_0 = arith.constant 0 : index
    %get3A_1 = arith.constant 0 : index
    %get3A_2 = vector.load %arg0[%get3A, %get3A_0, %get3A_1] : memref<2x10000x96xf32, #tpu.memory_space<vmem>>, vector<2x10000x96xf32>
    %slice3A = vector.extract_strided_slice %get3A_2 {offsets = [0, 0, 0], sizes = [1, 10000, 96], strides = [1, 1, 1]} : vector<2x10000x96xf32> to vector<1x10000x96xf32>
    %squeeze3A = vector.shape_cast %slice3A : vector<1x10000x96xf32> to vector<10000x96xf32>
    %slice3A_3 = vector.extract_strided_slice %get3A_2 {offsets = [1, 0, 0], sizes = [1, 10000, 96], strides = [1, 1, 1]} : vector<2x10000x96xf32> to vector<1x10000x96xf32>
    %squeeze3A_4 = vector.shape_cast %slice3A_3 : vector<1x10000x96xf32> to vector<10000x96xf32>
    %add3A = arith.addf %squeeze3A, %squeeze3A_4 : vector<10000x96xf32>
    %get3A_5 = arith.constant 0 : index
    %get3A_6 = arith.constant 0 : index
    %get3A_7 = vector.load %arg5[%get3A_5, %get3A_6] : memref<96x36xf32, #tpu.memory_space<vmem>>, vector<96x36xf32>
    %dot_general3A = arith.constant dense<0.000000e+00> : vector<10000x36xf32>
    %dot_general3A_8 = tpu.matmul %add3A, %get3A_7, %dot_general3A {dimension_numbers = #tpu.dot_dimension_numbers<[1], [0], [0], [1], [0, 0, 1, 1], [], []>, transpose_lhs_hint = false} : vector<10000x96xf32>, vector<96x36xf32>, vector<10000x36xf32> -> vector<10000x36xf32>
    %get3A_9 = arith.constant 0 : index
    %get3A_10 = vector.load %arg2[%get3A_9] : memref<36xf32, #tpu.memory_space<vmem>>, vector<36xf32>
    %broadcast_in_dim3A = vector.shape_cast %get3A_10 : vector<36xf32> to vector<1x36xf32>
    %add3A_11 = vector.broadcast %broadcast_in_dim3A : vector<1x36xf32> to vector<10000x36xf32>
    %add3A_12 = arith.addf %dot_general3A_8, %add3A_11 : vector<10000x36xf32>
    %get3A_13 = arith.constant 0 : index
    %get3A_14 = arith.constant 0 : index
    %get3A_15 = vector.load %arg1[%get3A_13, %get3A_14] : memref<10000x36xf32, #tpu.memory_space<vmem>>, vector<10000x36xf32>
    %add3A_16 = arith.addf %add3A_12, %get3A_15 : vector<10000x36xf32>
    %max3A = arith.constant 0.000000e+00 : f32
    %max3A_17 = vector.broadcast %max3A : f32 to vector<10000x36xf32>
    %max3A_18 = arith.maximumf %add3A_16, %max3A_17 : vector<10000x36xf32>
    %get3A_19 = arith.constant 0 : index
    %get3A_20 = arith.constant 0 : index
    %get3A_21 = vector.load %arg3[%get3A_19, %get3A_20] : memref<36x36xf32, #tpu.memory_space<vmem>>, vector<36x36xf32>
    %dot_general3A_22 = arith.constant dense<0.000000e+00> : vector<10000x36xf32>
    %dot_general3A_23 = tpu.matmul %max3A_18, %get3A_21, %dot_general3A_22 {dimension_numbers = #tpu.dot_dimension_numbers<[1], [0], [0], [1], [0, 0, 1, 1], [], []>, transpose_lhs_hint = false} : vector<10000x36xf32>, vector<36x36xf32>, vector<10000x36xf32> -> vector<10000x36xf32>
    %get3A_24 = arith.constant 0 : index
    %get3A_25 = arith.constant 0 : index
    %get3A_26 = vector.load %arg6[%get3A_24, %get3A_25] : memref<36x96xf32, #tpu.memory_space<vmem>>, vector<36x96xf32>
    %dot_general3A_27 = arith.constant dense<0.000000e+00> : vector<10000x96xf32>
    %dot_general3A_28 = tpu.matmul %dot_general3A_23, %get3A_26, %dot_general3A_27 {dimension_numbers = #tpu.dot_dimension_numbers<[1], [0], [0], [1], [0, 0, 1, 1], [], []>, transpose_lhs_hint = false} : vector<10000x36xf32>, vector<36x96xf32>, vector<10000x96xf32> -> vector<10000x96xf32>
    %swap3A = arith.constant 0 : index
    %swap3A_29 = arith.constant 0 : index
    %swap3A_30 = vector.load %arg10[%swap3A, %swap3A_29] : memref<10000x96xf32, #tpu.memory_space<vmem>>, vector<10000x96xf32>
    tpu.vector_store %arg10[%swap3A, %swap3A_29], %dot_general3A_28 {strides = array<i32>} : memref<10000x96xf32, #tpu.memory_space<vmem>>, vector<10000x96xf32>,
    %get3A_31 = arith.constant 0 : index
    %get3A_32 = arith.constant 0 : index
    %get3A_33 = vector.load %arg7[%get3A_31, %get3A_32] : memref<36x6xf32, #tpu.memory_space<vmem>>, vector<36x6xf32>
    %dot_general3A_34 = arith.constant dense<0.000000e+00> : vector<10000x6xf32>
    %dot_general3A_35 = tpu.matmul %dot_general3A_23, %get3A_33, %dot_general3A_34 {dimension_numbers = #tpu.dot_dimension_numbers<[1], [0], [0], [1], [0, 0, 1, 1], [], []>, transpose_lhs_hint = false} : vector<10000x36xf32>, vector<36x6xf32>, vector<10000x6xf32> -> vector<10000x6xf32>
    %swap3A_36 = arith.constant 0 : index
    %swap3A_37 = arith.constant 0 : index
    %swap3A_38 = vector.load %arg11[%swap3A_36, %swap3A_37] : memref<10000x6xf32, #tpu.memory_space<vmem>>, vector<10000x6xf32>
    tpu.vector_store %arg11[%swap3A_36, %swap3A_37], %dot_general3A_35 {strides = array<i32>} : memref<10000x6xf32, #tpu.memory_space<vmem>>, vector<10000x6xf32>,
    %get3A_39 = arith.constant 0 : index
    %get3A_40 = arith.constant 0 : index
    %get3A_41 = vector.load %arg8[%get3A_39, %get3A_40] : memref<36x6xf32, #tpu.memory_space<vmem>>, vector<36x6xf32>
    %dot_general3A_42 = arith.constant dense<0.000000e+00> : vector<10000x6xf32>
    %dot_general3A_43 = tpu.matmul %dot_general3A_23, %get3A_41, %dot_general3A_42 {dimension_numbers = #tpu.dot_dimension_numbers<[1], [0], [0], [1], [0, 0, 1, 1], [], []>, transpose_lhs_hint = false} : vector<10000x36xf32>, vector<36x6xf32>, vector<10000x6xf32> -> vector<10000x6xf32>
    %swap3A_44 = arith.constant 0 : index
    %swap3A_45 = arith.constant 0 : index
    %swap3A_46 = vector.load %arg12[%swap3A_44, %swap3A_45] : memref<10000x6xf32, #tpu.memory_space<vmem>>, vector<10000x6xf32>
    tpu.vector_store %arg12[%swap3A_44, %swap3A_45], %dot_general3A_43 {strides = array<i32>} : memref<10000x6xf32, #tpu.memory_space<vmem>>, vector<10000x6xf32>,
    %get3A_47 = arith.constant 0 : index
    %get3A_48 = arith.constant 0 : index
    %get3A_49 = vector.load %arg4[%get3A_47, %get3A_48] : memref<6x36xf32, #tpu.memory_space<vmem>>, vector<6x36xf32>
    %get3A_50 = arith.constant 0 : index
    %get3A_51 = arith.constant 0 : index
    %get3A_52 = vector.load %arg9[%get3A_50, %get3A_51] : memref<36x6xf32, #tpu.memory_space<vmem>>, vector<36x6xf32>
    %dot_general3A_53 = arith.constant dense<0.000000e+00> : vector<6x6xf32>
    %dot_general3A_54 = tpu.matmul %get3A_49, %get3A_52, %dot_general3A_53 {dimension_numbers = #tpu.dot_dimension_numbers<[1], [0], [0], [1], [0, 0, 1, 1], [], []>, transpose_lhs_hint = false} : vector<6x36xf32>, vector<36x6xf32>, vector<6x6xf32> -> vector<6x6xf32>
    %swap3A_55 = arith.constant 0 : index
    %swap3A_56 = arith.constant 0 : index
    %swap3A_57 = vector.load %arg13[%swap3A_55, %swap3A_56] : memref<6x6xf32, #tpu.memory_space<vmem>>, vector<6x6xf32>
    tpu.vector_store %arg13[%swap3A_55, %swap3A_56], %dot_general3A_54 {strides = array<i32>} : memref<6x6xf32, #tpu.memory_space<vmem>>, vector<6x6xf32>,
    %swap3A_58 = arith.constant 0 : index
    %swap3A_59 = arith.constant 0 : index
    %swap3A_60 = vector.load %arg14[%swap3A_58, %swap3A_59] : memref<10000x36xf32, #tpu.memory_space<vmem>>, vector<10000x36xf32>
    tpu.vector_store %arg14[%swap3A_58, %swap3A_59], %max3A_18 {strides = array<i32>} : memref<10000x36xf32, #tpu.memory_space<vmem>>, vector<10000x36xf32>,
    return
  }
}

module attributes {stable_mosaic.version = 14 : i64} {
  func.func @_tc_dense3(%arg0: i32, %arg1: memref<2x1000x96xf32, #tpu.memory_space<vmem>>, %arg2: memref<1000x36xf32, #tpu.memory_space<vmem>>, %arg3: memref<36xf32, #tpu.memory_space<vmem>>, %arg4: memref<36x768xf32, #tpu.memory_space<vmem>>, %arg5: memref<36x128xf32, #tpu.memory_space<vmem>>, %arg6: memref<6x768xf32, #tpu.memory_space<vmem>>, %arg7: memref<96x36xf32, #tpu.memory_space<vmem>>, %arg8: memref<768x6xf32, #tpu.memory_space<vmem>>, %arg9: memref<768x6xf32, #tpu.memory_space<vmem>>, %arg10: memref<768x6xf32, #tpu.memory_space<vmem>>, %arg11: memref<1000x768xf32, #tpu.memory_space<vmem>>, %arg12: memref<1000x6xf32, #tpu.memory_space<vmem>>, %arg13: memref<1000x6xf32, #tpu.memory_space<vmem>>, %arg14: memref<6x6xf32, #tpu.memory_space<vmem>>, %arg15: memref<1000x128xf32, #tpu.memory_space<vmem>>) attributes {dimension_semantics = [#tpu.dimension_semantics<arbitrary>], iteration_bounds = array<i64: 10>, scalar_prefetch = 0 : i64, scratch_operands = 0 : i64, tpu.core_type = #tpu.core_type<tc>, window_params = [{transform_indices = @transform_0, window_bounds = array<i64: 2, 1000, 96>}, {transform_indices = @transform_1, window_bounds = array<i64: 1000, 36>}, {pipeline_mode = #tpu.pipeline_mode<synchronous>, transform_indices = @transform_2, window_bounds = array<i64: 36>}, {pipeline_mode = #tpu.pipeline_mode<synchronous>, transform_indices = @transform_3, window_bounds = array<i64: 36, 768>}, {pipeline_mode = #tpu.pipeline_mode<synchronous>, transform_indices = @transform_4, window_bounds = array<i64: 36, 128>}, {pipeline_mode = #tpu.pipeline_mode<synchronous>, transform_indices = @transform_5, window_bounds = array<i64: 6, 768>}, {pipeline_mode = #tpu.pipeline_mode<synchronous>, transform_indices = @transform_6, window_bounds = array<i64: 96, 36>}, {pipeline_mode = #tpu.pipeline_mode<synchronous>, transform_indices = @transform_7, window_bounds = array<i64: 768, 6>}, {pipeline_mode = #tpu.pipeline_mode<synchronous>, transform_indices = @transform_8, window_bounds = array<i64: 768, 6>}, {pipeline_mode = #tpu.pipeline_mode<synchronous>, transform_indices = @transform_9, window_bounds = array<i64: 768, 6>}, {transform_indices = @transform_10, window_bounds = array<i64: 1000, 768>}, {transform_indices = @transform_11, window_bounds = array<i64: 1000, 6>}, {transform_indices = @transform_12, window_bounds = array<i64: 1000, 6>}, {pipeline_mode = #tpu.pipeline_mode<synchronous>, transform_indices = @transform_13, window_bounds = array<i64: 6, 6>}, {transform_indices = @transform_14, window_bounds = array<i64: 1000, 128>}]} {
    %get3A = arith.constant 0 : index
    %get3A_0 = arith.constant 0 : index
    %get3A_1 = arith.constant 0 : index
    %get3A_2 = vector.load %arg1[%get3A, %get3A_0, %get3A_1] : memref<2x1000x96xf32, #tpu.memory_space<vmem>>, vector<2x1000x96xf32>
    %slice3A = vector.extract_strided_slice %get3A_2 {offsets = [0, 0, 0], sizes = [1, 1000, 96], strides = [1, 1, 1]} : vector<2x1000x96xf32> to vector<1x1000x96xf32>
    %squeeze3A = vector.shape_cast %slice3A : vector<1x1000x96xf32> to vector<1000x96xf32>
    %slice3A_3 = vector.extract_strided_slice %get3A_2 {offsets = [1, 0, 0], sizes = [1, 1000, 96], strides = [1, 1, 1]} : vector<2x1000x96xf32> to vector<1x1000x96xf32>
    %squeeze3A_4 = vector.shape_cast %slice3A_3 : vector<1x1000x96xf32> to vector<1000x96xf32>
    %add3A = arith.addf %squeeze3A, %squeeze3A_4 : vector<1000x96xf32>
    %get3A_5 = arith.constant 0 : index
    %get3A_6 = arith.constant 0 : index
    %get3A_7 = vector.load %arg7[%get3A_5, %get3A_6] : memref<96x36xf32, #tpu.memory_space<vmem>>, vector<96x36xf32>
    %dot_general3A = arith.constant dense<0.000000e+00> : vector<1000x36xf32>
    %dot_general3A_8 = tpu.matmul %add3A, %get3A_7, %dot_general3A {dimension_numbers = #tpu.dot_dimension_numbers<[1], [0], [0], [1], [0, 0, 1, 1], [], []>, transpose_lhs_hint = false} : vector<1000x96xf32>, vector<96x36xf32>, vector<1000x36xf32> -> vector<1000x36xf32>
    %get3A_9 = arith.constant 0 : index
    %get3A_10 = vector.load %arg3[%get3A_9] : memref<36xf32, #tpu.memory_space<vmem>>, vector<36xf32>
    %broadcast_in_dim3A = vector.shape_cast %get3A_10 : vector<36xf32> to vector<1x36xf32>
    %add3A_11 = vector.broadcast %broadcast_in_dim3A : vector<1x36xf32> to vector<1000x36xf32>
    %add3A_12 = arith.addf %dot_general3A_8, %add3A_11 : vector<1000x36xf32>
    %get3A_13 = arith.constant 0 : index
    %get3A_14 = arith.constant 0 : index
    %get3A_15 = vector.load %arg2[%get3A_13, %get3A_14] : memref<1000x36xf32, #tpu.memory_space<vmem>>, vector<1000x36xf32>
    %add3A_16 = arith.addf %add3A_12, %get3A_15 : vector<1000x36xf32>
    %max3A = arith.constant 0.000000e+00 : f32
    %max3A_17 = vector.broadcast %max3A : f32 to vector<1000x36xf32>
    %max3A_18 = arith.maximumf %add3A_16, %max3A_17 : vector<1000x36xf32>
    %get3A_19 = arith.constant 0 : index
    %get3A_20 = arith.constant 0 : index
    %get3A_21 = vector.load %arg4[%get3A_19, %get3A_20] : memref<36x768xf32, #tpu.memory_space<vmem>>, vector<36x768xf32>
    %dot_general3A_22 = arith.constant dense<0.000000e+00> : vector<1000x768xf32>
    %dot_general3A_23 = tpu.matmul %max3A_18, %get3A_21, %dot_general3A_22 {dimension_numbers = #tpu.dot_dimension_numbers<[1], [0], [0], [1], [0, 0, 1, 1], [], []>, transpose_lhs_hint = false} : vector<1000x36xf32>, vector<36x768xf32>, vector<1000x768xf32> -> vector<1000x768xf32>
    %swap3A = arith.constant 0 : index
    %swap3A_24 = arith.constant 0 : index
    %swap3A_25 = vector.load %arg11[%swap3A, %swap3A_24] : memref<1000x768xf32, #tpu.memory_space<vmem>>, vector<1000x768xf32>
    tpu.vector_store %arg11[%swap3A, %swap3A_24], %dot_general3A_23 {strides = array<i32>} : memref<1000x768xf32, #tpu.memory_space<vmem>>, vector<1000x768xf32>,
    %get3A_26 = arith.constant 0 : index
    %get3A_27 = arith.constant 0 : index
    %get3A_28 = vector.load %arg8[%get3A_26, %get3A_27] : memref<768x6xf32, #tpu.memory_space<vmem>>, vector<768x6xf32>
    %dot_general3A_29 = arith.constant dense<0.000000e+00> : vector<1000x6xf32>
    %dot_general3A_30 = tpu.matmul %dot_general3A_23, %get3A_28, %dot_general3A_29 {dimension_numbers = #tpu.dot_dimension_numbers<[1], [0], [0], [1], [0, 0, 1, 1], [], []>, transpose_lhs_hint = false} : vector<1000x768xf32>, vector<768x6xf32>, vector<1000x6xf32> -> vector<1000x6xf32>
    %swap3A_31 = arith.constant 0 : index
    %swap3A_32 = arith.constant 0 : index
    %swap3A_33 = vector.load %arg12[%swap3A_31, %swap3A_32] : memref<1000x6xf32, #tpu.memory_space<vmem>>, vector<1000x6xf32>
    tpu.vector_store %arg12[%swap3A_31, %swap3A_32], %dot_general3A_30 {strides = array<i32>} : memref<1000x6xf32, #tpu.memory_space<vmem>>, vector<1000x6xf32>,
    %get3A_34 = arith.constant 0 : index
    %get3A_35 = arith.constant 0 : index
    %get3A_36 = vector.load %arg9[%get3A_34, %get3A_35] : memref<768x6xf32, #tpu.memory_space<vmem>>, vector<768x6xf32>
    %dot_general3A_37 = arith.constant dense<0.000000e+00> : vector<1000x6xf32>
    %dot_general3A_38 = tpu.matmul %dot_general3A_23, %get3A_36, %dot_general3A_37 {dimension_numbers = #tpu.dot_dimension_numbers<[1], [0], [0], [1], [0, 0, 1, 1], [], []>, transpose_lhs_hint = false} : vector<1000x768xf32>, vector<768x6xf32>, vector<1000x6xf32> -> vector<1000x6xf32>
    %swap3A_39 = arith.constant 0 : index
    %swap3A_40 = arith.constant 0 : index
    %swap3A_41 = vector.load %arg13[%swap3A_39, %swap3A_40] : memref<1000x6xf32, #tpu.memory_space<vmem>>, vector<1000x6xf32>
    tpu.vector_store %arg13[%swap3A_39, %swap3A_40], %dot_general3A_38 {strides = array<i32>} : memref<1000x6xf32, #tpu.memory_space<vmem>>, vector<1000x6xf32>,
    %get3A_42 = arith.constant 0 : index
    %get3A_43 = arith.constant 0 : index
    %get3A_44 = vector.load %arg6[%get3A_42, %get3A_43] : memref<6x768xf32, #tpu.memory_space<vmem>>, vector<6x768xf32>
    %get3A_45 = arith.constant 0 : index
    %get3A_46 = arith.constant 0 : index
    %get3A_47 = vector.load %arg10[%get3A_45, %get3A_46] : memref<768x6xf32, #tpu.memory_space<vmem>>, vector<768x6xf32>
    %dot_general3A_48 = arith.constant dense<0.000000e+00> : vector<6x6xf32>
    %dot_general3A_49 = tpu.matmul %get3A_44, %get3A_47, %dot_general3A_48 {dimension_numbers = #tpu.dot_dimension_numbers<[1], [0], [0], [1], [0, 0, 1, 1], [], []>, transpose_lhs_hint = false} : vector<6x768xf32>, vector<768x6xf32>, vector<6x6xf32> -> vector<6x6xf32>
    %swap3A_50 = arith.constant 0 : index
    %swap3A_51 = arith.constant 0 : index
    %swap3A_52 = vector.load %arg14[%swap3A_50, %swap3A_51] : memref<6x6xf32, #tpu.memory_space<vmem>>, vector<6x6xf32>
    tpu.vector_store %arg14[%swap3A_50, %swap3A_51], %dot_general3A_49 {strides = array<i32>} : memref<6x6xf32, #tpu.memory_space<vmem>>, vector<6x6xf32>,
    %get3A_53 = arith.constant 0 : index
    %get3A_54 = arith.constant 0 : index
    %get3A_55 = vector.load %arg5[%get3A_53, %get3A_54] : memref<36x128xf32, #tpu.memory_space<vmem>>, vector<36x128xf32>
    %dot_general3A_56 = arith.constant dense<0.000000e+00> : vector<1000x128xf32>
    %dot_general3A_57 = tpu.matmul %max3A_18, %get3A_55, %dot_general3A_56 {dimension_numbers = #tpu.dot_dimension_numbers<[1], [0], [0], [1], [0, 0, 1, 1], [], []>, transpose_lhs_hint = false} : vector<1000x36xf32>, vector<36x128xf32>, vector<1000x128xf32> -> vector<1000x128xf32>
    %swap3A_58 = arith.constant 0 : index
    %swap3A_59 = arith.constant 0 : index
    %swap3A_60 = vector.load %arg15[%swap3A_58, %swap3A_59] : memref<1000x128xf32, #tpu.memory_space<vmem>>, vector<1000x128xf32>
    tpu.vector_store %arg15[%swap3A_58, %swap3A_59], %dot_general3A_57 {strides = array<i32>} : memref<1000x128xf32, #tpu.memory_space<vmem>>, vector<1000x128xf32>,
    return
  }
  func.func @transform_0(%arg0: i32) -> (i32, i32, i32) {
    %c0_i32 = arith.constant 0 : i32
    %c0_i32_0 = arith.constant 0 : i32
    %c0_i32_1 = arith.constant 0 : i32
    return %c0_i32, %arg0, %c0_i32_0 : i32, i32, i32
  }
  func.func @transform_1(%arg0: i32) -> (i32, i32) {
    %c0_i32 = arith.constant 0 : i32
    %c0_i32_0 = arith.constant 0 : i32
    return %arg0, %c0_i32 : i32, i32
  }
  func.func @transform_2(%arg0: i32) -> i32 {
    %c0_i32 = arith.constant 0 : i32
    %c0_i32_0 = arith.constant 0 : i32
    return %c0_i32 : i32
  }
  func.func @transform_3(%arg0: i32) -> (i32, i32) {
    %c0_i32 = arith.constant 0 : i32
    %c0_i32_0 = arith.constant 0 : i32
    %c0_i32_1 = arith.constant 0 : i32
    return %c0_i32, %c0_i32_0 : i32, i32
  }
  func.func @transform_4(%arg0: i32) -> (i32, i32) {
    %c0_i32 = arith.constant 0 : i32
    %c0_i32_0 = arith.constant 0 : i32
    %c0_i32_1 = arith.constant 0 : i32
    return %c0_i32, %c0_i32_0 : i32, i32
  }
  func.func @transform_5(%arg0: i32) -> (i32, i32) {
    %c0_i32 = arith.constant 0 : i32
    %c0_i32_0 = arith.constant 0 : i32
    %c0_i32_1 = arith.constant 0 : i32
    return %c0_i32, %c0_i32_0 : i32, i32
  }
  func.func @transform_6(%arg0: i32) -> (i32, i32) {
    %c0_i32 = arith.constant 0 : i32
    %c0_i32_0 = arith.constant 0 : i32
    %c0_i32_1 = arith.constant 0 : i32
    return %c0_i32, %c0_i32_0 : i32, i32
  }
  func.func @transform_7(%arg0: i32) -> (i32, i32) {
    %c0_i32 = arith.constant 0 : i32
    %c0_i32_0 = arith.constant 0 : i32
    %c0_i32_1 = arith.constant 0 : i32
    return %c0_i32, %c0_i32_0 : i32, i32
  }
  func.func @transform_8(%arg0: i32) -> (i32, i32) {
    %c0_i32 = arith.constant 0 : i32
    %c0_i32_0 = arith.constant 0 : i32
    %c0_i32_1 = arith.constant 0 : i32
    return %c0_i32, %c0_i32_0 : i32, i32
  }
  func.func @transform_9(%arg0: i32) -> (i32, i32) {
    %c0_i32 = arith.constant 0 : i32
    %c0_i32_0 = arith.constant 0 : i32
    %c0_i32_1 = arith.constant 0 : i32
    return %c0_i32, %c0_i32_0 : i32, i32
  }
  func.func @transform_10(%arg0: i32) -> (i32, i32) {
    %c0_i32 = arith.constant 0 : i32
    %c0_i32_0 = arith.constant 0 : i32
    return %arg0, %c0_i32 : i32, i32
  }
  func.func @transform_11(%arg0: i32) -> (i32, i32) {
    %c0_i32 = arith.constant 0 : i32
    %c0_i32_0 = arith.constant 0 : i32
    return %arg0, %c0_i32 : i32, i32
  }
  func.func @transform_12(%arg0: i32) -> (i32, i32) {
    %c0_i32 = arith.constant 0 : i32
    %c0_i32_0 = arith.constant 0 : i32
    return %arg0, %c0_i32 : i32, i32
  }
  func.func @transform_13(%arg0: i32) -> (i32, i32) {
    %c0_i32 = arith.constant 0 : i32
    %c0_i32_0 = arith.constant 0 : i32
    %c0_i32_1 = arith.constant 0 : i32
    return %c0_i32, %c0_i32_0 : i32, i32
  }
  func.func @transform_14(%arg0: i32) -> (i32, i32) {
    %c0_i32 = arith.constant 0 : i32
    %c0_i32_0 = arith.constant 0 : i32
    return %arg0, %c0_i32 : i32, i32
  }
}

module attributes {stable_mosaic.version = 14 : i64} {
  func.func @_tc_final(%arg0: memref<2x10000x128xf32, #tpu.memory_space<vmem>>, %arg1: memref<128xf32, #tpu.memory_space<vmem>>, %arg2: memref<10000x128xf32, #tpu.memory_space<vmem>>, %arg3: memref<10000x128xf32, #tpu.memory_space<vmem>>) attributes {dimension_semantics = [], scalar_prefetch = 0 : i64, scratch_operands = 0 : i64, tpu.core_type = #tpu.core_type<tc>} {
    %get3A = arith.constant 0 : index
    %get3A_0 = arith.constant 0 : index
    %get3A_1 = arith.constant 0 : index
    %get3A_2 = vector.load %arg0[%get3A, %get3A_0, %get3A_1] : memref<2x10000x128xf32, #tpu.memory_space<vmem>>, vector<2x10000x128xf32>
    %slice3A = vector.extract_strided_slice %get3A_2 {offsets = [0, 0, 0], sizes = [1, 10000, 128], strides = [1, 1, 1]} : vector<2x10000x128xf32> to vector<1x10000x128xf32>
    %squeeze3A = vector.shape_cast %slice3A : vector<1x10000x128xf32> to vector<10000x128xf32>
    %slice3A_3 = vector.extract_strided_slice %get3A_2 {offsets = [1, 0, 0], sizes = [1, 10000, 128], strides = [1, 1, 1]} : vector<2x10000x128xf32> to vector<1x10000x128xf32>
    %squeeze3A_4 = vector.shape_cast %slice3A_3 : vector<1x10000x128xf32> to vector<10000x128xf32>
    %add3A = arith.addf %squeeze3A, %squeeze3A_4 : vector<10000x128xf32>
    %mul3A = arith.constant 0.166666672 : f32
    %mul3A_5 = vector.broadcast %mul3A : f32 to vector<10000x128xf32>
    %mul3A_6 = arith.mulf %add3A, %mul3A_5 : vector<10000x128xf32>
    %get3A_7 = arith.constant 0 : index
    %get3A_8 = vector.load %arg1[%get3A_7] : memref<128xf32, #tpu.memory_space<vmem>>, vector<128xf32>
    %broadcast_in_dim3A = vector.shape_cast %get3A_8 : vector<128xf32> to vector<1x128xf32>
    %add3A_9 = vector.broadcast %broadcast_in_dim3A : vector<1x128xf32> to vector<10000x128xf32>
    %add3A_10 = arith.addf %mul3A_6, %add3A_9 : vector<10000x128xf32>
    %get3A_11 = arith.constant 0 : index
    %get3A_12 = arith.constant 0 : index
    %get3A_13 = vector.load %arg2[%get3A_11, %get3A_12] : memref<10000x128xf32, #tpu.memory_space<vmem>>, vector<10000x128xf32>
    %add3A_14 = arith.addf %add3A_10, %get3A_13 : vector<10000x128xf32>
    %reduce_max3A = arith.constant dense<0xFF800000> : vector<128xf32>
    %reduce_max3A_15 = vector.multi_reduction <maximumf>, %add3A_14, %reduce_max3A [0] : vector<10000x128xf32> to vector<128xf32>
    %broadcast_in_dim3A_16 = vector.shape_cast %reduce_max3A_15 : vector<128xf32> to vector<1x128xf32>
    %sub3A = vector.broadcast %broadcast_in_dim3A_16 : vector<1x128xf32> to vector<10000x128xf32>
    %sub3A_17 = arith.subf %add3A_14, %sub3A : vector<10000x128xf32>
    %exp3A = math.exp %sub3A_17 : vector<10000x128xf32>
    %reduce_sum3A = arith.constant dense<0.000000e+00> : vector<128xf32>
    %reduce_sum3A_18 = vector.multi_reduction <add>, %exp3A, %reduce_sum3A [0] : vector<10000x128xf32> to vector<128xf32>
    %broadcast_in_dim3A_19 = vector.shape_cast %reduce_sum3A_18 : vector<128xf32> to vector<1x128xf32>
    %div3A = vector.broadcast %broadcast_in_dim3A_19 : vector<1x128xf32> to vector<10000x128xf32>
    %div3A_20 = arith.divf %exp3A, %div3A : vector<10000x128xf32>
    %swap3A = arith.constant 0 : index
    %swap3A_21 = arith.constant 0 : index
    %swap3A_22 = vector.load %arg3[%swap3A, %swap3A_21] : memref<10000x128xf32, #tpu.memory_space<vmem>>, vector<10000x128xf32>
    tpu.vector_store %arg3[%swap3A, %swap3A_21], %div3A_20 {strides = array<i32>} : memref<10000x128xf32, #tpu.memory_space<vmem>>, vector<10000x128xf32>,
    return
  }
}

</mosaic_0001>

<sc_bundles>
// kernel: kernel.15.cloned.1.call-start
scs
__scs_entry_jumppad:
0x0: {  	(pc) =	sbr.rel $0x88, $3  }
0x1: {  	(tag) =	ssettag $0x0;
	lr =	simm.s32 $0x1  }
0x2: {  	[smem:$0x3F89] =	sst lr;
	_ =	strace $0xD0000000  }
0x3: {  	_ = 	snop  }
0x4: {  	_ = 	snop  }
0x5: {  	_ = 	snop  }
0x6: {  	_ = 	snop  }
0x7: {  	_ = 	snop  }
__scs_overlays_trampoline_lowered:
0x8: {  	[smem:$0x3F98] =	sst s0  }
0x9: {  	[smem:$0x3F99] =	sst s1  }
0xa: {  	[smem:$0x3F9A] =	sst s2  }
0xb: {  	[smem:$0x3F9B] =	sst s3  }
0xc: {  	[smem:$0x3F9C] =	sst s4  }
0xd: {  	[smem:$0x3F9D] =	sst s5  }
0xe: {  	[smem:$0x3F9E] =	sst s6  }
0xf: {  	[smem:$0x3F9F] =	sst s7  }
0x10: {  	[smem:$0x3FA0] =	sst s8  }
0x11: {  	[smem:$0x3FA1] =	sst s9;
	s0 =	simm.s32 @!p0 $0x0  }
0x12: {  	s1 =	sld [smem:$0x3F87];
	s0 =	simm.s32 @p0 $0x1  }
0x13: {  	[smem:$0x3FA2] =	sst s0;
	s0 =	simm.s32 @!p1 $0x0  }
0x14: {  	s2 =	sld [smem:$0x3F86];
	s0 =	simm.s32 @p1 $0x1  }
0x15: {  	[smem:$0x3FA3] =	sst s0;
	s0 =	simm.s32 @!p2 $0x0  }
0x16: {  	s3 =	sld [smem:$0x3FDB];
	s0 =	simm.s32 @p2 $0x1  }
0x17: {  	s4 =	simm.s32 $0x1BF5;
	[smem:$0x3FA5] =	sst s0  }
0x18: {  	s0 =	sld [smem:$0x3F88];
	_ =	swait.ge [sflag:s4], $0x0  }
0x19: {  	s7 =	sld [smem:$0x3F89]  }
0x1a: {  	s8 =	sadd.s32 $0xFFFFE003, lr  }
0x1b: {  	s9 =	sadd.s32 $0xFFFFFEF7, lr;
	s5 =	simm.s32 $0xFFFFFFFF;
	p2 =	slt.u32 s8, $0xFFFFF086  }
0x1c: {  	p1 =	slt.u32 s9, $0xF7A;
	s5 =	simm.s32 @!p2 $0x0  }
0x1d: {  	s5 =	simm.s32 @p1 $0x1;
	p0 =	seq.s32 s7, s2  }
0x1e: {  	s7 =	smul.u32 @!p0 $0xF7A, s2;
	p2 =	seq.s32 @!p0 s5, $0x0  }
0x1f: {  	s9 =	smul.u32 $0xF7A, s1;
	s8 =	simm.s32 @!p0 $0x1BF5;
	p2 =	por !p2, p0  }
0x20: {  	[sflag:s8] =	ssyncset.s32 @!p0 $0xFFFFF086;
	s6 =	sadd.s32 @!p0 s3, s7;
	s7 =	simm.s32 @!p0 $0x108  }
0x21: {  	s3 =	sadd.s32 s3, s9;
	s6 =	sadd.s32 @!p0 $0x88, s6;
	s7 =	simm.s32 @p2 $0x1082  }
0x22: {  	[simem:s7], [sflag:s8] =	dma.local @!p0 [hbm:s6], $0xF7A  }
0x23: {  	s9 =	sor.u32 $0xD0000000, s2;
	s6 =	simm.s32 $0x108;
	_ =	swait.ge @!p0 [sflag:s8], $0x0  }
0x24: {  	s3 =	sadd.s32 $0x88, s3;
	s6 =	simm.s32 @!p1 $0x1082;
	[sflag:s4] =	ssyncset.s32 $0xFFFFF086  }
0x25: {  	[simem:s6], [sflag:s4] =	dma.local [hbm:s3], $0xF7A  }
0x26: {  	[smem:$0x3F89] =	sst s1;
	(tag) =	ssettag s2;
	_ =	strace s9  }
0x27: {  	s1 =	sld [smem:$0x3F99]  }
0x28: {  	s2 =	sld [smem:$0x3F9A]  }
0x29: {  	s4 =	sld [smem:$0x3F9C]  }
0x2a: {  	p0 =	seq.s32 s5, $0x0;
	s5 =	sld [smem:$0x3F9D]  }
0x2b: {  	s6 =	sld [smem:$0x3F9E]  }
0x2c: {  	s7 =	sld [smem:$0x3F9F]  }
0x2d: {  	s3 =	simm.s32 $0x108;
	s8 =	sld [smem:$0x3FA0]  }
0x2e: {  	s3 =	simm.s32 @!p0 $0x1082;
	s9 =	sld [smem:$0x3FA1]  }
0x2f: {  	lr =	sadd.s32 s0, s3;
	s0 =	sld [smem:$0x3F98]  }
0x30: {  	s3 =	sld [smem:$0x3F9B]  }
0x31: {  	[smem:$0x3FA4] =	sst s10  }
0x32: {  	s10 =	sld [smem:$0x3FA2];
	_ =	sdelay $0x3  }
0x33: {  	p0 =	seq.s32 s10, $0x1;
	s10 =	sld [smem:$0x3FA4];
	_ =	sdelay $0x3  }
0x34: {  	[smem:$0x3FA4] =	sst s10  }
0x35: {  	s10 =	sld [smem:$0x3FA3];
	_ =	sdelay $0x3  }
0x36: {  	p1 =	seq.s32 s10, $0x1;
	s10 =	sld [smem:$0x3FA4];
	_ =	sdelay $0x3  }
0x37: {  	[smem:$0x3FA4] =	sst s10  }
0x38: {  	s10 =	sld [smem:$0x3FA5]  }
0x39: {  	_ = 	snop;
	(pc) =	sbr.ind lr, $3  }
0x3a: {  	_ = 	snop  }
0x3b: {  	_ = 	snop  }
0x3c: {  	p2 =	seq.s32 s10, $0x1;
	s10 =	sld [smem:$0x3FA4]  }
0x3d: {  	_ =	shalt  }
0x3e: {  	_ =	shalt  }
0x3f: {  	_ =	shalt  }
0x40: {  	_ =	shalt  }
0x41: {  	_ =	shalt  }
0x42: {  	_ =	shalt  }
0x43: {  	_ =	shalt  }
0x44: {  	_ =	shalt  }
0x45: {  	_ =	shalt  }
0x46: {  	_ =	shalt  }
0x47: {  	_ =	shalt  }
0x48: {  	_ =	shalt  }
0x49: {  	_ =	shalt  }
0x4a: {  	_ =	shalt  }
0x4b: {  	_ =	shalt  }
0x4c: {  	_ =	shalt  }
0x4d: {  	_ =	shalt  }
0x4e: {  	_ =	shalt  }
0x4f: {  	_ =	shalt  }
0x50: {  	_ =	shalt  }
0x51: {  	_ =	shalt  }
0x52: {  	_ =	shalt  }
0x53: {  	_ =	shalt  }
0x54: {  	_ =	shalt  }
0x55: {  	_ =	shalt  }
0x56: {  	_ =	shalt  }
0x57: {  	_ =	shalt  }
0x58: {  	_ =	shalt  }
0x59: {  	_ =	shalt  }
0x5a: {  	_ =	shalt  }
0x5b: {  	_ =	shalt  }
0x5c: {  	_ =	shalt  }
0x5d: {  	_ =	shalt  }
0x5e: {  	_ =	shalt  }
0x5f: {  	_ =	shalt  }
0x60: {  	_ =	shalt  }
0x61: {  	_ =	shalt  }
0x62: {  	_ =	shalt  }
0x63: {  	_ =	shalt  }
0x64: {  	_ =	shalt  }
0x65: {  	_ =	shalt  }
0x66: {  	_ =	shalt  }
0x67: {  	_ =	shalt  }
0x68: {  	_ =	shalt  }
0x69: {  	_ =	shalt  }
0x6a: {  	_ =	shalt  }
0x6b: {  	_ =	shalt  }
0x6c: {  	_ =	shalt  }
0x6d: {  	_ =	shalt  }
0x6e: {  	_ =	shalt  }
0x6f: {  	_ =	shalt  }
0x70: {  	_ =	shalt  }
0x71: {  	_ =	shalt  }
0x72: {  	_ =	shalt  }
0x73: {  	_ =	shalt  }
0x74: {  	_ =	shalt  }
0x75: {  	_ =	shalt  }
0x76: {  	_ =	shalt  }
0x77: {  	_ =	shalt  }
0x78: {  	_ =	shalt  }
0x79: {  	_ =	shalt  }
0x7a: {  	_ =	shalt  }
0x7b: {  	_ =	shalt  }
0x7c: {  	_ =	shalt  }
0x7d: {  	_ =	shalt  }
0x7e: {  	_ =	shalt  }
0x7f: {  	_ =	shalt  }
0x80: {  	_ =	shalt  }
0x81: {  	_ =	shalt  }
0x82: {  	_ =	shalt  }
0x83: {  	_ =	shalt  }
0x84: {  	_ =	shalt  }
0x85: {  	_ =	shalt  }
0x86: {  	_ =	shalt  }
0x87: {  	_ =	shalt  }
.Lfunc_end0:
.L_simem_size_0:
called_computation_lowered:
.L_overlay_start_0:
0x88: {  	s2 =	sld [smem:$0x3FD9]  }
0x89: {  	s3 =	sld [smem:$0x3FFE];
	_ =	sdelay $0x1  }
0x8a: {  	s1 =	srdreg.scid  }
0x8b: {  	s0 =	sand.u32 $0x1, s1  }
0x8c: {  	s16 =	sshll.u32 s0, $0xA;
	s2 =	sadd.s32 s3, s2  }
0x8d: {  	s2 =	sadd.s32 s2, s16  }
0x8e: {  	[smem:$0x3FB0] =	sst s2  }
0x8f: {  	_ = 	snop  }
0x90: {  	(tm) =	ssettm $0x1  }
0x91: {  	s17 =	sld [smem:$0x3FFB];
	_ =	sdelay $0x3  }
0x92: {  	_ =	strace s17  }
0x93: {  	s2 =	sld [smem:$0x3FFC];
	_ =	sdelay $0x3  }
0x94: {  	_ =	strace s2  }
0x95: {  	s2 =	sld [smem:$0x3FFD];
	_ =	sdelay $0x3  }
0x96: {  	_ =	strace s2  }
0x97: {  	_ =	strace $0x8FFFFFFF  }
0x98: {  	s18 =	sld [smem:$0x3FDB];
	_ =	sdelay $0x1  }
0x99: {  	s19 =	simm.s32 $_scs_section_size  }
0x9a: {  	s4 =	simm.s32 $_size__tile_overlayer_lowered;
	s5 =	simm.s32 $_tile_overlayer_lowered  }
0x9b: {  	s22 =	simm.s32 $0x1BFF;
	s21 =	sshll.u32 s5, $0x1;
	s2 =	sadd.s32 s19, s18  }
0x9c: {  	s6 =	simm.s32 $0x0;
	s20 =	sshll.u32 s4, $0x1;
	s4 =	sadd.s32 s21, s2  }
0x9d: {  	[timem:s6], [sflag:s22] =	dma.local [hbm:s4], s20  }
0x9e: {  	_ =	swait.ge [sflag:s22], s20  }
0x9f: {  	s3 =	ssub.s32 $0x0, s20;
	[sflag:s22] =	ssyncset.done $0x0  }
0xa0: {  	[sflag:s22] =	ssyncadd.s32 s3;
	_ =	sdelay $0x1  }
0xa1: {  	s23 =	simm.s32 $0x1B8B  }
0xa2: {  	_ =	swait.ge [sflag:s23], $0x1  }
0xa3: {  	[sflag:s23] =	ssyncset.done $0x0  }
0xa4: {  	s25 =	simm.s32 $0x1B8E;
	s24 =	sld [smem:$0x3FFE];
	[sflag:s23] =	ssyncadd.s32 $0xFFFFFFFF  }
0xa5: {  	s26 =	simm.s32 $execute0_lowered;
	[smem:$0x3FD2] =	sst s25  }
0xa6: {  	s4 =	sshll.u32 s26, $0x1;
	_ =	strace $0x80000046;
	[dreg:$0x1] =	wrdreg $0xFFFFFFFF  }
0xa7: {  	s28 =	simm.s32 $_size_execute0_lowered;
	s2 =	sadd.s32 s2, s4;
	[dreg:$0x0] =	wrdreg $0x0  }
0xa8: {  	s4 =	sshll.u32 s28, $0x1;
	[dreg:$0x2] =	wrdreg s2  }
0xa9: {  	[dreg:$0x3] =	wrdreg s4  }
0xaa: {  	[dreg:$0x4] =	wrdreg $0xC0  }
0xab: {  	_ =	task [dreg:s6], $0x5FFFF  }
0xac: {  	[dreg:$0x1] =	wrdreg $0xFFFFFFFF  }
0xad: {  	[dreg:$0x0] =	wrdreg $0x60  }
0xae: {  	[dreg:$0x2] =	wrdreg s24  }
0xaf: {  	[dreg:$0x3] =	wrdreg $0x86000  }
0xb0: {  	[dreg:$0x4] =	wrdreg $0x9  }
0xb1: {  	_ =	task.clear_ibuf [dreg:s6], $0x5FFFF;
	_ =	strace $0x90000046  }
0xb2: {  	s29 =	simm.s32 $0x9;
	_ =	strace $0x80000048  }
0xb3: {  	_ =	swait.ge [sflag:s29], $0x1  }
0xb4: {  	[sflag:s29] =	ssyncadd.s32 $0xFFFFFFFF  }
0xb5: {  	_ =	strace $0x90000048  }
0xb6: {  	_ =	sfence  }
0xb7: {  	s30 =	sld [smem:$0x0];
	_ =	sdelay $0x2  }
0xb8: {  	s31 =	sshll.u32 s1, $0xD;
	s1 =	sshrl.u32 s1, $0x2  }
0xb9: {  	s3 =	sand.u32 $0x4000, s31;
	s1 =	sadd.s32 s1, s30  }
0xba: {  	s0 =	sor.u32 s3, s0;
	s1 =	sshll.u32 s1, $0x11  }
0xbb: {  	s0 =	sor.u32 s1, s0  }
0xbc: {  	s0 =	sadd.s32 $0x8F2B, s0  }
0xbd: {  	[sflag:s0] =	ssyncadd.remote.s32 $0x1  }
0xbe: {  	_ =	sfence.sel $0xFFFF  }
0xbf: {  	[dreg:$0x0] =	wrdreg $0xFFFFFFFF;
	(pc) =	sbr.abs _section_cstart, $3  }
0xc0: {  	[dreg:$0x1] =	wrdreg $0xFFFFFFFF  }
0xc1: {  	_ =	task.clear_ibuf [dreg:s6], $0x2FFFF;
	_ =	strace $0x9FFFFFFF  }
0xc2: {  	(tm) =	ssettm $0x7FFFFFFF  }
0xc3: {  	_ =	shalt  }
tec
execute0_lowered:
.L_overlay_start_1:
0x0: {  	(tag) =	ssettag $0x1  }
0x1: {  	s10 =	rddreg [dreg:$0x0]  }
0x2: {  	s1 =	rddreg [dreg:$0x1];
	s2 =	simm.s32 $0x0;
	s3 =	srdreg.scid  }
0x3: {  	s13 =	stileid.u32;
	s16 =	simm.s32 $0x400;
	s17 =	simm.s32 $0x1  }
0x4: {  	s18 =	simm.s32 $0x600;
	s19 =	simm.s32 $0x2600;
	s20 =	simm.s32 $0x4600  }
0x5: {  	s21 =	simm.s32 $0x6600;
	s22 =	simm.s32 $0x2;
	s23 =	simm.s32 $0x0  }
0x6: {  	[smem:$0x7FF] =	sst s2;
	s11 =	sand.u32 $0x1, s3;
	s3 =	sadd.s32 $0xF800, s10  }
0x7: {  	s4 =	sadd.s32 $0x23800, s10;
	s5 =	sadd.s32 $0x19800, s10;
	s6 =	sadd.s32 $0xA600, s10  }
0x8: {  	s7 =	sadd.s32 $0x5600, s10;
	s8 =	sadd.s32 $0xF600, s10;
	s9 =	sadd.s32 $0x2D800, s10  }
0x9: {  	p0 =	sne.s32 s13, $0x0;
	s12 =	smul.u32 $0x4E40, s11;
	s14 =	ssub.s32 $0x2, s11  }
0xa: {  	_ =	strace $0x80000047;
	s11 =	sshll.u32 s11, $0x4;
	s15 =	sshrl.u32 s14, $0x1  }
0xb: {  	s11 =	sor.u32 s13, s11;
	s12 =	sadd.s32 s12, s10;
	s10 =	sadd.s32 $0x3C600, s10  }
0xc: {  	s14 =	ssub.s32 s14, s15;
	s11 =	smul.u32 $0x2800, s11;
	s15 =	simm.s32 $0x200  }
0xd: {  	s12 =	sadd.s32 $0x32800, s12;
	s13 =	smax.u32 s14, $0x1;
	s14 =	sshrl.u32 @!p0 s1, $0x3  }
.LBB2_1:
0xe: {  	s24 =	simm.s32 @!p0 $0x1C02  }
0xf: {  	[spmem:s14], [sflag:s24] =	dma.local @!p0 [hbm:s9], $0x4E40  }
0x10: {  	s24 =	simm.s32 @!p0 $0x2  }
0x11: {  	_ =	swait.ge @!p0 [sflag:s24], $0x4E40  }
0x12: {  	[sflag:s24] =	ssyncset.done @!p0 $0x0  }
0x13: {  	[sflag:s24] =	ssyncadd.s32 @!p0 $0xFFFFB1C0  }
0x14: {  	s24 =	simm.s32 $0x0;
	[bflag:$0x0] =	sbarrier.arrive $0xFFFF  }
.LBB2_2:
0x15: {  	s25 =	sshll.u32 s24, $0x9  }
0x16: {  	s25 =	sadd.s32 s11, s25  }
0x17: {  	s26 =	sshrl.u32 s25, $0x3  }
0x18: {  	s29 =	simm.s32 $0x0;
	s28 =	sadd.s32 s3, s26  }
0x19: {  	[tilespmem:s29], [sflag:$0x1] =	stream.linear.gather [hbm4b:s28+s29], $0x200, $0x38;
	[tilespmem:$0xAD20] =	vst v63  }
0x1a: {  	s28 =	sadd.s32 s4, s26  }
0x1b: {  	[tilespmem:s15], [sflag:$0x1] =	stream.linear.gather [hbm4b:s28+s29], $0x200, $0x38;
	[tilespmem:$0xAD20] =	vst v63  }
0x1c: {  	s26 =	sadd.s32 s5, s26  }
0x1d: {  	[tilespmem:s16], [sflag:$0x1] =	stream.linear.gather [hbm4b:s26+s29], $0x200, $0x38;
	[tilespmem:$0xAD20] =	vst v63  }
0x1e: {  	_ =	swait.ge [sflag:s17], $0x200  }
0x1f: {  	[sflag:s17] =	ssyncset.done $0x0  }
0x20: {  	[sflag:s17] =	ssyncadd.s32 $0xFFFFFE00  }
0x21: {  	_ =	swait.ge [sflag:s17], $0x200  }
0x22: {  	[sflag:s17] =	ssyncset.done $0x0  }
0x23: {  	[sflag:s17] =	ssyncadd.s32 $0xFFFFFE00  }
0x24: {  	_ =	swait.ge [sflag:s17], $0x200  }
0x25: {  	[sflag:s17] =	ssyncset.done $0x0  }
0x26: {  	[sflag:s17] =	ssyncadd.s32 $0xFFFFFE00  }
0x27: {  	[tilespmem:s18], [sflag:$0x1] =	stream.indirect.gather [hbm4b:s6+s15], $0x10, s29, s15, $0xb8;
	[tilespmem:$0xAD20] =	vst v63  }
0x28: {  	_ = 	snop  }
0x29: {  	[tilespmem:s19], [sflag:$0x1] =	stream.indirect.gather [hbm4b:s7+s15], $0x10, s15, s15, $0xb8;
	[tilespmem:$0xAD20] =	vst v63  }
0x2a: {  	_ = 	snop  }
0x2b: {  	[tilespmem:s20], [sflag:$0x1] =	stream.indirect.gather [hbm4b:s8+s15], $0x10, s16, s15, $0xb8;
	[tilespmem:$0xAD20] =	vst v63  }
0x2c: {  	_ =	swait.ge [sflag:s17], $0x2000  }
0x2d: {  	[sflag:s17] =	ssyncset.done $0x0  }
0x2e: {  	[sflag:s17] =	ssyncadd.s32 $0xFFFFE000  }
0x2f: {  	_ =	swait.ge [sflag:s17], $0x2000  }
0x30: {  	[sflag:s17] =	ssyncset.done $0x0  }
0x31: {  	[sflag:s17] =	ssyncadd.s32 $0xFFFFE000  }
0x32: {  	_ =	swait.ge [sflag:s17], $0x2000  }
0x33: {  	[sflag:s17] =	ssyncset.done $0x0  }
0x34: {  	s26 =	simm.s32 $0x0;
	[sflag:s17] =	ssyncadd.s32 $0xFFFFE000  }
0x35: {  	v0 =	vld [tilespmem:s26+$0x600]  }
0x36: {  	s28 =	simm.s32 $0x10;
	v1 =	vld [tilespmem:s26+$0x2600]  }
0x37: {  	v2 =	vld [tilespmem:s28+$0x600]  }
0x38: {  	v3 =	vld [tilespmem:s28+$0x2600]  }
0x39: {  	v4 =	vld [tilespmem:s26+$0x4600];
	_ =	sdelay $0x1  }
0x3a: {  	v5 =	vld [tilespmem:s28+$0x4600]  }
0x3b: {  	v0 =	vadd.f32 v1, v0;
	_ =	sdelay $0x1  }
0x3c: {  	v2 =	vadd.f32 v3, v2;
	v0 =	vadd.f32 v4, v0;
	_ =	sdelay $0x1  }
0x3d: {  	v2 =	vadd.f32 v5, v2;
	v5 =	vmul.f32 $2.000000030e-01, v0  }
0x3e: {  	s29 =	simm.s32 $0x20  }
0x3f: {  	v1 =	vld [tilespmem:s29+$0x600];
	v0 =	vmax.f32 v0, v5  }
0x40: {  	v3 =	vld [tilespmem:s29+$0x2600];
	v5 =	vmul.f32 $1.442695020e+00, v0  }
0x41: {  	v6 =	vmul.f32 $2.000000030e-01, v2  }
0x42: {  	v4 =	vld [tilespmem:s29+$0x4600];
	(erf) = vpow2.f32 v5  }
0x43: {  	v2 =	vmax.f32 v2, v6  }
0x44: {  	s30 =	simm.s32 $0x30;
	v6 =	vmul.f32 $1.442695020e+00, v2  }
0x45: {  	v1 =	vadd.f32 v3, v1;
	v0 =	vld [tilespmem:s30+$0x600]  }
0x46: {  	v2 =	vld [tilespmem:s30+$0x2600];
	(erf) = vpow2.f32 v6  }
0x47: {  	v3 =	vadd.f32 v4, v1  }
0x48: {  	v1 =	vld [tilespmem:s30+$0x4600]  }
0x49: {  	s31 =	simm.s32 $0x100;
	v4 =	vmul.f32 $2.000000030e-01, v3  }
.LBB2_3:
0x4a: {  	s0 =	sshra.s32 s31, $0x2;
	p1 =	sne.s32 s31, $0x7FC0  }
.Ltmp0:
0x4b: {  	s31 =	sadd.s32 $0x40, s31;
	v5 =	vadd.f32 v2, v0;
	v0 =	vld [tilespmem:s0+$0x600];
	v3 =	vmax.f32 v3, v4;
	v4 =	vpop (erf);
	(pc) =	sbr.rel @p1 .LBB2_3-.Ltmp0, $4  }
0x4c: {  	v2 =	vld [tilespmem:s0+$0x2600];
	v6 =	vmul.f32 $1.442695020e+00, v3;
	[tilespmem:s26+$0x6600] =	vst v4;
	s26 =	smov.u32 s28;
	s28 =	smov.u32 s29;
	s29 =	smov.u32 s30  }
0x4d: {  	s30 =	smov.u32 s0;
	v3 =	vadd.f32 v1, v5  }
0x4e: {  	v1 =	vld [tilespmem:s30+$0x4600];
	(erf) = vpow2.f32 v6  }
0x4f: {  	v4 =	vmul.f32 $2.000000030e-01, v3  }
0x50: {  	_ = 	snop  }
0x51: {  	v0 =	vadd.f32 v2, v0;
	_ =	sdelay $0x1  }
0x52: {  	v0 =	vadd.f32 v1, v0;
	_ =	sdelay $0x1  }
0x53: {  	v1 =	vmul.f32 $2.000000030e-01, v0  }
0x54: {  	v59 =	vmax.f32 v3, v4  }
0x55: {  	v2 =	vmul.f32 $1.442695020e+00, v59;
	v0 =	vmax.f32 v0, v1  }
0x56: {  	v0 =	vmul.f32 $1.442695020e+00, v0  }
0x57: {  	(erf) = vpow2.f32 v2  }
0x58: {  	(erf) = vpow2.f32 v0;
	_ =	sdelay $0x5  }
0x59: {  	v60 =	vpop (erf)  }
0x5a: {  	[tilespmem:s26+$0x6600] =	vst v60;
	v61 =	vpop (erf)  }
0x5b: {  	[tilespmem:s28+$0x6600] =	vst v61;
	v62 =	vpop (erf)  }
0x5c: {  	[tilespmem:s29+$0x6600] =	vst v62;
	v63 =	vpop (erf)  }
0x5d: {  	[tilespmem:s30+$0x6600] =	vst v63  }
0x5e: {  	[spmem:s1] =	stream.indirect.scatter.add.f32 [tilespmem:s21], [sflag:$0x2], $0x10, s15, s15, $0xb8;
	[tilespmem:$0xAD20] =	vst v63  }
0x5f: {  	s24 =	sadd.s32 $0x1, s24;
	_ =	swait.ge [sflag:s22], $0x2000  }
0x60: {  	s0 =	sshll.u32 s25, $0x1;
	p1 =	sne.s32 s24, $0x14;
	[sflag:s22] =	ssyncset.done $0x0  }
.Ltmp1:
0x61: {  	s0 =	sadd.s32 s10, s0;
	[sflag:s22] =	ssyncadd.s32 $0xFFFFE000;
	(pc) =	sbr.rel @p1 .LBB2_2-.Ltmp1, $4  }
0x62: {  	[hbm4b:s0+s2] =	stream.linear.scatter [tilespmem:s21], [sflag:$0x2], $0x2000, $0x38;
	[tilespmem:$0xAD20] =	vst v63  }
0x63: {  	_ =	swait.ge [sflag:s22], $0x2000  }
0x64: {  	[sflag:s22] =	ssyncset.done $0x0  }
0x65: {  	[sflag:s22] =	ssyncadd.s32 $0xFFFFE000  }
0x66: {  	[bflag:$0x0] =	sbarrier.arrive $0xFFFF;
	s0 =	simm.s32 @!p0 $0x1C02;
	s23 =	sadd.s32 $0x1, s23  }
0x67: {  	[hbm:s12], [sflag:s0] =	dma.local @!p0 [spmem:s14], $0x4E40  }
0x68: {  	p1 =	sne.s32 s23, s13  }
.Ltmp2:
0x69: {  	_ = 	snop;
	(pc) =	sbr.rel @p1 .LBB2_1-.Ltmp2, $4  }
0x6a: {  	s0 =	simm.s32 @!p0 $0x2  }
0x6b: {  	_ =	swait.ge @!p0 [sflag:s0], $0x4E40  }
0x6c: {  	[sflag:s0] =	ssyncset.done @!p0 $0x0  }
0x6d: {  	[sflag:s0] =	ssyncadd.s32 @!p0 $0xFFFFB1C0  }
0x6e: {  	_ =	sfence.sel $0x180000  }
0x6f: {  	[bflag:$0x0] =	sbarrier.arrive $0xFFFF  }
0x70: {  	_ =	strace $0x90000047  }
0x71: {  	[bflag:$0x2] =	sbarrier.arrive $0xFFFF  }
0x72: {  	s0 =	rddreg [dreg:$0x2]  }
0x73: {  	s0 =	sadd.s32 @!p0 $0x100000, s0  }
0x74: {  	[sflag:s0] =	ssyncadd.tile.s32 @!p0 $0x1;
	_ =	shalt  }
.Lfunc_end2:
_tile_overlayer_lowered:
.L_overlay_start_2:
0x75: {  	(tag) =	ssettag $0x2  }
0x76: {  	s0 =	rddreg [dreg:$0x0];
	s2 =	stileid.u32  }
0x77: {  	s1 =	rddreg [dreg:$0x1];
	p0 =	sne.s32 s2, $0x0  }
0x78: {  	s3 =	rddreg [dreg:$0x2];
	[bflag:$0x3] =	sbarrier.arrive $0xFFFF;
	s2 =	simm.s32 @!p0 $0x1C02  }
0x79: {  	[timem:s3], [sflag:s2] =	dma.local @!p0 [hbm:s0], s1  }
0x7a: {  	s0 =	simm.s32 @!p0 $0x2  }
0x7b: {  	_ =	swait.ge @!p0 [sflag:s0], s1  }
0x7c: {  	s1 =	ssub.s32 @!p0 $0x0, s1;
	[sflag:s0] =	ssyncset.done @!p0 $0x0  }
0x7d: {  	[sflag:s0] =	ssyncadd.s32 @!p0 s1  }
0x7e: {  	[bflag:$0x3] =	sbarrier.arrive $0xFFFF  }
0x7f: {  	_ =	shalt  }

// kernel: kernel.18.cloned.1.call-start
scs
__scs_entry_jumppad:
0x0: {  	(pc) =	sbr.rel $0x88, $3  }
0x1: {  	(tag) =	ssettag $0x0;
	lr =	simm.s32 $0x1  }
0x2: {  	[smem:$0x3F89] =	sst lr;
	_ =	strace $0xD0000000  }
0x3: {  	_ = 	snop  }
0x4: {  	_ = 	snop  }
0x5: {  	_ = 	snop  }
0x6: {  	_ = 	snop  }
0x7: {  	_ = 	snop  }
__scs_overlays_trampoline_lowered:
0x8: {  	[smem:$0x3F98] =	sst s0  }
0x9: {  	[smem:$0x3F99] =	sst s1  }
0xa: {  	[smem:$0x3F9A] =	sst s2  }
0xb: {  	[smem:$0x3F9B] =	sst s3  }
0xc: {  	[smem:$0x3F9C] =	sst s4  }
0xd: {  	[smem:$0x3F9D] =	sst s5  }
0xe: {  	[smem:$0x3F9E] =	sst s6  }
0xf: {  	[smem:$0x3F9F] =	sst s7  }
0x10: {  	[smem:$0x3FA0] =	sst s8  }
0x11: {  	[smem:$0x3FA1] =	sst s9;
	s0 =	simm.s32 @!p0 $0x0  }
0x12: {  	s1 =	sld [smem:$0x3F87];
	s0 =	simm.s32 @p0 $0x1  }
0x13: {  	[smem:$0x3FA2] =	sst s0;
	s0 =	simm.s32 @!p1 $0x0  }
0x14: {  	s2 =	sld [smem:$0x3F86];
	s0 =	simm.s32 @p1 $0x1  }
0x15: {  	[smem:$0x3FA3] =	sst s0;
	s0 =	simm.s32 @!p2 $0x0  }
0x16: {  	s3 =	sld [smem:$0x3FDB];
	s0 =	simm.s32 @p2 $0x1  }
0x17: {  	s4 =	simm.s32 $0x1BF5;
	[smem:$0x3FA5] =	sst s0  }
0x18: {  	s0 =	sld [smem:$0x3F88];
	_ =	swait.ge [sflag:s4], $0x0  }
0x19: {  	s7 =	sld [smem:$0x3F89]  }
0x1a: {  	s8 =	sadd.s32 $0xFFFFE003, lr  }
0x1b: {  	s9 =	sadd.s32 $0xFFFFFEF7, lr;
	s5 =	simm.s32 $0xFFFFFFFF;
	p2 =	slt.u32 s8, $0xFFFFF086  }
0x1c: {  	p1 =	slt.u32 s9, $0xF7A;
	s5 =	simm.s32 @!p2 $0x0  }
0x1d: {  	s5 =	simm.s32 @p1 $0x1;
	p0 =	seq.s32 s7, s2  }
0x1e: {  	s7 =	smul.u32 @!p0 $0xF7A, s2;
	p2 =	seq.s32 @!p0 s5, $0x0  }
0x1f: {  	s9 =	smul.u32 $0xF7A, s1;
	s8 =	simm.s32 @!p0 $0x1BF5;
	p2 =	por !p2, p0  }
0x20: {  	[sflag:s8] =	ssyncset.s32 @!p0 $0xFFFFF086;
	s6 =	sadd.s32 @!p0 s3, s7;
	s7 =	simm.s32 @!p0 $0x108  }
0x21: {  	s3 =	sadd.s32 s3, s9;
	s6 =	sadd.s32 @!p0 $0x88, s6;
	s7 =	simm.s32 @p2 $0x1082  }
0x22: {  	[simem:s7], [sflag:s8] =	dma.local @!p0 [hbm:s6], $0xF7A  }
0x23: {  	s9 =	sor.u32 $0xD0000000, s2;
	s6 =	simm.s32 $0x108;
	_ =	swait.ge @!p0 [sflag:s8], $0x0  }
0x24: {  	s3 =	sadd.s32 $0x88, s3;
	s6 =	simm.s32 @!p1 $0x1082;
	[sflag:s4] =	ssyncset.s32 $0xFFFFF086  }
0x25: {  	[simem:s6], [sflag:s4] =	dma.local [hbm:s3], $0xF7A  }
0x26: {  	[smem:$0x3F89] =	sst s1;
	(tag) =	ssettag s2;
	_ =	strace s9  }
0x27: {  	s1 =	sld [smem:$0x3F99]  }
0x28: {  	s2 =	sld [smem:$0x3F9A]  }
0x29: {  	s4 =	sld [smem:$0x3F9C]  }
0x2a: {  	p0 =	seq.s32 s5, $0x0;
	s5 =	sld [smem:$0x3F9D]  }
0x2b: {  	s6 =	sld [smem:$0x3F9E]  }
0x2c: {  	s7 =	sld [smem:$0x3F9F]  }
0x2d: {  	s3 =	simm.s32 $0x108;
	s8 =	sld [smem:$0x3FA0]  }
0x2e: {  	s3 =	simm.s32 @!p0 $0x1082;
	s9 =	sld [smem:$0x3FA1]  }
0x2f: {  	lr =	sadd.s32 s0, s3;
	s0 =	sld [smem:$0x3F98]  }
0x30: {  	s3 =	sld [smem:$0x3F9B]  }
0x31: {  	[smem:$0x3FA4] =	sst s10  }
0x32: {  	s10 =	sld [smem:$0x3FA2];
	_ =	sdelay $0x3  }
0x33: {  	p0 =	seq.s32 s10, $0x1;
	s10 =	sld [smem:$0x3FA4];
	_ =	sdelay $0x3  }
0x34: {  	[smem:$0x3FA4] =	sst s10  }
0x35: {  	s10 =	sld [smem:$0x3FA3];
	_ =	sdelay $0x3  }
0x36: {  	p1 =	seq.s32 s10, $0x1;
	s10 =	sld [smem:$0x3FA4];
	_ =	sdelay $0x3  }
0x37: {  	[smem:$0x3FA4] =	sst s10  }
0x38: {  	s10 =	sld [smem:$0x3FA5]  }
0x39: {  	_ = 	snop;
	(pc) =	sbr.ind lr, $3  }
0x3a: {  	_ = 	snop  }
0x3b: {  	_ = 	snop  }
0x3c: {  	p2 =	seq.s32 s10, $0x1;
	s10 =	sld [smem:$0x3FA4]  }
0x3d: {  	_ =	shalt  }
0x3e: {  	_ =	shalt  }
0x3f: {  	_ =	shalt  }
0x40: {  	_ =	shalt  }
0x41: {  	_ =	shalt  }
0x42: {  	_ =	shalt  }
0x43: {  	_ =	shalt  }
0x44: {  	_ =	shalt  }
0x45: {  	_ =	shalt  }
0x46: {  	_ =	shalt  }
0x47: {  	_ =	shalt  }
0x48: {  	_ =	shalt  }
0x49: {  	_ =	shalt  }
0x4a: {  	_ =	shalt  }
0x4b: {  	_ =	shalt  }
0x4c: {  	_ =	shalt  }
0x4d: {  	_ =	shalt  }
0x4e: {  	_ =	shalt  }
0x4f: {  	_ =	shalt  }
0x50: {  	_ =	shalt  }
0x51: {  	_ =	shalt  }
0x52: {  	_ =	shalt  }
0x53: {  	_ =	shalt  }
0x54: {  	_ =	shalt  }
0x55: {  	_ =	shalt  }
0x56: {  	_ =	shalt  }
0x57: {  	_ =	shalt  }
0x58: {  	_ =	shalt  }
0x59: {  	_ =	shalt  }
0x5a: {  	_ =	shalt  }
0x5b: {  	_ =	shalt  }
0x5c: {  	_ =	shalt  }
0x5d: {  	_ =	shalt  }
0x5e: {  	_ =	shalt  }
0x5f: {  	_ =	shalt  }
0x60: {  	_ =	shalt  }
0x61: {  	_ =	shalt  }
0x62: {  	_ =	shalt  }
0x63: {  	_ =	shalt  }
0x64: {  	_ =	shalt  }
0x65: {  	_ =	shalt  }
0x66: {  	_ =	shalt  }
0x67: {  	_ =	shalt  }
0x68: {  	_ =	shalt  }
0x69: {  	_ =	shalt  }
0x6a: {  	_ =	shalt  }
0x6b: {  	_ =	shalt  }
0x6c: {  	_ =	shalt  }
0x6d: {  	_ =	shalt  }
0x6e: {  	_ =	shalt  }
0x6f: {  	_ =	shalt  }
0x70: {  	_ =	shalt  }
0x71: {  	_ =	shalt  }
0x72: {  	_ =	shalt  }
0x73: {  	_ =	shalt  }
0x74: {  	_ =	shalt  }
0x75: {  	_ =	shalt  }
0x76: {  	_ =	shalt  }
0x77: {  	_ =	shalt  }
0x78: {  	_ =	shalt  }
0x79: {  	_ =	shalt  }
0x7a: {  	_ =	shalt  }
0x7b: {  	_ =	shalt  }
0x7c: {  	_ =	shalt  }
0x7d: {  	_ =	shalt  }
0x7e: {  	_ =	shalt  }
0x7f: {  	_ =	shalt  }
0x80: {  	_ =	shalt  }
0x81: {  	_ =	shalt  }
0x82: {  	_ =	shalt  }
0x83: {  	_ =	shalt  }
0x84: {  	_ =	shalt  }
0x85: {  	_ =	shalt  }
0x86: {  	_ =	shalt  }
0x87: {  	_ =	shalt  }
.Lfunc_end0:
.L_simem_size_0:
called_computation.1_lowered:
.L_overlay_start_0:
0x88: {  	s2 =	sld [smem:$0x3FD9]  }
0x89: {  	s3 =	sld [smem:$0x3FFE];
	_ =	sdelay $0x1  }
0x8a: {  	s1 =	srdreg.scid  }
0x8b: {  	s0 =	sand.u32 $0x1, s1  }
0x8c: {  	s16 =	sshll.u32 s0, $0xA;
	s2 =	sadd.s32 s3, s2  }
0x8d: {  	s2 =	sadd.s32 s2, s16  }
0x8e: {  	[smem:$0x3FB0] =	sst s2  }
0x8f: {  	_ = 	snop  }
0x90: {  	(tm) =	ssettm $0x1  }
0x91: {  	s17 =	sld [smem:$0x3FFB];
	_ =	sdelay $0x3  }
0x92: {  	_ =	strace s17  }
0x93: {  	s2 =	sld [smem:$0x3FFC];
	_ =	sdelay $0x3  }
0x94: {  	_ =	strace s2  }
0x95: {  	s2 =	sld [smem:$0x3FFD];
	_ =	sdelay $0x3  }
0x96: {  	_ =	strace s2  }
0x97: {  	_ =	strace $0x8FFFFFFF  }
0x98: {  	s18 =	sld [smem:$0x3FDB];
	_ =	sdelay $0x1  }
0x99: {  	s19 =	simm.s32 $_scs_section_size  }
0x9a: {  	s4 =	simm.s32 $_size__tile_overlayer_lowered;
	s5 =	simm.s32 $_tile_overlayer_lowered  }
0x9b: {  	s22 =	simm.s32 $0x1BFF;
	s21 =	sshll.u32 s5, $0x1;
	s2 =	sadd.s32 s19, s18  }
0x9c: {  	s6 =	simm.s32 $0x0;
	s20 =	sshll.u32 s4, $0x1;
	s4 =	sadd.s32 s21, s2  }
0x9d: {  	[timem:s6], [sflag:s22] =	dma.local [hbm:s4], s20  }
0x9e: {  	_ =	swait.ge [sflag:s22], s20  }
0x9f: {  	s3 =	ssub.s32 $0x0, s20;
	[sflag:s22] =	ssyncset.done $0x0  }
0xa0: {  	[sflag:s22] =	ssyncadd.s32 s3;
	_ =	sdelay $0x1  }
0xa1: {  	s23 =	simm.s32 $0x1B8B  }
0xa2: {  	_ =	swait.ge [sflag:s23], $0x1  }
0xa3: {  	[sflag:s23] =	ssyncset.done $0x0  }
0xa4: {  	s25 =	simm.s32 $0x1B8E;
	s24 =	sld [smem:$0x3FFE];
	[sflag:s23] =	ssyncadd.s32 $0xFFFFFFFF  }
0xa5: {  	s26 =	simm.s32 $execute0_lowered;
	[smem:$0x3FD2] =	sst s25  }
0xa6: {  	s4 =	sshll.u32 s26, $0x1;
	_ =	strace $0x80000049;
	[dreg:$0x1] =	wrdreg $0xFFFFFFFF  }
0xa7: {  	s28 =	simm.s32 $_size_execute0_lowered;
	s2 =	sadd.s32 s2, s4;
	[dreg:$0x0] =	wrdreg $0x0  }
0xa8: {  	s4 =	sshll.u32 s28, $0x1;
	[dreg:$0x2] =	wrdreg s2  }
0xa9: {  	[dreg:$0x3] =	wrdreg s4  }
0xaa: {  	[dreg:$0x4] =	wrdreg $0xC0  }
0xab: {  	_ =	task [dreg:s6], $0x5FFFF  }
0xac: {  	[dreg:$0x1] =	wrdreg $0xFFFFFFFF  }
0xad: {  	[dreg:$0x0] =	wrdreg $0x60  }
0xae: {  	[dreg:$0x2] =	wrdreg s24  }
0xaf: {  	[dreg:$0x3] =	wrdreg $0xE2000  }
0xb0: {  	[dreg:$0x4] =	wrdreg $0x9  }
0xb1: {  	_ =	task.clear_ibuf [dreg:s6], $0x5FFFF;
	_ =	strace $0x90000049  }
0xb2: {  	s29 =	simm.s32 $0x9;
	_ =	strace $0x8000004B  }
0xb3: {  	_ =	swait.ge [sflag:s29], $0x1  }
0xb4: {  	[sflag:s29] =	ssyncadd.s32 $0xFFFFFFFF  }
0xb5: {  	_ =	strace $0x9000004B  }
0xb6: {  	_ =	sfence  }
0xb7: {  	s30 =	sld [smem:$0x0];
	_ =	sdelay $0x2  }
0xb8: {  	s31 =	sshll.u32 s1, $0xD;
	s1 =	sshrl.u32 s1, $0x2  }
0xb9: {  	s3 =	sand.u32 $0x4000, s31;
	s1 =	sadd.s32 s1, s30  }
0xba: {  	s0 =	sor.u32 s3, s0;
	s1 =	sshll.u32 s1, $0x11  }
0xbb: {  	s0 =	sor.u32 s1, s0  }
0xbc: {  	s0 =	sadd.s32 $0x8F2B, s0  }
0xbd: {  	[sflag:s0] =	ssyncadd.remote.s32 $0x1  }
0xbe: {  	_ =	sfence.sel $0xFFFF  }
0xbf: {  	[dreg:$0x0] =	wrdreg $0xFFFFFFFF;
	(pc) =	sbr.abs _section_cstart, $3  }
0xc0: {  	[dreg:$0x1] =	wrdreg $0xFFFFFFFF  }
0xc1: {  	_ =	task.clear_ibuf [dreg:s6], $0x2FFFF;
	_ =	strace $0x9FFFFFFF  }
0xc2: {  	(tm) =	ssettm $0x7FFFFFFF  }
0xc3: {  	_ =	shalt  }
tec
execute0_lowered:
.L_overlay_start_1:
0x0: {  	(tag) =	ssettag $0x1  }
0x1: {  	s9 =	rddreg [dreg:$0x0]  }
0x2: {  	s1 =	rddreg [dreg:$0x1]  }
0x3: {  	s0 =	rddreg [dreg:$0x2];
	s2 =	simm.s32 $0x0  }
0x4: {  	s8 =	srdreg.scid;
	s13 =	stileid.u32;
	s15 =	simm.s32 $0x1  }
0x5: {  	s16 =	simm.s32 $0x1200;
	s17 =	simm.s32 $0x2200;
	s18 =	simm.s32 $0x8200  }
0x6: {  	s19 =	simm.s32 $0x2;
	[smem:$0x7FF] =	sst s2;
	s3 =	sadd.s32 $0xF800, s9  }
0x7: {  	s4 =	sadd.s32 $0x23800, s9;
	s5 =	sadd.s32 $0x3C600, s9;
	s6 =	sadd.s32 $0x32800, s9  }
0x8: {  	s7 =	sadd.s32 $0xDC600, s9;
	s10 =	sand.u32 $0x1, s8;
	s8 =	sadd.s32 $0xF9C00, s9  }
0x9: {  	p0 =	sne.s32 s13, $0x0;
	s11 =	smul.u32 $0x1D580, s10;
	s12 =	ssub.s32 $0x2, s10  }
0xa: {  	_ =	strace $0x8000004A;
	s10 =	sshll.u32 s10, $0x4;
	s14 =	sshrl.u32 s12, $0x1  }
0xb: {  	s31 =	sor.u32 s13, s10;
	s13 =	simm.s32 $0x100;
	s11 =	sadd.s32 s11, s9  }
0xc: {  	s12 =	ssub.s32 s12, s14;
	s9 =	smul.u32 $0x2800, s31;
	s14 =	simm.s32 $0x200  }
0xd: {  	s10 =	sadd.s32 $0x117200, s11;
	s11 =	smax.u32 s12, $0x1;
	s12 =	sshrl.u32 @!p0 s1, $0x3  }
.LBB2_1:
0xe: {  	s20 =	simm.s32 @!p0 $0x1C02  }
0xf: {  	[spmem:s12], [sflag:s20] =	dma.local @!p0 [hbm:s8], $0x1D580  }
0x10: {  	s20 =	simm.s32 @!p0 $0x2  }
0x11: {  	_ =	swait.ge @!p0 [sflag:s20], $0x1D580  }
0x12: {  	[sflag:s20] =	ssyncset.done @!p0 $0x0  }
0x13: {  	[sflag:s20] =	ssyncadd.s32 @!p0 $0xFFFE2A80  }
0x14: {  	s20 =	simm.s32 $0x0;
	[bflag:$0x0] =	sbarrier.arrive $0xFFFF  }
.LBB2_2:
0x15: {  	s21 =	sshll.u32 s20, $0x8  }
0x16: {  	s21 =	sadd.s32 s9, s21  }
0x17: {  	s22 =	sshrl.u32 s21, $0x3  }
0x18: {  	s24 =	simm.s32 $0x0;
	s23 =	sadd.s32 s3, s22  }
0x19: {  	[tilespmem:s24], [sflag:$0x1] =	stream.linear.gather [hbm4b:s23+s24], $0x100, $0x38;
	[tilespmem:$0x1CCC0] =	vst v63  }
0x1a: {  	s21 =	sshll.u32 s21, $0x1;
	s22 =	sadd.s32 s4, s22  }
0x1b: {  	[tilespmem:s13], [sflag:$0x1] =	stream.linear.gather [hbm4b:s22+s24], $0x100, $0x38;
	[tilespmem:$0x1CCC0] =	vst v63  }
0x1c: {  	s21 =	sadd.s32 s5, s21  }
0x1d: {  	[tilespmem:s14], [sflag:$0x1] =	stream.linear.gather [hbm4b:s21+s24], $0x1000, $0x38;
	[tilespmem:$0x1CCC0] =	vst v63  }
0x1e: {  	_ =	swait.ge [sflag:s15], $0x100  }
0x1f: {  	[sflag:s15] =	ssyncset.done $0x0  }
0x20: {  	[sflag:s15] =	ssyncadd.s32 $0xFFFFFF00  }
0x21: {  	_ =	swait.ge [sflag:s15], $0x100  }
0x22: {  	[sflag:s15] =	ssyncset.done $0x0  }
0x23: {  	[sflag:s15] =	ssyncadd.s32 $0xFFFFFF00  }
0x24: {  	_ =	swait.ge [sflag:s15], $0x1000  }
0x25: {  	[sflag:s15] =	ssyncset.done $0x0  }
0x26: {  	[sflag:s15] =	ssyncadd.s32 $0xFFFFF000  }
0x27: {  	[tilespmem:s16], [sflag:$0x1] =	stream.indirect.gather [hbm4b:s6+s13], $0x10, s13, s13, $0xb8;
	[tilespmem:$0x1CCC0] =	vst v63  }
0x28: {  	_ = 	snop  }
0x29: {  	[tilespmem:s17], [sflag:$0x1] =	stream.indirect.gather [hbm4b:s7+s13], $0x60, s24, s13, $0xb8;
	[tilespmem:$0x1CCC0] =	vst v63  }
0x2a: {  	_ =	swait.ge [sflag:s15], $0x1000  }
0x2b: {  	[sflag:s15] =	ssyncset.done $0x0  }
0x2c: {  	[sflag:s15] =	ssyncadd.s32 $0xFFFFF000  }
0x2d: {  	_ =	swait.ge [sflag:s15], $0x6000  }
0x2e: {  	[sflag:s15] =	ssyncset.done $0x0  }
0x2f: {  	s31 =	simm.s32 $0x0;
	[sflag:s15] =	ssyncadd.s32 $0xFFFFA000  }
0x30: {  	v0 =	vld [tilespmem:s31+$0x200]  }
0x31: {  	v1 =	vld [tilespmem:s31+$0x1200];
	_ =	sdelay $0x2  }
0x32: {  	s21 =	simm.s32 $0x2230  }
0x33: {  	v2 =	vld [tilespmem:s21+$0xFFFFFFD0]  }
0x34: {  	v0 =	vmul.f32 v1, v0;
	_ =	sdelay $0x1  }
0x35: {  	v1 =	vbroadcast v0, $0x0;
	_ =	sdelay $0x1  }
0x36: {  	v1 =	vmul.f32 v1, v2  }
0x37: {  	s22 =	simm.s32 $0x8230  }
0x38: {  	[tilespmem:s22+$0xFFFFFFD0] =	vst v1  }
0x39: {  	v1 =	vld [tilespmem:s21+$0xFFFFFFE0];
	_ =	sdelay $0x2  }
0x3a: {  	v2 =	vbroadcast v0, $0x1;
	_ =	sdelay $0x1  }
0x3b: {  	v1 =	vmul.f32 v1, v2;
	_ =	sdelay $0x1  }
0x3c: {  	[tilespmem:s22+$0xFFFFFFE0] =	vst v1  }
0x3d: {  	v1 =	vld [tilespmem:s21+$0xFFFFFFF0];
	_ =	sdelay $0x2  }
0x3e: {  	v2 =	vbroadcast v0, $0x2;
	_ =	sdelay $0x1  }
0x3f: {  	v1 =	vmul.f32 v1, v2;
	_ =	sdelay $0x1  }
0x40: {  	[tilespmem:s22+$0xFFFFFFF0] =	vst v1  }
0x41: {  	v1 =	vld [tilespmem:s21+$0x0];
	_ =	sdelay $0x2  }
0x42: {  	v2 =	vbroadcast v0, $0x3;
	_ =	sdelay $0x1  }
0x43: {  	v1 =	vmul.f32 v1, v2;
	_ =	sdelay $0x1  }
0x44: {  	[tilespmem:s22+$0x0] =	vst v1  }
0x45: {  	v1 =	vld [tilespmem:s21+$0x10];
	_ =	sdelay $0x2  }
0x46: {  	v2 =	vbroadcast v0, $0x4;
	_ =	sdelay $0x1  }
0x47: {  	v1 =	vmul.f32 v1, v2;
	_ =	sdelay $0x1  }
0x48: {  	[tilespmem:s22+$0x10] =	vst v1  }
0x49: {  	v1 =	vld [tilespmem:s21+$0x20];
	_ =	sdelay $0x2  }
0x4a: {  	v0 =	vbroadcast v0, $0x5;
	_ =	sdelay $0x1  }
0x4b: {  	s23 =	simm.s32 $0x40;
	s24 =	simm.s32 $0x8230;
	v0 =	vmul.f32 v1, v0  }
.LBB2_3:
0x4c: {  	p1 =	sne.s32 s23, $0x3FC0;
	s22 =	sadd.s32 $0x60, s22;
	s21 =	sadd.s32 $0x60, s21  }
0x4d: {  	s25 =	sshra.s32 s23, $0x2;
	s23 =	sadd.s32 $0x40, s23;
	[tilespmem:s24+$0x20] =	vst v0;
	s24 =	smov.u32 s22  }
0x4e: {  	v0 =	vld [tilespmem:s25+$0x200]  }
0x4f: {  	v1 =	vld [tilespmem:s25+$0x1200];
	_ =	sdelay $0x2  }
0x50: {  	v2 =	vld [tilespmem:s21+$0xFFFFFFD0];
	_ =	sdelay $0x1  }
0x51: {  	v0 =	vmul.f32 v1, v0;
	_ =	sdelay $0x1  }
0x52: {  	v1 =	vbroadcast v0, $0x0;
	_ =	sdelay $0x1  }
0x53: {  	v1 =	vmul.f32 v1, v2;
	_ =	sdelay $0x1  }
0x54: {  	[tilespmem:s22+$0xFFFFFFD0] =	vst v1  }
0x55: {  	v1 =	vld [tilespmem:s21+$0xFFFFFFE0];
	_ =	sdelay $0x1  }
0x56: {  	v2 =	vbroadcast v0, $0x1;
	_ =	sdelay $0x2  }
0x57: {  	v1 =	vmul.f32 v1, v2;
	_ =	sdelay $0x1  }
0x58: {  	[tilespmem:s22+$0xFFFFFFE0] =	vst v1  }
0x59: {  	v1 =	vld [tilespmem:s21+$0xFFFFFFF0];
	_ =	sdelay $0x1  }
0x5a: {  	v2 =	vbroadcast v0, $0x2;
	_ =	sdelay $0x2  }
0x5b: {  	v1 =	vmul.f32 v1, v2;
	_ =	sdelay $0x1  }
0x5c: {  	[tilespmem:s22+$0xFFFFFFF0] =	vst v1  }
0x5d: {  	v1 =	vld [tilespmem:s21+$0x0];
	_ =	sdelay $0x1  }
0x5e: {  	v2 =	vbroadcast v0, $0x3;
	_ =	sdelay $0x2  }
0x5f: {  	v1 =	vmul.f32 v1, v2;
	_ =	sdelay $0x1  }
0x60: {  	[tilespmem:s22+$0x0] =	vst v1  }
0x61: {  	v1 =	vld [tilespmem:s21+$0x10];
	_ =	sdelay $0x1  }
0x62: {  	v2 =	vbroadcast v0, $0x4;
	_ =	sdelay $0x2  }
0x63: {  	v1 =	vmul.f32 v1, v2;
	_ =	sdelay $0x1  }
0x64: {  	[tilespmem:s22+$0x10] =	vst v1  }
0x65: {  	v1 =	vld [tilespmem:s21+$0x20]  }
.Ltmp0:
0x66: {  	(pc) =	sbr.rel @p1 .LBB2_3-.Ltmp0, $2  }
0x67: {  	v0 =	vbroadcast v0, $0x5;
	_ =	sdelay $0x2  }
0x68: {  	v0 =	vmul.f32 v1, v0  }
0x69: {  	s20 =	sadd.s32 $0x1, s20  }
0x6a: {  	p1 =	sne.s32 s20, $0x28  }
.Ltmp1:
0x6b: {  	[tilespmem:s24+$0x20] =	vst v0;
	(pc) =	sbr.rel @p1 .LBB2_2-.Ltmp1, $4  }
0x6c: {  	[spmem:s1] =	stream.indirect.scatter.add.f32 [tilespmem:s18], [sflag:$0x2], $0x60, s13, s13, $0xb8;
	[tilespmem:$0x1CCC0] =	vst v63  }
0x6d: {  	_ =	swait.ge [sflag:s19], $0x6000  }
0x6e: {  	[sflag:s19] =	ssyncset.done $0x0  }
0x6f: {  	[sflag:s19] =	ssyncadd.s32 $0xFFFFA000  }
0x70: {  	[bflag:$0x0] =	sbarrier.arrive $0xFFFF;
	s20 =	simm.s32 @!p0 $0x1C02;
	s2 =	sadd.s32 $0x1, s2  }
0x71: {  	[hbm:s10], [sflag:s20] =	dma.local @!p0 [spmem:s12], $0x1D580  }
0x72: {  	p1 =	sne.s32 s2, s11  }
.Ltmp2:
0x73: {  	_ = 	snop;
	(pc) =	sbr.rel @p1 .LBB2_1-.Ltmp2, $4  }
0x74: {  	s20 =	simm.s32 @!p0 $0x2  }
0x75: {  	_ =	swait.ge @!p0 [sflag:s20], $0x1D580  }
0x76: {  	[sflag:s20] =	ssyncset.done @!p0 $0x0  }
0x77: {  	[sflag:s20] =	ssyncadd.s32 @!p0 $0xFFFE2A80  }
0x78: {  	_ =	sfence.sel $0x180000  }
0x79: {  	[bflag:$0x0] =	sbarrier.arrive $0xFFFF  }
0x7a: {  	_ =	strace $0x9000004A  }
0x7b: {  	s0 =	sadd.s32 @!p0 $0x100000, s0;
	[bflag:$0x2] =	sbarrier.arrive $0xFFFF  }
0x7c: {  	[sflag:s0] =	ssyncadd.tile.s32 @!p0 $0x1;
	_ =	shalt  }
.Lfunc_end2:
_tile_overlayer_lowered:
.L_overlay_start_2:
0x7d: {  	(tag) =	ssettag $0x2  }
0x7e: {  	s0 =	rddreg [dreg:$0x0];
	s2 =	stileid.u32  }
0x7f: {  	s1 =	rddreg [dreg:$0x1];
	p0 =	sne.s32 s2, $0x0  }
0x80: {  	s3 =	rddreg [dreg:$0x2];
	[bflag:$0x3] =	sbarrier.arrive $0xFFFF;
	s2 =	simm.s32 @!p0 $0x1C02  }
0x81: {  	[timem:s3], [sflag:s2] =	dma.local @!p0 [hbm:s0], s1  }
0x82: {  	s0 =	simm.s32 @!p0 $0x2  }
0x83: {  	_ =	swait.ge @!p0 [sflag:s0], s1  }
0x84: {  	s1 =	ssub.s32 @!p0 $0x0, s1;
	[sflag:s0] =	ssyncset.done @!p0 $0x0  }
0x85: {  	[sflag:s0] =	ssyncadd.s32 @!p0 s1  }
0x86: {  	[bflag:$0x3] =	sbarrier.arrive $0xFFFF  }
0x87: {  	_ =	shalt  }

// kernel: kernel.21.cloned.1.call-start
scs
__scs_entry_jumppad:
0x0: {  	(pc) =	sbr.rel $0x88, $3  }
0x1: {  	(tag) =	ssettag $0x0;
	lr =	simm.s32 $0x1  }
0x2: {  	[smem:$0x3F89] =	sst lr;
	_ =	strace $0xD0000000  }
0x3: {  	_ = 	snop  }
0x4: {  	_ = 	snop  }
0x5: {  	_ = 	snop  }
0x6: {  	_ = 	snop  }
0x7: {  	_ = 	snop  }
__scs_overlays_trampoline_lowered:
0x8: {  	[smem:$0x3F98] =	sst s0  }
0x9: {  	[smem:$0x3F99] =	sst s1  }
0xa: {  	[smem:$0x3F9A] =	sst s2  }
0xb: {  	[smem:$0x3F9B] =	sst s3  }
0xc: {  	[smem:$0x3F9C] =	sst s4  }
0xd: {  	[smem:$0x3F9D] =	sst s5  }
0xe: {  	[smem:$0x3F9E] =	sst s6  }
0xf: {  	[smem:$0x3F9F] =	sst s7  }
0x10: {  	[smem:$0x3FA0] =	sst s8  }
0x11: {  	[smem:$0x3FA1] =	sst s9;
	s0 =	simm.s32 @!p0 $0x0  }
0x12: {  	s1 =	sld [smem:$0x3F87];
	s0 =	simm.s32 @p0 $0x1  }
0x13: {  	[smem:$0x3FA2] =	sst s0;
	s0 =	simm.s32 @!p1 $0x0  }
0x14: {  	s2 =	sld [smem:$0x3F86];
	s0 =	simm.s32 @p1 $0x1  }
0x15: {  	[smem:$0x3FA3] =	sst s0;
	s0 =	simm.s32 @!p2 $0x0  }
0x16: {  	s3 =	sld [smem:$0x3FDB];
	s0 =	simm.s32 @p2 $0x1  }
0x17: {  	s4 =	simm.s32 $0x1BF5;
	[smem:$0x3FA5] =	sst s0  }
0x18: {  	s0 =	sld [smem:$0x3F88];
	_ =	swait.ge [sflag:s4], $0x0  }
0x19: {  	s7 =	sld [smem:$0x3F89]  }
0x1a: {  	s8 =	sadd.s32 $0xFFFFE003, lr  }
0x1b: {  	s9 =	sadd.s32 $0xFFFFFEF7, lr;
	s5 =	simm.s32 $0xFFFFFFFF;
	p2 =	slt.u32 s8, $0xFFFFF086  }
0x1c: {  	p1 =	slt.u32 s9, $0xF7A;
	s5 =	simm.s32 @!p2 $0x0  }
0x1d: {  	s5 =	simm.s32 @p1 $0x1;
	p0 =	seq.s32 s7, s2  }
0x1e: {  	s7 =	smul.u32 @!p0 $0xF7A, s2;
	p2 =	seq.s32 @!p0 s5, $0x0  }
0x1f: {  	s9 =	smul.u32 $0xF7A, s1;
	s8 =	simm.s32 @!p0 $0x1BF5;
	p2 =	por !p2, p0  }
0x20: {  	[sflag:s8] =	ssyncset.s32 @!p0 $0xFFFFF086;
	s6 =	sadd.s32 @!p0 s3, s7;
	s7 =	simm.s32 @!p0 $0x108  }
0x21: {  	s3 =	sadd.s32 s3, s9;
	s6 =	sadd.s32 @!p0 $0x88, s6;
	s7 =	simm.s32 @p2 $0x1082  }
0x22: {  	[simem:s7], [sflag:s8] =	dma.local @!p0 [hbm:s6], $0xF7A  }
0x23: {  	s9 =	sor.u32 $0xD0000000, s2;
	s6 =	simm.s32 $0x108;
	_ =	swait.ge @!p0 [sflag:s8], $0x0  }
0x24: {  	s3 =	sadd.s32 $0x88, s3;
	s6 =	simm.s32 @!p1 $0x1082;
	[sflag:s4] =	ssyncset.s32 $0xFFFFF086  }
0x25: {  	[simem:s6], [sflag:s4] =	dma.local [hbm:s3], $0xF7A  }
0x26: {  	[smem:$0x3F89] =	sst s1;
	(tag) =	ssettag s2;
	_ =	strace s9  }
0x27: {  	s1 =	sld [smem:$0x3F99]  }
0x28: {  	s2 =	sld [smem:$0x3F9A]  }
0x29: {  	s4 =	sld [smem:$0x3F9C]  }
0x2a: {  	p0 =	seq.s32 s5, $0x0;
	s5 =	sld [smem:$0x3F9D]  }
0x2b: {  	s6 =	sld [smem:$0x3F9E]  }
0x2c: {  	s7 =	sld [smem:$0x3F9F]  }
0x2d: {  	s3 =	simm.s32 $0x108;
	s8 =	sld [smem:$0x3FA0]  }
0x2e: {  	s3 =	simm.s32 @!p0 $0x1082;
	s9 =	sld [smem:$0x3FA1]  }
0x2f: {  	lr =	sadd.s32 s0, s3;
	s0 =	sld [smem:$0x3F98]  }
0x30: {  	s3 =	sld [smem:$0x3F9B]  }
0x31: {  	[smem:$0x3FA4] =	sst s10  }
0x32: {  	s10 =	sld [smem:$0x3FA2];
	_ =	sdelay $0x3  }
0x33: {  	p0 =	seq.s32 s10, $0x1;
	s10 =	sld [smem:$0x3FA4];
	_ =	sdelay $0x3  }
0x34: {  	[smem:$0x3FA4] =	sst s10  }
0x35: {  	s10 =	sld [smem:$0x3FA3];
	_ =	sdelay $0x3  }
0x36: {  	p1 =	seq.s32 s10, $0x1;
	s10 =	sld [smem:$0x3FA4];
	_ =	sdelay $0x3  }
0x37: {  	[smem:$0x3FA4] =	sst s10  }
0x38: {  	s10 =	sld [smem:$0x3FA5]  }
0x39: {  	_ = 	snop;
	(pc) =	sbr.ind lr, $3  }
0x3a: {  	_ = 	snop  }
0x3b: {  	_ = 	snop  }
0x3c: {  	p2 =	seq.s32 s10, $0x1;
	s10 =	sld [smem:$0x3FA4]  }
0x3d: {  	_ =	shalt  }
0x3e: {  	_ =	shalt  }
0x3f: {  	_ =	shalt  }
0x40: {  	_ =	shalt  }
0x41: {  	_ =	shalt  }
0x42: {  	_ =	shalt  }
0x43: {  	_ =	shalt  }
0x44: {  	_ =	shalt  }
0x45: {  	_ =	shalt  }
0x46: {  	_ =	shalt  }
0x47: {  	_ =	shalt  }
0x48: {  	_ =	shalt  }
0x49: {  	_ =	shalt  }
0x4a: {  	_ =	shalt  }
0x4b: {  	_ =	shalt  }
0x4c: {  	_ =	shalt  }
0x4d: {  	_ =	shalt  }
0x4e: {  	_ =	shalt  }
0x4f: {  	_ =	shalt  }
0x50: {  	_ =	shalt  }
0x51: {  	_ =	shalt  }
0x52: {  	_ =	shalt  }
0x53: {  	_ =	shalt  }
0x54: {  	_ =	shalt  }
0x55: {  	_ =	shalt  }
0x56: {  	_ =	shalt  }
0x57: {  	_ =	shalt  }
0x58: {  	_ =	shalt  }
0x59: {  	_ =	shalt  }
0x5a: {  	_ =	shalt  }
0x5b: {  	_ =	shalt  }
0x5c: {  	_ =	shalt  }
0x5d: {  	_ =	shalt  }
0x5e: {  	_ =	shalt  }
0x5f: {  	_ =	shalt  }
0x60: {  	_ =	shalt  }
0x61: {  	_ =	shalt  }
0x62: {  	_ =	shalt  }
0x63: {  	_ =	shalt  }
0x64: {  	_ =	shalt  }
0x65: {  	_ =	shalt  }
0x66: {  	_ =	shalt  }
0x67: {  	_ =	shalt  }
0x68: {  	_ =	shalt  }
0x69: {  	_ =	shalt  }
0x6a: {  	_ =	shalt  }
0x6b: {  	_ =	shalt  }
0x6c: {  	_ =	shalt  }
0x6d: {  	_ =	shalt  }
0x6e: {  	_ =	shalt  }
0x6f: {  	_ =	shalt  }
0x70: {  	_ =	shalt  }
0x71: {  	_ =	shalt  }
0x72: {  	_ =	shalt  }
0x73: {  	_ =	shalt  }
0x74: {  	_ =	shalt  }
0x75: {  	_ =	shalt  }
0x76: {  	_ =	shalt  }
0x77: {  	_ =	shalt  }
0x78: {  	_ =	shalt  }
0x79: {  	_ =	shalt  }
0x7a: {  	_ =	shalt  }
0x7b: {  	_ =	shalt  }
0x7c: {  	_ =	shalt  }
0x7d: {  	_ =	shalt  }
0x7e: {  	_ =	shalt  }
0x7f: {  	_ =	shalt  }
0x80: {  	_ =	shalt  }
0x81: {  	_ =	shalt  }
0x82: {  	_ =	shalt  }
0x83: {  	_ =	shalt  }
0x84: {  	_ =	shalt  }
0x85: {  	_ =	shalt  }
0x86: {  	_ =	shalt  }
0x87: {  	_ =	shalt  }
.Lfunc_end0:
.L_simem_size_0:
called_computation.2_lowered:
.L_overlay_start_0:
0x88: {  	s2 =	sld [smem:$0x3FD9]  }
0x89: {  	s3 =	sld [smem:$0x3FFE];
	_ =	sdelay $0x1  }
0x8a: {  	s1 =	srdreg.scid  }
0x8b: {  	s0 =	sand.u32 $0x1, s1  }
0x8c: {  	s16 =	sshll.u32 s0, $0xA;
	s2 =	sadd.s32 s3, s2  }
0x8d: {  	s2 =	sadd.s32 s2, s16  }
0x8e: {  	[smem:$0x3FB0] =	sst s2  }
0x8f: {  	_ = 	snop  }
0x90: {  	(tm) =	ssettm $0x1  }
0x91: {  	s17 =	sld [smem:$0x3FFB];
	_ =	sdelay $0x3  }
0x92: {  	_ =	strace s17  }
0x93: {  	s2 =	sld [smem:$0x3FFC];
	_ =	sdelay $0x3  }
0x94: {  	_ =	strace s2  }
0x95: {  	s2 =	sld [smem:$0x3FFD];
	_ =	sdelay $0x3  }
0x96: {  	_ =	strace s2  }
0x97: {  	_ =	strace $0x8FFFFFFF  }
0x98: {  	s18 =	sld [smem:$0x3FDB];
	_ =	sdelay $0x1  }
0x99: {  	s19 =	simm.s32 $_scs_section_size  }
0x9a: {  	s4 =	simm.s32 $_size__tile_overlayer_lowered;
	s5 =	simm.s32 $_tile_overlayer_lowered  }
0x9b: {  	s22 =	simm.s32 $0x1BFF;
	s21 =	sshll.u32 s5, $0x1;
	s2 =	sadd.s32 s19, s18  }
0x9c: {  	s6 =	simm.s32 $0x0;
	s20 =	sshll.u32 s4, $0x1;
	s4 =	sadd.s32 s21, s2  }
0x9d: {  	[timem:s6], [sflag:s22] =	dma.local [hbm:s4], s20  }
0x9e: {  	_ =	swait.ge [sflag:s22], s20  }
0x9f: {  	s3 =	ssub.s32 $0x0, s20;
	[sflag:s22] =	ssyncset.done $0x0  }
0xa0: {  	[sflag:s22] =	ssyncadd.s32 s3;
	_ =	sdelay $0x1  }
0xa1: {  	s23 =	simm.s32 $0x1B8B  }
0xa2: {  	_ =	swait.ge [sflag:s23], $0x1  }
0xa3: {  	[sflag:s23] =	ssyncset.done $0x0  }
0xa4: {  	s25 =	simm.s32 $0x1B8E;
	s24 =	sld [smem:$0x3FFE];
	[sflag:s23] =	ssyncadd.s32 $0xFFFFFFFF  }
0xa5: {  	s26 =	simm.s32 $execute0_lowered;
	[smem:$0x3FD2] =	sst s25  }
0xa6: {  	s4 =	sshll.u32 s26, $0x1;
	_ =	strace $0x8000004C;
	[dreg:$0x1] =	wrdreg $0xFFFFFFFF  }
0xa7: {  	s28 =	simm.s32 $_size_execute0_lowered;
	s2 =	sadd.s32 s2, s4;
	[dreg:$0x0] =	wrdreg $0x0  }
0xa8: {  	s4 =	sshll.u32 s28, $0x1;
	[dreg:$0x2] =	wrdreg s2  }
0xa9: {  	[dreg:$0x3] =	wrdreg s4  }
0xaa: {  	[dreg:$0x4] =	wrdreg $0xC0  }
0xab: {  	_ =	task [dreg:s6], $0x5FFFF  }
0xac: {  	[dreg:$0x1] =	wrdreg $0xFFFFFFFF  }
0xad: {  	[dreg:$0x0] =	wrdreg $0x60  }
0xae: {  	[dreg:$0x2] =	wrdreg s24  }
0xaf: {  	[dreg:$0x3] =	wrdreg $0x86000  }
0xb0: {  	[dreg:$0x4] =	wrdreg $0x9  }
0xb1: {  	_ =	task.clear_ibuf [dreg:s6], $0x5FFFF;
	_ =	strace $0x9000004C  }
0xb2: {  	s29 =	simm.s32 $0x9;
	_ =	strace $0x8000004E  }
0xb3: {  	_ =	swait.ge [sflag:s29], $0x1  }
0xb4: {  	[sflag:s29] =	ssyncadd.s32 $0xFFFFFFFF  }
0xb5: {  	_ =	strace $0x9000004E  }
0xb6: {  	_ =	sfence  }
0xb7: {  	s30 =	sld [smem:$0x0];
	_ =	sdelay $0x2  }
0xb8: {  	s31 =	sshll.u32 s1, $0xD;
	s1 =	sshrl.u32 s1, $0x2  }
0xb9: {  	s3 =	sand.u32 $0x4000, s31;
	s1 =	sadd.s32 s1, s30  }
0xba: {  	s0 =	sor.u32 s3, s0;
	s1 =	sshll.u32 s1, $0x11  }
0xbb: {  	s0 =	sor.u32 s1, s0  }
0xbc: {  	s0 =	sadd.s32 $0x8F2B, s0  }
0xbd: {  	[sflag:s0] =	ssyncadd.remote.s32 $0x1  }
0xbe: {  	_ =	sfence.sel $0xFFFF  }
0xbf: {  	[dreg:$0x0] =	wrdreg $0xFFFFFFFF;
	(pc) =	sbr.abs _section_cstart, $3  }
0xc0: {  	[dreg:$0x1] =	wrdreg $0xFFFFFFFF  }
0xc1: {  	_ =	task.clear_ibuf [dreg:s6], $0x2FFFF;
	_ =	strace $0x9FFFFFFF  }
0xc2: {  	(tm) =	ssettm $0x7FFFFFFF  }
0xc3: {  	_ =	shalt  }
tec
execute0_lowered:
.L_overlay_start_1:
0x0: {  	(tag) =	ssettag $0x1  }
0x1: {  	s10 =	rddreg [dreg:$0x0]  }
0x2: {  	s1 =	rddreg [dreg:$0x1];
	s2 =	simm.s32 $0x0;
	s3 =	srdreg.scid  }
0x3: {  	s13 =	stileid.u32;
	s16 =	simm.s32 $0x400;
	s17 =	simm.s32 $0x1  }
0x4: {  	s18 =	simm.s32 $0x600;
	s19 =	simm.s32 $0x2600;
	s20 =	simm.s32 $0x4600  }
0x5: {  	s21 =	simm.s32 $0x6600;
	s22 =	simm.s32 $0x2;
	s23 =	simm.s32 $0x0  }
0x6: {  	[smem:$0x7FF] =	sst s2;
	s11 =	sand.u32 $0x1, s3;
	s3 =	sadd.s32 $0xF800, s10  }
0x7: {  	s4 =	sadd.s32 $0x23800, s10;
	s5 =	sadd.s32 $0x19800, s10;
	s6 =	sadd.s32 $0xA600, s10  }
0x8: {  	s7 =	sadd.s32 $0x5600, s10;
	s8 =	sadd.s32 $0xF600, s10;
	s9 =	sadd.s32 $0x2D800, s10  }
0x9: {  	p0 =	sne.s32 s13, $0x0;
	s12 =	smul.u32 $0x4E40, s11;
	s14 =	ssub.s32 $0x2, s11  }
0xa: {  	_ =	strace $0x8000004D;
	s11 =	sshll.u32 s11, $0x4;
	s15 =	sshrl.u32 s14, $0x1  }
0xb: {  	s11 =	sor.u32 s13, s11;
	s12 =	sadd.s32 s12, s10;
	s10 =	sadd.s32 $0x3C600, s10  }
0xc: {  	s14 =	ssub.s32 s14, s15;
	s11 =	smul.u32 $0x2800, s11;
	s15 =	simm.s32 $0x200  }
0xd: {  	s12 =	sadd.s32 $0x32800, s12;
	s13 =	smax.u32 s14, $0x1;
	s14 =	sshrl.u32 @!p0 s1, $0x3  }
.LBB2_1:
0xe: {  	s24 =	simm.s32 @!p0 $0x1C02  }
0xf: {  	[spmem:s14], [sflag:s24] =	dma.local @!p0 [hbm:s9], $0x4E40  }
0x10: {  	s24 =	simm.s32 @!p0 $0x2  }
0x11: {  	_ =	swait.ge @!p0 [sflag:s24], $0x4E40  }
0x12: {  	[sflag:s24] =	ssyncset.done @!p0 $0x0  }
0x13: {  	[sflag:s24] =	ssyncadd.s32 @!p0 $0xFFFFB1C0  }
0x14: {  	s24 =	simm.s32 $0x0;
	[bflag:$0x0] =	sbarrier.arrive $0xFFFF  }
.LBB2_2:
0x15: {  	s25 =	sshll.u32 s24, $0x9  }
0x16: {  	s25 =	sadd.s32 s11, s25  }
0x17: {  	s26 =	sshrl.u32 s25, $0x3  }
0x18: {  	s29 =	simm.s32 $0x0;
	s28 =	sadd.s32 s3, s26  }
0x19: {  	[tilespmem:s29], [sflag:$0x1] =	stream.linear.gather [hbm4b:s28+s29], $0x200, $0x38;
	[tilespmem:$0xAD20] =	vst v63  }
0x1a: {  	s28 =	sadd.s32 s4, s26  }
0x1b: {  	[tilespmem:s15], [sflag:$0x1] =	stream.linear.gather [hbm4b:s28+s29], $0x200, $0x38;
	[tilespmem:$0xAD20] =	vst v63  }
0x1c: {  	s26 =	sadd.s32 s5, s26  }
0x1d: {  	[tilespmem:s16], [sflag:$0x1] =	stream.linear.gather [hbm4b:s26+s29], $0x200, $0x38;
	[tilespmem:$0xAD20] =	vst v63  }
0x1e: {  	_ =	swait.ge [sflag:s17], $0x200  }
0x1f: {  	[sflag:s17] =	ssyncset.done $0x0  }
0x20: {  	[sflag:s17] =	ssyncadd.s32 $0xFFFFFE00  }
0x21: {  	_ =	swait.ge [sflag:s17], $0x200  }
0x22: {  	[sflag:s17] =	ssyncset.done $0x0  }
0x23: {  	[sflag:s17] =	ssyncadd.s32 $0xFFFFFE00  }
0x24: {  	_ =	swait.ge [sflag:s17], $0x200  }
0x25: {  	[sflag:s17] =	ssyncset.done $0x0  }
0x26: {  	[sflag:s17] =	ssyncadd.s32 $0xFFFFFE00  }
0x27: {  	[tilespmem:s18], [sflag:$0x1] =	stream.indirect.gather [hbm4b:s6+s15], $0x10, s29, s15, $0xb8;
	[tilespmem:$0xAD20] =	vst v63  }
0x28: {  	_ = 	snop  }
0x29: {  	[tilespmem:s19], [sflag:$0x1] =	stream.indirect.gather [hbm4b:s7+s15], $0x10, s15, s15, $0xb8;
	[tilespmem:$0xAD20] =	vst v63  }
0x2a: {  	_ = 	snop  }
0x2b: {  	[tilespmem:s20], [sflag:$0x1] =	stream.indirect.gather [hbm4b:s8+s15], $0x10, s16, s15, $0xb8;
	[tilespmem:$0xAD20] =	vst v63  }
0x2c: {  	_ =	swait.ge [sflag:s17], $0x2000  }
0x2d: {  	[sflag:s17] =	ssyncset.done $0x0  }
0x2e: {  	[sflag:s17] =	ssyncadd.s32 $0xFFFFE000  }
0x2f: {  	_ =	swait.ge [sflag:s17], $0x2000  }
0x30: {  	[sflag:s17] =	ssyncset.done $0x0  }
0x31: {  	[sflag:s17] =	ssyncadd.s32 $0xFFFFE000  }
0x32: {  	_ =	swait.ge [sflag:s17], $0x2000  }
0x33: {  	[sflag:s17] =	ssyncset.done $0x0  }
0x34: {  	s26 =	simm.s32 $0x0;
	[sflag:s17] =	ssyncadd.s32 $0xFFFFE000  }
0x35: {  	v0 =	vld [tilespmem:s26+$0x600]  }
0x36: {  	s28 =	simm.s32 $0x10;
	v1 =	vld [tilespmem:s26+$0x2600]  }
0x37: {  	v2 =	vld [tilespmem:s28+$0x600]  }
0x38: {  	v3 =	vld [tilespmem:s28+$0x2600]  }
0x39: {  	v4 =	vld [tilespmem:s26+$0x4600];
	_ =	sdelay $0x1  }
0x3a: {  	v5 =	vld [tilespmem:s28+$0x4600]  }
0x3b: {  	v0 =	vadd.f32 v1, v0;
	_ =	sdelay $0x1  }
0x3c: {  	v2 =	vadd.f32 v3, v2;
	v0 =	vadd.f32 v4, v0;
	_ =	sdelay $0x1  }
0x3d: {  	v2 =	vadd.f32 v5, v2;
	v5 =	vmul.f32 $2.000000030e-01, v0  }
0x3e: {  	s29 =	simm.s32 $0x20  }
0x3f: {  	v1 =	vld [tilespmem:s29+$0x600];
	v0 =	vmax.f32 v0, v5  }
0x40: {  	v3 =	vld [tilespmem:s29+$0x2600];
	v5 =	vmul.f32 $1.442695020e+00, v0  }
0x41: {  	v6 =	vmul.f32 $2.000000030e-01, v2  }
0x42: {  	v4 =	vld [tilespmem:s29+$0x4600];
	(erf) = vpow2.f32 v5  }
0x43: {  	v2 =	vmax.f32 v2, v6  }
0x44: {  	s30 =	simm.s32 $0x30;
	v6 =	vmul.f32 $1.442695020e+00, v2  }
0x45: {  	v1 =	vadd.f32 v3, v1;
	v0 =	vld [tilespmem:s30+$0x600]  }
0x46: {  	v2 =	vld [tilespmem:s30+$0x2600];
	(erf) = vpow2.f32 v6  }
0x47: {  	v3 =	vadd.f32 v4, v1  }
0x48: {  	v1 =	vld [tilespmem:s30+$0x4600]  }
0x49: {  	s31 =	simm.s32 $0x100;
	v4 =	vmul.f32 $2.000000030e-01, v3  }
.LBB2_3:
0x4a: {  	s0 =	sshra.s32 s31, $0x2;
	p1 =	sne.s32 s31, $0x7FC0  }
.Ltmp0:
0x4b: {  	s31 =	sadd.s32 $0x40, s31;
	v5 =	vadd.f32 v2, v0;
	v0 =	vld [tilespmem:s0+$0x600];
	v3 =	vmax.f32 v3, v4;
	v4 =	vpop (erf);
	(pc) =	sbr.rel @p1 .LBB2_3-.Ltmp0, $4  }
0x4c: {  	v2 =	vld [tilespmem:s0+$0x2600];
	v6 =	vmul.f32 $1.442695020e+00, v3;
	[tilespmem:s26+$0x6600] =	vst v4;
	s26 =	smov.u32 s28;
	s28 =	smov.u32 s29;
	s29 =	smov.u32 s30  }
0x4d: {  	s30 =	smov.u32 s0;
	v3 =	vadd.f32 v1, v5  }
0x4e: {  	v1 =	vld [tilespmem:s30+$0x4600];
	(erf) = vpow2.f32 v6  }
0x4f: {  	v4 =	vmul.f32 $2.000000030e-01, v3  }
0x50: {  	_ = 	snop  }
0x51: {  	v0 =	vadd.f32 v2, v0;
	_ =	sdelay $0x1  }
0x52: {  	v0 =	vadd.f32 v1, v0;
	_ =	sdelay $0x1  }
0x53: {  	v1 =	vmul.f32 $2.000000030e-01, v0  }
0x54: {  	v59 =	vmax.f32 v3, v4  }
0x55: {  	v2 =	vmul.f32 $1.442695020e+00, v59;
	v0 =	vmax.f32 v0, v1  }
0x56: {  	v0 =	vmul.f32 $1.442695020e+00, v0  }
0x57: {  	(erf) = vpow2.f32 v2  }
0x58: {  	(erf) = vpow2.f32 v0;
	_ =	sdelay $0x5  }
0x59: {  	v60 =	vpop (erf)  }
0x5a: {  	[tilespmem:s26+$0x6600] =	vst v60;
	v61 =	vpop (erf)  }
0x5b: {  	[tilespmem:s28+$0x6600] =	vst v61;
	v62 =	vpop (erf)  }
0x5c: {  	[tilespmem:s29+$0x6600] =	vst v62;
	v63 =	vpop (erf)  }
0x5d: {  	[tilespmem:s30+$0x6600] =	vst v63  }
0x5e: {  	[spmem:s1] =	stream.indirect.scatter.add.f32 [tilespmem:s21], [sflag:$0x2], $0x10, s15, s15, $0xb8;
	[tilespmem:$0xAD20] =	vst v63  }
0x5f: {  	s24 =	sadd.s32 $0x1, s24;
	_ =	swait.ge [sflag:s22], $0x2000  }
0x60: {  	s0 =	sshll.u32 s25, $0x1;
	p1 =	sne.s32 s24, $0x14;
	[sflag:s22] =	ssyncset.done $0x0  }
.Ltmp1:
0x61: {  	s0 =	sadd.s32 s10, s0;
	[sflag:s22] =	ssyncadd.s32 $0xFFFFE000;
	(pc) =	sbr.rel @p1 .LBB2_2-.Ltmp1, $4  }
0x62: {  	[hbm4b:s0+s2] =	stream.linear.scatter [tilespmem:s21], [sflag:$0x2], $0x2000, $0x38;
	[tilespmem:$0xAD20] =	vst v63  }
0x63: {  	_ =	swait.ge [sflag:s22], $0x2000  }
0x64: {  	[sflag:s22] =	ssyncset.done $0x0  }
0x65: {  	[sflag:s22] =	ssyncadd.s32 $0xFFFFE000  }
0x66: {  	[bflag:$0x0] =	sbarrier.arrive $0xFFFF;
	s0 =	simm.s32 @!p0 $0x1C02;
	s23 =	sadd.s32 $0x1, s23  }
0x67: {  	[hbm:s12], [sflag:s0] =	dma.local @!p0 [spmem:s14], $0x4E40  }
0x68: {  	p1 =	sne.s32 s23, s13  }
.Ltmp2:
0x69: {  	_ = 	snop;
	(pc) =	sbr.rel @p1 .LBB2_1-.Ltmp2, $4  }
0x6a: {  	s0 =	simm.s32 @!p0 $0x2  }
0x6b: {  	_ =	swait.ge @!p0 [sflag:s0], $0x4E40  }
0x6c: {  	[sflag:s0] =	ssyncset.done @!p0 $0x0  }
0x6d: {  	[sflag:s0] =	ssyncadd.s32 @!p0 $0xFFFFB1C0  }
0x6e: {  	_ =	sfence.sel $0x180000  }
0x6f: {  	[bflag:$0x0] =	sbarrier.arrive $0xFFFF  }
0x70: {  	_ =	strace $0x9000004D  }
0x71: {  	[bflag:$0x2] =	sbarrier.arrive $0xFFFF  }
0x72: {  	s0 =	rddreg [dreg:$0x2]  }
0x73: {  	s0 =	sadd.s32 @!p0 $0x100000, s0  }
0x74: {  	[sflag:s0] =	ssyncadd.tile.s32 @!p0 $0x1;
	_ =	shalt  }
.Lfunc_end2:
_tile_overlayer_lowered:
.L_overlay_start_2:
0x75: {  	(tag) =	ssettag $0x2  }
0x76: {  	s0 =	rddreg [dreg:$0x0];
	s2 =	stileid.u32  }
0x77: {  	s1 =	rddreg [dreg:$0x1];
	p0 =	sne.s32 s2, $0x0  }
0x78: {  	s3 =	rddreg [dreg:$0x2];
	[bflag:$0x3] =	sbarrier.arrive $0xFFFF;
	s2 =	simm.s32 @!p0 $0x1C02  }
0x79: {  	[timem:s3], [sflag:s2] =	dma.local @!p0 [hbm:s0], s1  }
0x7a: {  	s0 =	simm.s32 @!p0 $0x2  }
0x7b: {  	_ =	swait.ge @!p0 [sflag:s0], s1  }
0x7c: {  	s1 =	ssub.s32 @!p0 $0x0, s1;
	[sflag:s0] =	ssyncset.done @!p0 $0x0  }
0x7d: {  	[sflag:s0] =	ssyncadd.s32 @!p0 s1  }
0x7e: {  	[bflag:$0x3] =	sbarrier.arrive $0xFFFF  }
0x7f: {  	_ =	shalt  }

// kernel: kernel.24.cloned.1.call-start
scs
__scs_entry_jumppad:
0x0: {  	(pc) =	sbr.rel $0x88, $3  }
0x1: {  	(tag) =	ssettag $0x0;
	lr =	simm.s32 $0x1  }
0x2: {  	[smem:$0x3F89] =	sst lr;
	_ =	strace $0xD0000000  }
0x3: {  	_ = 	snop  }
0x4: {  	_ = 	snop  }
0x5: {  	_ = 	snop  }
0x6: {  	_ = 	snop  }
0x7: {  	_ = 	snop  }
__scs_overlays_trampoline_lowered:
0x8: {  	[smem:$0x3F98] =	sst s0  }
0x9: {  	[smem:$0x3F99] =	sst s1  }
0xa: {  	[smem:$0x3F9A] =	sst s2  }
0xb: {  	[smem:$0x3F9B] =	sst s3  }
0xc: {  	[smem:$0x3F9C] =	sst s4  }
0xd: {  	[smem:$0x3F9D] =	sst s5  }
0xe: {  	[smem:$0x3F9E] =	sst s6  }
0xf: {  	[smem:$0x3F9F] =	sst s7  }
0x10: {  	[smem:$0x3FA0] =	sst s8  }
0x11: {  	[smem:$0x3FA1] =	sst s9;
	s0 =	simm.s32 @!p0 $0x0  }
0x12: {  	s1 =	sld [smem:$0x3F87];
	s0 =	simm.s32 @p0 $0x1  }
0x13: {  	[smem:$0x3FA2] =	sst s0;
	s0 =	simm.s32 @!p1 $0x0  }
0x14: {  	s2 =	sld [smem:$0x3F86];
	s0 =	simm.s32 @p1 $0x1  }
0x15: {  	[smem:$0x3FA3] =	sst s0;
	s0 =	simm.s32 @!p2 $0x0  }
0x16: {  	s3 =	sld [smem:$0x3FDB];
	s0 =	simm.s32 @p2 $0x1  }
0x17: {  	s4 =	simm.s32 $0x1BF5;
	[smem:$0x3FA5] =	sst s0  }
0x18: {  	s0 =	sld [smem:$0x3F88];
	_ =	swait.ge [sflag:s4], $0x0  }
0x19: {  	s7 =	sld [smem:$0x3F89]  }
0x1a: {  	s8 =	sadd.s32 $0xFFFFE003, lr  }
0x1b: {  	s9 =	sadd.s32 $0xFFFFFEF7, lr;
	s5 =	simm.s32 $0xFFFFFFFF;
	p2 =	slt.u32 s8, $0xFFFFF086  }
0x1c: {  	p1 =	slt.u32 s9, $0xF7A;
	s5 =	simm.s32 @!p2 $0x0  }
0x1d: {  	s5 =	simm.s32 @p1 $0x1;
	p0 =	seq.s32 s7, s2  }
0x1e: {  	s7 =	smul.u32 @!p0 $0xF7A, s2;
	p2 =	seq.s32 @!p0 s5, $0x0  }
0x1f: {  	s9 =	smul.u32 $0xF7A, s1;
	s8 =	simm.s32 @!p0 $0x1BF5;
	p2 =	por !p2, p0  }
0x20: {  	[sflag:s8] =	ssyncset.s32 @!p0 $0xFFFFF086;
	s6 =	sadd.s32 @!p0 s3, s7;
	s7 =	simm.s32 @!p0 $0x108  }
0x21: {  	s3 =	sadd.s32 s3, s9;
	s6 =	sadd.s32 @!p0 $0x88, s6;
	s7 =	simm.s32 @p2 $0x1082  }
0x22: {  	[simem:s7], [sflag:s8] =	dma.local @!p0 [hbm:s6], $0xF7A  }
0x23: {  	s9 =	sor.u32 $0xD0000000, s2;
	s6 =	simm.s32 $0x108;
	_ =	swait.ge @!p0 [sflag:s8], $0x0  }
0x24: {  	s3 =	sadd.s32 $0x88, s3;
	s6 =	simm.s32 @!p1 $0x1082;
	[sflag:s4] =	ssyncset.s32 $0xFFFFF086  }
0x25: {  	[simem:s6], [sflag:s4] =	dma.local [hbm:s3], $0xF7A  }
0x26: {  	[smem:$0x3F89] =	sst s1;
	(tag) =	ssettag s2;
	_ =	strace s9  }
0x27: {  	s1 =	sld [smem:$0x3F99]  }
0x28: {  	s2 =	sld [smem:$0x3F9A]  }
0x29: {  	s4 =	sld [smem:$0x3F9C]  }
0x2a: {  	p0 =	seq.s32 s5, $0x0;
	s5 =	sld [smem:$0x3F9D]  }
0x2b: {  	s6 =	sld [smem:$0x3F9E]  }
0x2c: {  	s7 =	sld [smem:$0x3F9F]  }
0x2d: {  	s3 =	simm.s32 $0x108;
	s8 =	sld [smem:$0x3FA0]  }
0x2e: {  	s3 =	simm.s32 @!p0 $0x1082;
	s9 =	sld [smem:$0x3FA1]  }
0x2f: {  	lr =	sadd.s32 s0, s3;
	s0 =	sld [smem:$0x3F98]  }
0x30: {  	s3 =	sld [smem:$0x3F9B]  }
0x31: {  	[smem:$0x3FA4] =	sst s10  }
0x32: {  	s10 =	sld [smem:$0x3FA2];
	_ =	sdelay $0x3  }
0x33: {  	p0 =	seq.s32 s10, $0x1;
	s10 =	sld [smem:$0x3FA4];
	_ =	sdelay $0x3  }
0x34: {  	[smem:$0x3FA4] =	sst s10  }
0x35: {  	s10 =	sld [smem:$0x3FA3];
	_ =	sdelay $0x3  }
0x36: {  	p1 =	seq.s32 s10, $0x1;
	s10 =	sld [smem:$0x3FA4];
	_ =	sdelay $0x3  }
0x37: {  	[smem:$0x3FA4] =	sst s10  }
0x38: {  	s10 =	sld [smem:$0x3FA5]  }
0x39: {  	_ = 	snop;
	(pc) =	sbr.ind lr, $3  }
0x3a: {  	_ = 	snop  }
0x3b: {  	_ = 	snop  }
0x3c: {  	p2 =	seq.s32 s10, $0x1;
	s10 =	sld [smem:$0x3FA4]  }
0x3d: {  	_ =	shalt  }
0x3e: {  	_ =	shalt  }
0x3f: {  	_ =	shalt  }
0x40: {  	_ =	shalt  }
0x41: {  	_ =	shalt  }
0x42: {  	_ =	shalt  }
0x43: {  	_ =	shalt  }
0x44: {  	_ =	shalt  }
0x45: {  	_ =	shalt  }
0x46: {  	_ =	shalt  }
0x47: {  	_ =	shalt  }
0x48: {  	_ =	shalt  }
0x49: {  	_ =	shalt  }
0x4a: {  	_ =	shalt  }
0x4b: {  	_ =	shalt  }
0x4c: {  	_ =	shalt  }
0x4d: {  	_ =	shalt  }
0x4e: {  	_ =	shalt  }
0x4f: {  	_ =	shalt  }
0x50: {  	_ =	shalt  }
0x51: {  	_ =	shalt  }
0x52: {  	_ =	shalt  }
0x53: {  	_ =	shalt  }
0x54: {  	_ =	shalt  }
0x55: {  	_ =	shalt  }
0x56: {  	_ =	shalt  }
0x57: {  	_ =	shalt  }
0x58: {  	_ =	shalt  }
0x59: {  	_ =	shalt  }
0x5a: {  	_ =	shalt  }
0x5b: {  	_ =	shalt  }
0x5c: {  	_ =	shalt  }
0x5d: {  	_ =	shalt  }
0x5e: {  	_ =	shalt  }
0x5f: {  	_ =	shalt  }
0x60: {  	_ =	shalt  }
0x61: {  	_ =	shalt  }
0x62: {  	_ =	shalt  }
0x63: {  	_ =	shalt  }
0x64: {  	_ =	shalt  }
0x65: {  	_ =	shalt  }
0x66: {  	_ =	shalt  }
0x67: {  	_ =	shalt  }
0x68: {  	_ =	shalt  }
0x69: {  	_ =	shalt  }
0x6a: {  	_ =	shalt  }
0x6b: {  	_ =	shalt  }
0x6c: {  	_ =	shalt  }
0x6d: {  	_ =	shalt  }
0x6e: {  	_ =	shalt  }
0x6f: {  	_ =	shalt  }
0x70: {  	_ =	shalt  }
0x71: {  	_ =	shalt  }
0x72: {  	_ =	shalt  }
0x73: {  	_ =	shalt  }
0x74: {  	_ =	shalt  }
0x75: {  	_ =	shalt  }
0x76: {  	_ =	shalt  }
0x77: {  	_ =	shalt  }
0x78: {  	_ =	shalt  }
0x79: {  	_ =	shalt  }
0x7a: {  	_ =	shalt  }
0x7b: {  	_ =	shalt  }
0x7c: {  	_ =	shalt  }
0x7d: {  	_ =	shalt  }
0x7e: {  	_ =	shalt  }
0x7f: {  	_ =	shalt  }
0x80: {  	_ =	shalt  }
0x81: {  	_ =	shalt  }
0x82: {  	_ =	shalt  }
0x83: {  	_ =	shalt  }
0x84: {  	_ =	shalt  }
0x85: {  	_ =	shalt  }
0x86: {  	_ =	shalt  }
0x87: {  	_ =	shalt  }
.Lfunc_end0:
.L_simem_size_0:
called_computation.3_lowered:
.L_overlay_start_0:
0x88: {  	s2 =	sld [smem:$0x3FD9]  }
0x89: {  	s3 =	sld [smem:$0x3FFE];
	_ =	sdelay $0x1  }
0x8a: {  	s1 =	srdreg.scid  }
0x8b: {  	s0 =	sand.u32 $0x1, s1  }
0x8c: {  	s17 =	sshll.u32 s0, $0xA;
	s2 =	sadd.s32 s3, s2  }
0x8d: {  	s2 =	sadd.s32 s2, s17  }
0x8e: {  	[smem:$0x3FB0] =	sst s2  }
0x8f: {  	_ = 	snop  }
0x90: {  	s2 =	sld [smem:$0x3FD0];
	(tm) =	ssettm $0x1  }
0x91: {  	s18 =	sld [smem:$0x3FFB];
	_ =	sdelay $0x3  }
0x92: {  	_ =	strace s18  }
0x93: {  	s3 =	sld [smem:$0x3FFC];
	_ =	sdelay $0x3  }
0x94: {  	_ =	strace s3  }
0x95: {  	s3 =	sld [smem:$0x3FFD];
	_ =	sdelay $0x3  }
0x96: {  	_ =	strace s3  }
0x97: {  	_ =	strace $0x8FFFFFFF  }
0x98: {  	s19 =	sld [smem:$0x3FDB];
	_ =	sdelay $0x1  }
0x99: {  	s4 =	simm.s32 $_scs_section_size  }
0x9a: {  	s5 =	simm.s32 $_size__tile_overlayer_lowered;
	s6 =	simm.s32 $_tile_overlayer_lowered  }
0x9b: {  	s22 =	simm.s32 $0x1BFF;
	s21 =	sshll.u32 s6, $0x1;
	s3 =	sadd.s32 s4, s19  }
0x9c: {  	s7 =	simm.s32 $0x0;
	s20 =	sshll.u32 s5, $0x1;
	s5 =	sadd.s32 s21, s3  }
0x9d: {  	[timem:s7], [sflag:s22] =	dma.local [hbm:s5], s20  }
0x9e: {  	_ =	swait.ge [sflag:s22], s20  }
0x9f: {  	s4 =	ssub.s32 $0x0, s20;
	[sflag:s22] =	ssyncset.done $0x0  }
0xa0: {  	[sflag:s22] =	ssyncadd.s32 s4;
	_ =	sdelay $0x1  }
0xa1: {  	s23 =	simm.s32 $0x1B8B  }
0xa2: {  	_ =	swait.ge [sflag:s23], $0x1  }
0xa3: {  	[sflag:s23] =	ssyncset.done $0x0  }
0xa4: {  	s25 =	simm.s32 $0x1B8E;
	s24 =	sld [smem:$0x3FFE];
	[sflag:s23] =	ssyncadd.s32 $0xFFFFFFFF  }
0xa5: {  	s26 =	simm.s32 $execute0_lowered;
	[smem:$0x3FD2] =	sst s25  }
0xa6: {  	s5 =	sshll.u32 s26, $0x1;
	_ =	strace $0x8000004F;
	[dreg:$0x1] =	wrdreg $0xFFFFFFFF  }
0xa7: {  	s28 =	simm.s32 $_size_execute0_lowered;
	s3 =	sadd.s32 s3, s5;
	[dreg:$0x0] =	wrdreg $0x0  }
0xa8: {  	s5 =	sshll.u32 s28, $0x1;
	[dreg:$0x2] =	wrdreg s3  }
0xa9: {  	[dreg:$0x3] =	wrdreg s5  }
0xaa: {  	[dreg:$0x4] =	wrdreg $0xC0  }
0xab: {  	_ =	task [dreg:s7], $0x5FFFF  }
0xac: {  	[dreg:$0x1] =	wrdreg $0xFFFFFFFF  }
0xad: {  	[dreg:$0x0] =	wrdreg $0x60  }
0xae: {  	[dreg:$0x2] =	wrdreg s24  }
0xaf: {  	[dreg:$0x3] =	wrdreg s2  }
0xb0: {  	[dreg:$0x4] =	wrdreg $0xE2000  }
0xb1: {  	[dreg:$0x5] =	wrdreg $0x9  }
0xb2: {  	_ =	task.clear_ibuf [dreg:s7], $0x6FFFF;
	_ =	strace $0x9000004F  }
0xb3: {  	s29 =	simm.s32 $0x9;
	_ =	strace $0x80000051  }
0xb4: {  	_ =	swait.ge [sflag:s29], $0x1  }
0xb5: {  	[sflag:s29] =	ssyncadd.s32 $0xFFFFFFFF  }
0xb6: {  	_ =	strace $0x90000051  }
0xb7: {  	_ =	sfence  }
0xb8: {  	s30 =	sld [smem:$0x0];
	_ =	sdelay $0x2  }
0xb9: {  	s31 =	sshll.u32 s1, $0xD;
	s1 =	sshrl.u32 s1, $0x2  }
0xba: {  	s3 =	sand.u32 $0x4000, s31;
	s1 =	sadd.s32 s1, s30  }
0xbb: {  	s0 =	sor.u32 s3, s0;
	s1 =	sshll.u32 s1, $0x11  }
0xbc: {  	s0 =	sor.u32 s1, s0  }
0xbd: {  	s0 =	sadd.s32 $0x8F2B, s0  }
0xbe: {  	[sflag:s0] =	ssyncadd.remote.s32 $0x1  }
0xbf: {  	_ =	sfence.sel $0xFFFF  }
0xc0: {  	[dreg:$0x0] =	wrdreg $0xFFFFFFFF;
	(pc) =	sbr.abs _section_cstart, $3  }
0xc1: {  	[dreg:$0x1] =	wrdreg $0xFFFFFFFF  }
0xc2: {  	_ =	task.clear_ibuf [dreg:s7], $0x2FFFF;
	_ =	strace $0x9FFFFFFF  }
0xc3: {  	(tm) =	ssettm $0x7FFFFFFF  }
tec
execute0_lowered:
.L_overlay_start_1:
0x0: {  	(tag) =	ssettag $0x1  }
0x1: {  	s9 =	rddreg [dreg:$0x0]  }
0x2: {  	s1 =	rddreg [dreg:$0x1]  }
0x3: {  	s2 =	rddreg [dreg:$0x2]  }
0x4: {  	s0 =	rddreg [dreg:$0x3]  }
0x5: {  	s3 =	simm.s32 $0x0;
	s8 =	srdreg.scid;
	s13 =	stileid.u32  }
0x6: {  	s15 =	simm.s32 $0x1;
	s16 =	simm.s32 $0x1200;
	s17 =	simm.s32 $0x2200  }
0x7: {  	s18 =	simm.s32 $0x8200;
	s19 =	simm.s32 $0x2;
	[smem:$0x7FF] =	sst s3  }
0x8: {  	s4 =	sadd.s32 $0xF800, s9;
	s5 =	sadd.s32 $0x23800, s9;
	s6 =	sadd.s32 $0x3C600, s9  }
0x9: {  	s7 =	sadd.s32 $0x32800, s9;
	s10 =	sand.u32 $0x1, s8;
	s8 =	sadd.s32 $0xF9C00, s9  }
0xa: {  	p0 =	sne.s32 s13, $0x0;
	s11 =	smul.u32 $0x1D580, s10;
	s12 =	ssub.s32 $0x2, s10  }
0xb: {  	_ =	strace $0x80000050;
	s10 =	sshll.u32 s10, $0x4;
	s14 =	sshrl.u32 s12, $0x1  }
0xc: {  	s31 =	sor.u32 s13, s10;
	s13 =	simm.s32 $0x100;
	s11 =	sadd.s32 s11, s9  }
0xd: {  	s12 =	ssub.s32 s12, s14;
	s9 =	smul.u32 $0x2800, s31;
	s14 =	simm.s32 $0x200  }
0xe: {  	s10 =	sadd.s32 $0x117200, s11;
	s11 =	smax.u32 s12, $0x1;
	s12 =	sshrl.u32 @!p0 s2, $0x3  }
.LBB2_1:
0xf: {  	s20 =	simm.s32 @!p0 $0x1C02  }
0x10: {  	[spmem:s12], [sflag:s20] =	dma.local @!p0 [hbm:s8], $0x1D580  }
0x11: {  	s20 =	simm.s32 @!p0 $0x2  }
0x12: {  	_ =	swait.ge @!p0 [sflag:s20], $0x1D580  }
0x13: {  	[sflag:s20] =	ssyncset.done @!p0 $0x0  }
0x14: {  	[sflag:s20] =	ssyncadd.s32 @!p0 $0xFFFE2A80  }
0x15: {  	s20 =	simm.s32 $0x0;
	[bflag:$0x0] =	sbarrier.arrive $0xFFFF  }
.LBB2_2:
0x16: {  	s21 =	sshll.u32 s20, $0x8  }
0x17: {  	s21 =	sadd.s32 s9, s21  }
0x18: {  	s22 =	sshrl.u32 s21, $0x3  }
0x19: {  	s24 =	simm.s32 $0x0;
	s23 =	sadd.s32 s4, s22  }
0x1a: {  	[tilespmem:s24], [sflag:$0x1] =	stream.linear.gather [hbm4b:s23+s24], $0x100, $0x38;
	[tilespmem:$0x1CCC0] =	vst v63  }
0x1b: {  	s21 =	sshll.u32 s21, $0x1;
	s22 =	sadd.s32 s5, s22  }
0x1c: {  	[tilespmem:s13], [sflag:$0x1] =	stream.linear.gather [hbm4b:s22+s24], $0x100, $0x38;
	[tilespmem:$0x1CCC0] =	vst v63  }
0x1d: {  	s21 =	sadd.s32 s6, s21  }
0x1e: {  	[tilespmem:s14], [sflag:$0x1] =	stream.linear.gather [hbm4b:s21+s24], $0x1000, $0x38;
	[tilespmem:$0x1CCC0] =	vst v63  }
0x1f: {  	_ =	swait.ge [sflag:s15], $0x100  }
0x20: {  	[sflag:s15] =	ssyncset.done $0x0  }
0x21: {  	[sflag:s15] =	ssyncadd.s32 $0xFFFFFF00  }
0x22: {  	_ =	swait.ge [sflag:s15], $0x100  }
0x23: {  	[sflag:s15] =	ssyncset.done $0x0  }
0x24: {  	[sflag:s15] =	ssyncadd.s32 $0xFFFFFF00  }
0x25: {  	_ =	swait.ge [sflag:s15], $0x1000  }
0x26: {  	[sflag:s15] =	ssyncset.done $0x0  }
0x27: {  	[sflag:s15] =	ssyncadd.s32 $0xFFFFF000  }
0x28: {  	[tilespmem:s16], [sflag:$0x1] =	stream.indirect.gather [hbm4b:s7+s13], $0x10, s13, s13, $0xb8;
	[tilespmem:$0x1CCC0] =	vst v63  }
0x29: {  	_ = 	snop  }
0x2a: {  	[tilespmem:s17], [sflag:$0x1] =	stream.indirect.gather [hbm4b:s1+s13], $0x60, s24, s13, $0xb8;
	[tilespmem:$0x1CCC0] =	vst v63  }
0x2b: {  	_ =	swait.ge [sflag:s15], $0x1000  }
0x2c: {  	[sflag:s15] =	ssyncset.done $0x0  }
0x2d: {  	[sflag:s15] =	ssyncadd.s32 $0xFFFFF000  }
0x2e: {  	_ =	swait.ge [sflag:s15], $0x6000  }
0x2f: {  	[sflag:s15] =	ssyncset.done $0x0  }
0x30: {  	s31 =	simm.s32 $0x0;
	[sflag:s15] =	ssyncadd.s32 $0xFFFFA000  }
0x31: {  	v0 =	vld [tilespmem:s31+$0x200]  }
0x32: {  	v1 =	vld [tilespmem:s31+$0x1200];
	_ =	sdelay $0x2  }
0x33: {  	s21 =	simm.s32 $0x2230  }
0x34: {  	v2 =	vld [tilespmem:s21+$0xFFFFFFD0]  }
0x35: {  	v0 =	vmul.f32 v1, v0;
	_ =	sdelay $0x1  }
0x36: {  	v1 =	vbroadcast v0, $0x0;
	_ =	sdelay $0x1  }
0x37: {  	v1 =	vmul.f32 v1, v2  }
0x38: {  	s22 =	simm.s32 $0x8230  }
0x39: {  	[tilespmem:s22+$0xFFFFFFD0] =	vst v1  }
0x3a: {  	v1 =	vld [tilespmem:s21+$0xFFFFFFE0];
	_ =	sdelay $0x2  }
0x3b: {  	v2 =	vbroadcast v0, $0x1;
	_ =	sdelay $0x1  }
0x3c: {  	v1 =	vmul.f32 v1, v2;
	_ =	sdelay $0x1  }
0x3d: {  	[tilespmem:s22+$0xFFFFFFE0] =	vst v1  }
0x3e: {  	v1 =	vld [tilespmem:s21+$0xFFFFFFF0];
	_ =	sdelay $0x2  }
0x3f: {  	v2 =	vbroadcast v0, $0x2;
	_ =	sdelay $0x1  }
0x40: {  	v1 =	vmul.f32 v1, v2;
	_ =	sdelay $0x1  }
0x41: {  	[tilespmem:s22+$0xFFFFFFF0] =	vst v1  }
0x42: {  	v1 =	vld [tilespmem:s21+$0x0];
	_ =	sdelay $0x2  }
0x43: {  	v2 =	vbroadcast v0, $0x3;
	_ =	sdelay $0x1  }
0x44: {  	v1 =	vmul.f32 v1, v2;
	_ =	sdelay $0x1  }
0x45: {  	[tilespmem:s22+$0x0] =	vst v1  }
0x46: {  	v1 =	vld [tilespmem:s21+$0x10];
	_ =	sdelay $0x2  }
0x47: {  	v2 =	vbroadcast v0, $0x4;
	_ =	sdelay $0x1  }
0x48: {  	v1 =	vmul.f32 v1, v2;
	_ =	sdelay $0x1  }
0x49: {  	[tilespmem:s22+$0x10] =	vst v1  }
0x4a: {  	v1 =	vld [tilespmem:s21+$0x20];
	_ =	sdelay $0x2  }
0x4b: {  	v0 =	vbroadcast v0, $0x5;
	_ =	sdelay $0x1  }
0x4c: {  	s23 =	simm.s32 $0x40;
	s24 =	simm.s32 $0x8230;
	v0 =	vmul.f32 v1, v0  }
.LBB2_3:
0x4d: {  	p1 =	sne.s32 s23, $0x3FC0;
	s22 =	sadd.s32 $0x60, s22;
	s21 =	sadd.s32 $0x60, s21  }
0x4e: {  	s25 =	sshra.s32 s23, $0x2;
	s23 =	sadd.s32 $0x40, s23;
	[tilespmem:s24+$0x20] =	vst v0;
	s24 =	smov.u32 s22  }
0x4f: {  	v0 =	vld [tilespmem:s25+$0x200]  }
0x50: {  	v1 =	vld [tilespmem:s25+$0x1200];
	_ =	sdelay $0x2  }
0x51: {  	v2 =	vld [tilespmem:s21+$0xFFFFFFD0];
	_ =	sdelay $0x1  }
0x52: {  	v0 =	vmul.f32 v1, v0;
	_ =	sdelay $0x1  }
0x53: {  	v1 =	vbroadcast v0, $0x0;
	_ =	sdelay $0x1  }
0x54: {  	v1 =	vmul.f32 v1, v2;
	_ =	sdelay $0x1  }
0x55: {  	[tilespmem:s22+$0xFFFFFFD0] =	vst v1  }
0x56: {  	v1 =	vld [tilespmem:s21+$0xFFFFFFE0];
	_ =	sdelay $0x1  }
0x57: {  	v2 =	vbroadcast v0, $0x1;
	_ =	sdelay $0x2  }
0x58: {  	v1 =	vmul.f32 v1, v2;
	_ =	sdelay $0x1  }
0x59: {  	[tilespmem:s22+$0xFFFFFFE0] =	vst v1  }
0x5a: {  	v1 =	vld [tilespmem:s21+$0xFFFFFFF0];
	_ =	sdelay $0x1  }
0x5b: {  	v2 =	vbroadcast v0, $0x2;
	_ =	sdelay $0x2  }
0x5c: {  	v1 =	vmul.f32 v1, v2;
	_ =	sdelay $0x1  }
0x5d: {  	[tilespmem:s22+$0xFFFFFFF0] =	vst v1  }
0x5e: {  	v1 =	vld [tilespmem:s21+$0x0];
	_ =	sdelay $0x1  }
0x5f: {  	v2 =	vbroadcast v0, $0x3;
	_ =	sdelay $0x2  }
0x60: {  	v1 =	vmul.f32 v1, v2;
	_ =	sdelay $0x1  }
0x61: {  	[tilespmem:s22+$0x0] =	vst v1  }
0x62: {  	v1 =	vld [tilespmem:s21+$0x10];
	_ =	sdelay $0x1  }
0x63: {  	v2 =	vbroadcast v0, $0x4;
	_ =	sdelay $0x2  }
0x64: {  	v1 =	vmul.f32 v1, v2;
	_ =	sdelay $0x1  }
0x65: {  	[tilespmem:s22+$0x10] =	vst v1  }
0x66: {  	v1 =	vld [tilespmem:s21+$0x20]  }
.Ltmp0:
0x67: {  	(pc) =	sbr.rel @p1 .LBB2_3-.Ltmp0, $2  }
0x68: {  	v0 =	vbroadcast v0, $0x5;
	_ =	sdelay $0x2  }
0x69: {  	v0 =	vmul.f32 v1, v0  }
0x6a: {  	s20 =	sadd.s32 $0x1, s20  }
0x6b: {  	p1 =	sne.s32 s20, $0x28  }
.Ltmp1:
0x6c: {  	[tilespmem:s24+$0x20] =	vst v0;
	(pc) =	sbr.rel @p1 .LBB2_2-.Ltmp1, $4  }
0x6d: {  	[spmem:s2] =	stream.indirect.scatter.add.f32 [tilespmem:s18], [sflag:$0x2], $0x60, s13, s13, $0xb8;
	[tilespmem:$0x1CCC0] =	vst v63  }
0x6e: {  	_ =	swait.ge [sflag:s19], $0x6000  }
0x6f: {  	[sflag:s19] =	ssyncset.done $0x0  }
0x70: {  	[sflag:s19] =	ssyncadd.s32 $0xFFFFA000  }
0x71: {  	[bflag:$0x0] =	sbarrier.arrive $0xFFFF;
	s20 =	simm.s32 @!p0 $0x1C02;
	s3 =	sadd.s32 $0x1, s3  }
0x72: {  	[hbm:s10], [sflag:s20] =	dma.local @!p0 [spmem:s12], $0x1D580  }
0x73: {  	p1 =	sne.s32 s3, s11  }
.Ltmp2:
0x74: {  	_ = 	snop;
	(pc) =	sbr.rel @p1 .LBB2_1-.Ltmp2, $4  }
0x75: {  	s20 =	simm.s32 @!p0 $0x2  }
0x76: {  	_ =	swait.ge @!p0 [sflag:s20], $0x1D580  }
0x77: {  	[sflag:s20] =	ssyncset.done @!p0 $0x0  }
0x78: {  	[sflag:s20] =	ssyncadd.s32 @!p0 $0xFFFE2A80  }
0x79: {  	_ =	sfence.sel $0x180000  }
0x7a: {  	[bflag:$0x0] =	sbarrier.arrive $0xFFFF  }
0x7b: {  	_ =	strace $0x90000050  }
0x7c: {  	s0 =	sadd.s32 @!p0 $0x100000, s0;
	[bflag:$0x2] =	sbarrier.arrive $0xFFFF  }
0x7d: {  	[sflag:s0] =	ssyncadd.tile.s32 @!p0 $0x1;
	_ =	shalt  }
.Lfunc_end2:
_tile_overlayer_lowered:
.L_overlay_start_2:
0x7e: {  	(tag) =	ssettag $0x2  }
0x7f: {  	s0 =	rddreg [dreg:$0x0];
	s2 =	stileid.u32  }
0x80: {  	s1 =	rddreg [dreg:$0x1];
	p0 =	sne.s32 s2, $0x0  }
0x81: {  	s3 =	rddreg [dreg:$0x2];
	[bflag:$0x3] =	sbarrier.arrive $0xFFFF;
	s2 =	simm.s32 @!p0 $0x1C02  }
0x82: {  	[timem:s3], [sflag:s2] =	dma.local @!p0 [hbm:s0], s1  }
0x83: {  	s0 =	simm.s32 @!p0 $0x2  }
0x84: {  	_ =	swait.ge @!p0 [sflag:s0], s1  }
0x85: {  	s1 =	ssub.s32 @!p0 $0x0, s1;
	[sflag:s0] =	ssyncset.done @!p0 $0x0  }
0x86: {  	[sflag:s0] =	ssyncadd.s32 @!p0 s1  }
0x87: {  	[bflag:$0x3] =	sbarrier.arrive $0xFFFF  }
0x88: {  	_ =	shalt  }

// kernel: kernel.27.cloned.1.call-start
scs
__scs_entry_jumppad:
0x0: {  	(pc) =	sbr.rel $0x88, $3  }
0x1: {  	(tag) =	ssettag $0x0;
	lr =	simm.s32 $0x1  }
0x2: {  	[smem:$0x3F89] =	sst lr;
	_ =	strace $0xD0000000  }
0x3: {  	_ = 	snop  }
0x4: {  	_ = 	snop  }
0x5: {  	_ = 	snop  }
0x6: {  	_ = 	snop  }
0x7: {  	_ = 	snop  }
__scs_overlays_trampoline_lowered:
0x8: {  	[smem:$0x3F98] =	sst s0  }
0x9: {  	[smem:$0x3F99] =	sst s1  }
0xa: {  	[smem:$0x3F9A] =	sst s2  }
0xb: {  	[smem:$0x3F9B] =	sst s3  }
0xc: {  	[smem:$0x3F9C] =	sst s4  }
0xd: {  	[smem:$0x3F9D] =	sst s5  }
0xe: {  	[smem:$0x3F9E] =	sst s6  }
0xf: {  	[smem:$0x3F9F] =	sst s7  }
0x10: {  	[smem:$0x3FA0] =	sst s8  }
0x11: {  	[smem:$0x3FA1] =	sst s9;
	s0 =	simm.s32 @!p0 $0x0  }
0x12: {  	s1 =	sld [smem:$0x3F87];
	s0 =	simm.s32 @p0 $0x1  }
0x13: {  	[smem:$0x3FA2] =	sst s0;
	s0 =	simm.s32 @!p1 $0x0  }
0x14: {  	s2 =	sld [smem:$0x3F86];
	s0 =	simm.s32 @p1 $0x1  }
0x15: {  	[smem:$0x3FA3] =	sst s0;
	s0 =	simm.s32 @!p2 $0x0  }
0x16: {  	s3 =	sld [smem:$0x3FDB];
	s0 =	simm.s32 @p2 $0x1  }
0x17: {  	s4 =	simm.s32 $0x1BF5;
	[smem:$0x3FA5] =	sst s0  }
0x18: {  	s0 =	sld [smem:$0x3F88];
	_ =	swait.ge [sflag:s4], $0x0  }
0x19: {  	s7 =	sld [smem:$0x3F89]  }
0x1a: {  	s8 =	sadd.s32 $0xFFFFE003, lr  }
0x1b: {  	s9 =	sadd.s32 $0xFFFFFEF7, lr;
	s5 =	simm.s32 $0xFFFFFFFF;
	p2 =	slt.u32 s8, $0xFFFFF086  }
0x1c: {  	p1 =	slt.u32 s9, $0xF7A;
	s5 =	simm.s32 @!p2 $0x0  }
0x1d: {  	s5 =	simm.s32 @p1 $0x1;
	p0 =	seq.s32 s7, s2  }
0x1e: {  	s7 =	smul.u32 @!p0 $0xF7A, s2;
	p2 =	seq.s32 @!p0 s5, $0x0  }
0x1f: {  	s9 =	smul.u32 $0xF7A, s1;
	s8 =	simm.s32 @!p0 $0x1BF5;
	p2 =	por !p2, p0  }
0x20: {  	[sflag:s8] =	ssyncset.s32 @!p0 $0xFFFFF086;
	s6 =	sadd.s32 @!p0 s3, s7;
	s7 =	simm.s32 @!p0 $0x108  }
0x21: {  	s3 =	sadd.s32 s3, s9;
	s6 =	sadd.s32 @!p0 $0x88, s6;
	s7 =	simm.s32 @p2 $0x1082  }
0x22: {  	[simem:s7], [sflag:s8] =	dma.local @!p0 [hbm:s6], $0xF7A  }
0x23: {  	s9 =	sor.u32 $0xD0000000, s2;
	s6 =	simm.s32 $0x108;
	_ =	swait.ge @!p0 [sflag:s8], $0x0  }
0x24: {  	s3 =	sadd.s32 $0x88, s3;
	s6 =	simm.s32 @!p1 $0x1082;
	[sflag:s4] =	ssyncset.s32 $0xFFFFF086  }
0x25: {  	[simem:s6], [sflag:s4] =	dma.local [hbm:s3], $0xF7A  }
0x26: {  	[smem:$0x3F89] =	sst s1;
	(tag) =	ssettag s2;
	_ =	strace s9  }
0x27: {  	s1 =	sld [smem:$0x3F99]  }
0x28: {  	s2 =	sld [smem:$0x3F9A]  }
0x29: {  	s4 =	sld [smem:$0x3F9C]  }
0x2a: {  	p0 =	seq.s32 s5, $0x0;
	s5 =	sld [smem:$0x3F9D]  }
0x2b: {  	s6 =	sld [smem:$0x3F9E]  }
0x2c: {  	s7 =	sld [smem:$0x3F9F]  }
0x2d: {  	s3 =	simm.s32 $0x108;
	s8 =	sld [smem:$0x3FA0]  }
0x2e: {  	s3 =	simm.s32 @!p0 $0x1082;
	s9 =	sld [smem:$0x3FA1]  }
0x2f: {  	lr =	sadd.s32 s0, s3;
	s0 =	sld [smem:$0x3F98]  }
0x30: {  	s3 =	sld [smem:$0x3F9B]  }
0x31: {  	[smem:$0x3FA4] =	sst s10  }
0x32: {  	s10 =	sld [smem:$0x3FA2];
	_ =	sdelay $0x3  }
0x33: {  	p0 =	seq.s32 s10, $0x1;
	s10 =	sld [smem:$0x3FA4];
	_ =	sdelay $0x3  }
0x34: {  	[smem:$0x3FA4] =	sst s10  }
0x35: {  	s10 =	sld [smem:$0x3FA3];
	_ =	sdelay $0x3  }
0x36: {  	p1 =	seq.s32 s10, $0x1;
	s10 =	sld [smem:$0x3FA4];
	_ =	sdelay $0x3  }
0x37: {  	[smem:$0x3FA4] =	sst s10  }
0x38: {  	s10 =	sld [smem:$0x3FA5]  }
0x39: {  	_ = 	snop;
	(pc) =	sbr.ind lr, $3  }
0x3a: {  	_ = 	snop  }
0x3b: {  	_ = 	snop  }
0x3c: {  	p2 =	seq.s32 s10, $0x1;
	s10 =	sld [smem:$0x3FA4]  }
0x3d: {  	_ =	shalt  }
0x3e: {  	_ =	shalt  }
0x3f: {  	_ =	shalt  }
0x40: {  	_ =	shalt  }
0x41: {  	_ =	shalt  }
0x42: {  	_ =	shalt  }
0x43: {  	_ =	shalt  }
0x44: {  	_ =	shalt  }
0x45: {  	_ =	shalt  }
0x46: {  	_ =	shalt  }
0x47: {  	_ =	shalt  }
0x48: {  	_ =	shalt  }
0x49: {  	_ =	shalt  }
0x4a: {  	_ =	shalt  }
0x4b: {  	_ =	shalt  }
0x4c: {  	_ =	shalt  }
0x4d: {  	_ =	shalt  }
0x4e: {  	_ =	shalt  }
0x4f: {  	_ =	shalt  }
0x50: {  	_ =	shalt  }
0x51: {  	_ =	shalt  }
0x52: {  	_ =	shalt  }
0x53: {  	_ =	shalt  }
0x54: {  	_ =	shalt  }
0x55: {  	_ =	shalt  }
0x56: {  	_ =	shalt  }
0x57: {  	_ =	shalt  }
0x58: {  	_ =	shalt  }
0x59: {  	_ =	shalt  }
0x5a: {  	_ =	shalt  }
0x5b: {  	_ =	shalt  }
0x5c: {  	_ =	shalt  }
0x5d: {  	_ =	shalt  }
0x5e: {  	_ =	shalt  }
0x5f: {  	_ =	shalt  }
0x60: {  	_ =	shalt  }
0x61: {  	_ =	shalt  }
0x62: {  	_ =	shalt  }
0x63: {  	_ =	shalt  }
0x64: {  	_ =	shalt  }
0x65: {  	_ =	shalt  }
0x66: {  	_ =	shalt  }
0x67: {  	_ =	shalt  }
0x68: {  	_ =	shalt  }
0x69: {  	_ =	shalt  }
0x6a: {  	_ =	shalt  }
0x6b: {  	_ =	shalt  }
0x6c: {  	_ =	shalt  }
0x6d: {  	_ =	shalt  }
0x6e: {  	_ =	shalt  }
0x6f: {  	_ =	shalt  }
0x70: {  	_ =	shalt  }
0x71: {  	_ =	shalt  }
0x72: {  	_ =	shalt  }
0x73: {  	_ =	shalt  }
0x74: {  	_ =	shalt  }
0x75: {  	_ =	shalt  }
0x76: {  	_ =	shalt  }
0x77: {  	_ =	shalt  }
0x78: {  	_ =	shalt  }
0x79: {  	_ =	shalt  }
0x7a: {  	_ =	shalt  }
0x7b: {  	_ =	shalt  }
0x7c: {  	_ =	shalt  }
0x7d: {  	_ =	shalt  }
0x7e: {  	_ =	shalt  }
0x7f: {  	_ =	shalt  }
0x80: {  	_ =	shalt  }
0x81: {  	_ =	shalt  }
0x82: {  	_ =	shalt  }
0x83: {  	_ =	shalt  }
0x84: {  	_ =	shalt  }
0x85: {  	_ =	shalt  }
0x86: {  	_ =	shalt  }
0x87: {  	_ =	shalt  }
.Lfunc_end0:
.L_simem_size_0:
called_computation.4_lowered:
.L_overlay_start_0:
0x88: {  	s2 =	sld [smem:$0x3FD9]  }
0x89: {  	s3 =	sld [smem:$0x3FFE];
	_ =	sdelay $0x1  }
0x8a: {  	s1 =	srdreg.scid  }
0x8b: {  	s0 =	sand.u32 $0x1, s1  }
0x8c: {  	s17 =	sshll.u32 s0, $0xA;
	s2 =	sadd.s32 s3, s2  }
0x8d: {  	s2 =	sadd.s32 s2, s17  }
0x8e: {  	[smem:$0x3FB0] =	sst s2  }
0x8f: {  	_ = 	snop  }
0x90: {  	s2 =	sld [smem:$0x3FD0];
	(tm) =	ssettm $0x1  }
0x91: {  	s18 =	sld [smem:$0x3FFB];
	_ =	sdelay $0x3  }
0x92: {  	_ =	strace s18  }
0x93: {  	s3 =	sld [smem:$0x3FFC];
	_ =	sdelay $0x3  }
0x94: {  	_ =	strace s3  }
0x95: {  	s3 =	sld [smem:$0x3FFD];
	_ =	sdelay $0x3  }
0x96: {  	_ =	strace s3  }
0x97: {  	_ =	strace $0x8FFFFFFF  }
0x98: {  	s19 =	sld [smem:$0x3FDB];
	_ =	sdelay $0x1  }
0x99: {  	s4 =	simm.s32 $_scs_section_size  }
0x9a: {  	s5 =	simm.s32 $_size__tile_overlayer_lowered;
	s6 =	simm.s32 $_tile_overlayer_lowered  }
0x9b: {  	s22 =	simm.s32 $0x1BFF;
	s21 =	sshll.u32 s6, $0x1;
	s3 =	sadd.s32 s4, s19  }
0x9c: {  	s7 =	simm.s32 $0x0;
	s20 =	sshll.u32 s5, $0x1;
	s5 =	sadd.s32 s21, s3  }
0x9d: {  	[timem:s7], [sflag:s22] =	dma.local [hbm:s5], s20  }
0x9e: {  	_ =	swait.ge [sflag:s22], s20  }
0x9f: {  	s4 =	ssub.s32 $0x0, s20;
	[sflag:s22] =	ssyncset.done $0x0  }
0xa0: {  	[sflag:s22] =	ssyncadd.s32 s4;
	_ =	sdelay $0x1  }
0xa1: {  	s23 =	simm.s32 $0x1B8B  }
0xa2: {  	_ =	swait.ge [sflag:s23], $0x1  }
0xa3: {  	[sflag:s23] =	ssyncset.done $0x0  }
0xa4: {  	s25 =	simm.s32 $0x1B8E;
	s24 =	sld [smem:$0x3FFE];
	[sflag:s23] =	ssyncadd.s32 $0xFFFFFFFF  }
0xa5: {  	s26 =	simm.s32 $execute0_lowered;
	[smem:$0x3FD2] =	sst s25  }
0xa6: {  	s5 =	sshll.u32 s26, $0x1;
	_ =	strace $0x80000052;
	[dreg:$0x1] =	wrdreg $0xFFFFFFFF  }
0xa7: {  	s28 =	simm.s32 $_size_execute0_lowered;
	s3 =	sadd.s32 s3, s5;
	[dreg:$0x0] =	wrdreg $0x0  }
0xa8: {  	s5 =	sshll.u32 s28, $0x1;
	[dreg:$0x2] =	wrdreg s3  }
0xa9: {  	[dreg:$0x3] =	wrdreg s5  }
0xaa: {  	[dreg:$0x4] =	wrdreg $0xC0  }
0xab: {  	_ =	task [dreg:s7], $0x5FFFF  }
0xac: {  	[dreg:$0x1] =	wrdreg $0xFFFFFFFF  }
0xad: {  	[dreg:$0x0] =	wrdreg $0x60  }
0xae: {  	[dreg:$0x2] =	wrdreg s24  }
0xaf: {  	[dreg:$0x3] =	wrdreg s2  }
0xb0: {  	[dreg:$0x4] =	wrdreg $0x86000  }
0xb1: {  	[dreg:$0x5] =	wrdreg $0x9  }
0xb2: {  	_ =	task.clear_ibuf [dreg:s7], $0x6FFFF;
	_ =	strace $0x90000052  }
0xb3: {  	s29 =	simm.s32 $0x9;
	_ =	strace $0x80000054  }
0xb4: {  	_ =	swait.ge [sflag:s29], $0x1  }
0xb5: {  	[sflag:s29] =	ssyncadd.s32 $0xFFFFFFFF  }
0xb6: {  	_ =	strace $0x90000054  }
0xb7: {  	_ =	sfence  }
0xb8: {  	s30 =	sld [smem:$0x0];
	_ =	sdelay $0x2  }
0xb9: {  	s31 =	sshll.u32 s1, $0xD;
	s1 =	sshrl.u32 s1, $0x2  }
0xba: {  	s3 =	sand.u32 $0x4000, s31;
	s1 =	sadd.s32 s1, s30  }
0xbb: {  	s0 =	sor.u32 s3, s0;
	s1 =	sshll.u32 s1, $0x11  }
0xbc: {  	s0 =	sor.u32 s1, s0  }
0xbd: {  	s0 =	sadd.s32 $0x8F2B, s0  }
0xbe: {  	[sflag:s0] =	ssyncadd.remote.s32 $0x1  }
0xbf: {  	_ =	sfence.sel $0xFFFF  }
0xc0: {  	[dreg:$0x0] =	wrdreg $0xFFFFFFFF;
	(pc) =	sbr.abs _section_cstart, $3  }
0xc1: {  	[dreg:$0x1] =	wrdreg $0xFFFFFFFF  }
0xc2: {  	_ =	task.clear_ibuf [dreg:s7], $0x2FFFF;
	_ =	strace $0x9FFFFFFF  }
0xc3: {  	(tm) =	ssettm $0x7FFFFFFF  }
tec
execute0_lowered:
.L_overlay_start_1:
0x0: {  	(tag) =	ssettag $0x1  }
0x1: {  	s10 =	rddreg [dreg:$0x0]  }
0x2: {  	s12 =	rddreg [dreg:$0x1]  }
0x3: {  	s1 =	rddreg [dreg:$0x2];
	s2 =	simm.s32 $0x0  }
0x4: {  	s11 =	srdreg.scid;
	s13 =	stileid.u32;
	s18 =	simm.s32 $0x600  }
0x5: {  	s19 =	simm.s32 $0x2600;
	s20 =	simm.s32 $0x4600;
	s21 =	simm.s32 $0x6600  }
0x6: {  	s22 =	simm.s32 $0x2;
	s23 =	simm.s32 $0x0;
	[smem:$0x7FF] =	sst s2  }
0x7: {  	s3 =	sadd.s32 $0xF800, s10;
	s4 =	sadd.s32 $0x23800, s10;
	s5 =	sadd.s32 $0x19800, s10  }
0x8: {  	s6 =	sadd.s32 $0x5400, s10;
	s7 =	sadd.s32 $0xA400, s10;
	s8 =	sadd.s32 $0xF400, s10  }
0x9: {  	s9 =	sadd.s32 $0x2D800, s10;
	s10 =	sadd.s32 $0x16B000, s10;
	s11 =	sand.u32 $0x1, s11  }
0xa: {  	p0 =	sne.s32 s13, $0x0;
	s14 =	ssub.s32 $0x2, s11;
	s15 =	sshll.u32 s11, $0x4  }
0xb: {  	s17 =	smul.u32 $0x4E40, s11;
	s16 =	sshrl.u32 s14, $0x1;
	s15 =	sor.u32 s13, s15  }
0xc: {  	_ =	strace $0x80000053;
	s14 =	ssub.s32 s14, s16;
	s11 =	smul.u32 $0x2800, s15  }
0xd: {  	s12 =	sadd.s32 s12, s17;
	s15 =	simm.s32 $0x200;
	s16 =	simm.s32 $0x400  }
0xe: {  	s17 =	simm.s32 $0x1;
	s13 =	smax.u32 s14, $0x1;
	s14 =	sshrl.u32 @!p0 s1, $0x3  }
.LBB2_1:
0xf: {  	s24 =	simm.s32 @!p0 $0x1C02  }
0x10: {  	[spmem:s14], [sflag:s24] =	dma.local @!p0 [hbm:s9], $0x4E40  }
0x11: {  	s24 =	simm.s32 @!p0 $0x2  }
0x12: {  	_ =	swait.ge @!p0 [sflag:s24], $0x4E40  }
0x13: {  	[sflag:s24] =	ssyncset.done @!p0 $0x0  }
0x14: {  	[sflag:s24] =	ssyncadd.s32 @!p0 $0xFFFFB1C0  }
0x15: {  	s24 =	simm.s32 $0x0;
	[bflag:$0x0] =	sbarrier.arrive $0xFFFF  }
.LBB2_2:
0x16: {  	s25 =	sshll.u32 s24, $0x9  }
0x17: {  	s25 =	sadd.s32 s11, s25  }
0x18: {  	s26 =	sshrl.u32 s25, $0x3  }
0x19: {  	s29 =	simm.s32 $0x0;
	s28 =	sadd.s32 s3, s26  }
0x1a: {  	[tilespmem:s29], [sflag:$0x1] =	stream.linear.gather [hbm4b:s28+s29], $0x200, $0x38;
	[tilespmem:$0xAD20] =	vst v63  }
0x1b: {  	s28 =	sadd.s32 s4, s26  }
0x1c: {  	[tilespmem:s15], [sflag:$0x1] =	stream.linear.gather [hbm4b:s28+s29], $0x200, $0x38;
	[tilespmem:$0xAD20] =	vst v63  }
0x1d: {  	s26 =	sadd.s32 s5, s26  }
0x1e: {  	[tilespmem:s16], [sflag:$0x1] =	stream.linear.gather [hbm4b:s26+s29], $0x200, $0x38;
	[tilespmem:$0xAD20] =	vst v63  }
0x1f: {  	_ =	swait.ge [sflag:s17], $0x200  }
0x20: {  	[sflag:s17] =	ssyncset.done $0x0  }
0x21: {  	[sflag:s17] =	ssyncadd.s32 $0xFFFFFE00  }
0x22: {  	_ =	swait.ge [sflag:s17], $0x200  }
0x23: {  	[sflag:s17] =	ssyncset.done $0x0  }
0x24: {  	[sflag:s17] =	ssyncadd.s32 $0xFFFFFE00  }
0x25: {  	_ =	swait.ge [sflag:s17], $0x200  }
0x26: {  	[sflag:s17] =	ssyncset.done $0x0  }
0x27: {  	[sflag:s17] =	ssyncadd.s32 $0xFFFFFE00  }
0x28: {  	[tilespmem:s18], [sflag:$0x1] =	stream.indirect.gather [hbm4b:s6+s15], $0x10, s29, s15, $0xb8;
	[tilespmem:$0xAD20] =	vst v63  }
0x29: {  	_ = 	snop  }
0x2a: {  	[tilespmem:s19], [sflag:$0x1] =	stream.indirect.gather [hbm4b:s7+s15], $0x10, s15, s15, $0xb8;
	[tilespmem:$0xAD20] =	vst v63  }
0x2b: {  	_ = 	snop  }
0x2c: {  	[tilespmem:s20], [sflag:$0x1] =	stream.indirect.gather [hbm4b:s8+s15], $0x10, s16, s15, $0xb8;
	[tilespmem:$0xAD20] =	vst v63  }
0x2d: {  	_ =	swait.ge [sflag:s17], $0x2000  }
0x2e: {  	[sflag:s17] =	ssyncset.done $0x0  }
0x2f: {  	[sflag:s17] =	ssyncadd.s32 $0xFFFFE000  }
0x30: {  	_ =	swait.ge [sflag:s17], $0x2000  }
0x31: {  	[sflag:s17] =	ssyncset.done $0x0  }
0x32: {  	[sflag:s17] =	ssyncadd.s32 $0xFFFFE000  }
0x33: {  	_ =	swait.ge [sflag:s17], $0x2000  }
0x34: {  	[sflag:s17] =	ssyncset.done $0x0  }
0x35: {  	s26 =	simm.s32 $0x0;
	[sflag:s17] =	ssyncadd.s32 $0xFFFFE000  }
0x36: {  	v0 =	vld [tilespmem:s26+$0x600]  }
0x37: {  	s28 =	simm.s32 $0x10;
	v1 =	vld [tilespmem:s26+$0x2600]  }
0x38: {  	v2 =	vld [tilespmem:s28+$0x600]  }
0x39: {  	v3 =	vld [tilespmem:s28+$0x2600]  }
0x3a: {  	v4 =	vld [tilespmem:s26+$0x4600];
	_ =	sdelay $0x1  }
0x3b: {  	v5 =	vld [tilespmem:s28+$0x4600]  }
0x3c: {  	v0 =	vadd.f32 v1, v0;
	_ =	sdelay $0x1  }
0x3d: {  	v2 =	vadd.f32 v3, v2;
	v0 =	vadd.f32 v4, v0;
	_ =	sdelay $0x1  }
0x3e: {  	v2 =	vadd.f32 v5, v2;
	v5 =	vmul.f32 $2.000000030e-01, v0  }
0x3f: {  	s29 =	simm.s32 $0x20  }
0x40: {  	v1 =	vld [tilespmem:s29+$0x600];
	v0 =	vmax.f32 v0, v5  }
0x41: {  	v3 =	vld [tilespmem:s29+$0x2600];
	v5 =	vmul.f32 $1.442695020e+00, v0  }
0x42: {  	v6 =	vmul.f32 $2.000000030e-01, v2  }
0x43: {  	v4 =	vld [tilespmem:s29+$0x4600];
	(erf) = vpow2.f32 v5  }
0x44: {  	v2 =	vmax.f32 v2, v6  }
0x45: {  	s30 =	simm.s32 $0x30;
	v6 =	vmul.f32 $1.442695020e+00, v2  }
0x46: {  	v1 =	vadd.f32 v3, v1;
	v0 =	vld [tilespmem:s30+$0x600]  }
0x47: {  	v2 =	vld [tilespmem:s30+$0x2600];
	(erf) = vpow2.f32 v6  }
0x48: {  	v3 =	vadd.f32 v4, v1  }
0x49: {  	v1 =	vld [tilespmem:s30+$0x4600]  }
0x4a: {  	s31 =	simm.s32 $0x100;
	v4 =	vmul.f32 $2.000000030e-01, v3  }
.LBB2_3:
0x4b: {  	s0 =	sshra.s32 s31, $0x2;
	p1 =	sne.s32 s31, $0x7FC0  }
.Ltmp0:
0x4c: {  	s31 =	sadd.s32 $0x40, s31;
	v5 =	vadd.f32 v2, v0;
	v0 =	vld [tilespmem:s0+$0x600];
	v3 =	vmax.f32 v3, v4;
	v4 =	vpop (erf);
	(pc) =	sbr.rel @p1 .LBB2_3-.Ltmp0, $4  }
0x4d: {  	v2 =	vld [tilespmem:s0+$0x2600];
	v6 =	vmul.f32 $1.442695020e+00, v3;
	[tilespmem:s26+$0x6600] =	vst v4;
	s26 =	smov.u32 s28;
	s28 =	smov.u32 s29;
	s29 =	smov.u32 s30  }
0x4e: {  	s30 =	smov.u32 s0;
	v3 =	vadd.f32 v1, v5  }
0x4f: {  	v1 =	vld [tilespmem:s30+$0x4600];
	(erf) = vpow2.f32 v6  }
0x50: {  	v4 =	vmul.f32 $2.000000030e-01, v3  }
0x51: {  	_ = 	snop  }
0x52: {  	v0 =	vadd.f32 v2, v0;
	_ =	sdelay $0x1  }
0x53: {  	v0 =	vadd.f32 v1, v0;
	_ =	sdelay $0x1  }
0x54: {  	v1 =	vmul.f32 $2.000000030e-01, v0  }
0x55: {  	v59 =	vmax.f32 v3, v4  }
0x56: {  	v2 =	vmul.f32 $1.442695020e+00, v59;
	v0 =	vmax.f32 v0, v1  }
0x57: {  	v0 =	vmul.f32 $1.442695020e+00, v0  }
0x58: {  	(erf) = vpow2.f32 v2  }
0x59: {  	(erf) = vpow2.f32 v0;
	_ =	sdelay $0x5  }
0x5a: {  	v60 =	vpop (erf)  }
0x5b: {  	[tilespmem:s26+$0x6600] =	vst v60;
	v61 =	vpop (erf)  }
0x5c: {  	[tilespmem:s28+$0x6600] =	vst v61;
	v62 =	vpop (erf)  }
0x5d: {  	[tilespmem:s29+$0x6600] =	vst v62;
	v63 =	vpop (erf)  }
0x5e: {  	[tilespmem:s30+$0x6600] =	vst v63  }
0x5f: {  	[spmem:s1] =	stream.indirect.scatter.add.f32 [tilespmem:s21], [sflag:$0x2], $0x10, s15, s15, $0xb8;
	[tilespmem:$0xAD20] =	vst v63  }
0x60: {  	s24 =	sadd.s32 $0x1, s24;
	_ =	swait.ge [sflag:s22], $0x2000  }
0x61: {  	s0 =	sshll.u32 s25, $0x1;
	p1 =	sne.s32 s24, $0x14;
	[sflag:s22] =	ssyncset.done $0x0  }
.Ltmp1:
0x62: {  	s0 =	sadd.s32 s10, s0;
	[sflag:s22] =	ssyncadd.s32 $0xFFFFE000;
	(pc) =	sbr.rel @p1 .LBB2_2-.Ltmp1, $4  }
0x63: {  	[hbm4b:s0+s2] =	stream.linear.scatter [tilespmem:s21], [sflag:$0x2], $0x2000, $0x38;
	[tilespmem:$0xAD20] =	vst v63  }
0x64: {  	_ =	swait.ge [sflag:s22], $0x2000  }
0x65: {  	[sflag:s22] =	ssyncset.done $0x0  }
0x66: {  	[sflag:s22] =	ssyncadd.s32 $0xFFFFE000  }
0x67: {  	[bflag:$0x0] =	sbarrier.arrive $0xFFFF;
	s0 =	simm.s32 @!p0 $0x1C02;
	s23 =	sadd.s32 $0x1, s23  }
0x68: {  	[hbm:s12], [sflag:s0] =	dma.local @!p0 [spmem:s14], $0x4E40  }
0x69: {  	p1 =	sne.s32 s23, s13  }
.Ltmp2:
0x6a: {  	_ = 	snop;
	(pc) =	sbr.rel @p1 .LBB2_1-.Ltmp2, $4  }
0x6b: {  	s0 =	simm.s32 @!p0 $0x2  }
0x6c: {  	_ =	swait.ge @!p0 [sflag:s0], $0x4E40  }
0x6d: {  	[sflag:s0] =	ssyncset.done @!p0 $0x0  }
0x6e: {  	[sflag:s0] =	ssyncadd.s32 @!p0 $0xFFFFB1C0  }
0x6f: {  	_ =	sfence.sel $0x180000  }
0x70: {  	[bflag:$0x0] =	sbarrier.arrive $0xFFFF  }
0x71: {  	_ =	strace $0x90000053  }
0x72: {  	[bflag:$0x2] =	sbarrier.arrive $0xFFFF  }
0x73: {  	s0 =	rddreg [dreg:$0x3]  }
0x74: {  	s0 =	sadd.s32 @!p0 $0x100000, s0  }
0x75: {  	[sflag:s0] =	ssyncadd.tile.s32 @!p0 $0x1;
	_ =	shalt  }
.Lfunc_end2:
_tile_overlayer_lowered:
.L_overlay_start_2:
0x76: {  	(tag) =	ssettag $0x2  }
0x77: {  	s0 =	rddreg [dreg:$0x0];
	s2 =	stileid.u32  }
0x78: {  	s1 =	rddreg [dreg:$0x1];
	p0 =	sne.s32 s2, $0x0  }
0x79: {  	s3 =	rddreg [dreg:$0x2];
	[bflag:$0x3] =	sbarrier.arrive $0xFFFF;
	s2 =	simm.s32 @!p0 $0x1C02  }
0x7a: {  	[timem:s3], [sflag:s2] =	dma.local @!p0 [hbm:s0], s1  }
0x7b: {  	s0 =	simm.s32 @!p0 $0x2  }
0x7c: {  	_ =	swait.ge @!p0 [sflag:s0], s1  }
0x7d: {  	s1 =	ssub.s32 @!p0 $0x0, s1;
	[sflag:s0] =	ssyncset.done @!p0 $0x0  }
0x7e: {  	[sflag:s0] =	ssyncadd.s32 @!p0 s1  }
0x7f: {  	[bflag:$0x3] =	sbarrier.arrive $0xFFFF  }
0x80: {  	_ =	shalt  }

// kernel: kernel.30.cloned.1.call-start
scs
__scs_entry_jumppad:
0x0: {  	(pc) =	sbr.rel $0x88, $3  }
0x1: {  	(tag) =	ssettag $0x0;
	lr =	simm.s32 $0x1  }
0x2: {  	[smem:$0x3F89] =	sst lr;
	_ =	strace $0xD0000000  }
0x3: {  	_ = 	snop  }
0x4: {  	_ = 	snop  }
0x5: {  	_ = 	snop  }
0x6: {  	_ = 	snop  }
0x7: {  	_ = 	snop  }
__scs_overlays_trampoline_lowered:
0x8: {  	[smem:$0x3F98] =	sst s0  }
0x9: {  	[smem:$0x3F99] =	sst s1  }
0xa: {  	[smem:$0x3F9A] =	sst s2  }
0xb: {  	[smem:$0x3F9B] =	sst s3  }
0xc: {  	[smem:$0x3F9C] =	sst s4  }
0xd: {  	[smem:$0x3F9D] =	sst s5  }
0xe: {  	[smem:$0x3F9E] =	sst s6  }
0xf: {  	[smem:$0x3F9F] =	sst s7  }
0x10: {  	[smem:$0x3FA0] =	sst s8  }
0x11: {  	[smem:$0x3FA1] =	sst s9;
	s0 =	simm.s32 @!p0 $0x0  }
0x12: {  	s1 =	sld [smem:$0x3F87];
	s0 =	simm.s32 @p0 $0x1  }
0x13: {  	[smem:$0x3FA2] =	sst s0;
	s0 =	simm.s32 @!p1 $0x0  }
0x14: {  	s2 =	sld [smem:$0x3F86];
	s0 =	simm.s32 @p1 $0x1  }
0x15: {  	[smem:$0x3FA3] =	sst s0;
	s0 =	simm.s32 @!p2 $0x0  }
0x16: {  	s3 =	sld [smem:$0x3FDB];
	s0 =	simm.s32 @p2 $0x1  }
0x17: {  	s4 =	simm.s32 $0x1BF5;
	[smem:$0x3FA5] =	sst s0  }
0x18: {  	s0 =	sld [smem:$0x3F88];
	_ =	swait.ge [sflag:s4], $0x0  }
0x19: {  	s7 =	sld [smem:$0x3F89]  }
0x1a: {  	s8 =	sadd.s32 $0xFFFFE003, lr  }
0x1b: {  	s9 =	sadd.s32 $0xFFFFFEF7, lr;
	s5 =	simm.s32 $0xFFFFFFFF;
	p2 =	slt.u32 s8, $0xFFFFF086  }
0x1c: {  	p1 =	slt.u32 s9, $0xF7A;
	s5 =	simm.s32 @!p2 $0x0  }
0x1d: {  	s5 =	simm.s32 @p1 $0x1;
	p0 =	seq.s32 s7, s2  }
0x1e: {  	s7 =	smul.u32 @!p0 $0xF7A, s2;
	p2 =	seq.s32 @!p0 s5, $0x0  }
0x1f: {  	s9 =	smul.u32 $0xF7A, s1;
	s8 =	simm.s32 @!p0 $0x1BF5;
	p2 =	por !p2, p0  }
0x20: {  	[sflag:s8] =	ssyncset.s32 @!p0 $0xFFFFF086;
	s6 =	sadd.s32 @!p0 s3, s7;
	s7 =	simm.s32 @!p0 $0x108  }
0x21: {  	s3 =	sadd.s32 s3, s9;
	s6 =	sadd.s32 @!p0 $0x88, s6;
	s7 =	simm.s32 @p2 $0x1082  }
0x22: {  	[simem:s7], [sflag:s8] =	dma.local @!p0 [hbm:s6], $0xF7A  }
0x23: {  	s9 =	sor.u32 $0xD0000000, s2;
	s6 =	simm.s32 $0x108;
	_ =	swait.ge @!p0 [sflag:s8], $0x0  }
0x24: {  	s3 =	sadd.s32 $0x88, s3;
	s6 =	simm.s32 @!p1 $0x1082;
	[sflag:s4] =	ssyncset.s32 $0xFFFFF086  }
0x25: {  	[simem:s6], [sflag:s4] =	dma.local [hbm:s3], $0xF7A  }
0x26: {  	[smem:$0x3F89] =	sst s1;
	(tag) =	ssettag s2;
	_ =	strace s9  }
0x27: {  	s1 =	sld [smem:$0x3F99]  }
0x28: {  	s2 =	sld [smem:$0x3F9A]  }
0x29: {  	s4 =	sld [smem:$0x3F9C]  }
0x2a: {  	p0 =	seq.s32 s5, $0x0;
	s5 =	sld [smem:$0x3F9D]  }
0x2b: {  	s6 =	sld [smem:$0x3F9E]  }
0x2c: {  	s7 =	sld [smem:$0x3F9F]  }
0x2d: {  	s3 =	simm.s32 $0x108;
	s8 =	sld [smem:$0x3FA0]  }
0x2e: {  	s3 =	simm.s32 @!p0 $0x1082;
	s9 =	sld [smem:$0x3FA1]  }
0x2f: {  	lr =	sadd.s32 s0, s3;
	s0 =	sld [smem:$0x3F98]  }
0x30: {  	s3 =	sld [smem:$0x3F9B]  }
0x31: {  	[smem:$0x3FA4] =	sst s10  }
0x32: {  	s10 =	sld [smem:$0x3FA2];
	_ =	sdelay $0x3  }
0x33: {  	p0 =	seq.s32 s10, $0x1;
	s10 =	sld [smem:$0x3FA4];
	_ =	sdelay $0x3  }
0x34: {  	[smem:$0x3FA4] =	sst s10  }
0x35: {  	s10 =	sld [smem:$0x3FA3];
	_ =	sdelay $0x3  }
0x36: {  	p1 =	seq.s32 s10, $0x1;
	s10 =	sld [smem:$0x3FA4];
	_ =	sdelay $0x3  }
0x37: {  	[smem:$0x3FA4] =	sst s10  }
0x38: {  	s10 =	sld [smem:$0x3FA5]  }
0x39: {  	_ = 	snop;
	(pc) =	sbr.ind lr, $3  }
0x3a: {  	_ = 	snop  }
0x3b: {  	_ = 	snop  }
0x3c: {  	p2 =	seq.s32 s10, $0x1;
	s10 =	sld [smem:$0x3FA4]  }
0x3d: {  	_ =	shalt  }
0x3e: {  	_ =	shalt  }
0x3f: {  	_ =	shalt  }
0x40: {  	_ =	shalt  }
0x41: {  	_ =	shalt  }
0x42: {  	_ =	shalt  }
0x43: {  	_ =	shalt  }
0x44: {  	_ =	shalt  }
0x45: {  	_ =	shalt  }
0x46: {  	_ =	shalt  }
0x47: {  	_ =	shalt  }
0x48: {  	_ =	shalt  }
0x49: {  	_ =	shalt  }
0x4a: {  	_ =	shalt  }
0x4b: {  	_ =	shalt  }
0x4c: {  	_ =	shalt  }
0x4d: {  	_ =	shalt  }
0x4e: {  	_ =	shalt  }
0x4f: {  	_ =	shalt  }
0x50: {  	_ =	shalt  }
0x51: {  	_ =	shalt  }
0x52: {  	_ =	shalt  }
0x53: {  	_ =	shalt  }
0x54: {  	_ =	shalt  }
0x55: {  	_ =	shalt  }
0x56: {  	_ =	shalt  }
0x57: {  	_ =	shalt  }
0x58: {  	_ =	shalt  }
0x59: {  	_ =	shalt  }
0x5a: {  	_ =	shalt  }
0x5b: {  	_ =	shalt  }
0x5c: {  	_ =	shalt  }
0x5d: {  	_ =	shalt  }
0x5e: {  	_ =	shalt  }
0x5f: {  	_ =	shalt  }
0x60: {  	_ =	shalt  }
0x61: {  	_ =	shalt  }
0x62: {  	_ =	shalt  }
0x63: {  	_ =	shalt  }
0x64: {  	_ =	shalt  }
0x65: {  	_ =	shalt  }
0x66: {  	_ =	shalt  }
0x67: {  	_ =	shalt  }
0x68: {  	_ =	shalt  }
0x69: {  	_ =	shalt  }
0x6a: {  	_ =	shalt  }
0x6b: {  	_ =	shalt  }
0x6c: {  	_ =	shalt  }
0x6d: {  	_ =	shalt  }
0x6e: {  	_ =	shalt  }
0x6f: {  	_ =	shalt  }
0x70: {  	_ =	shalt  }
0x71: {  	_ =	shalt  }
0x72: {  	_ =	shalt  }
0x73: {  	_ =	shalt  }
0x74: {  	_ =	shalt  }
0x75: {  	_ =	shalt  }
0x76: {  	_ =	shalt  }
0x77: {  	_ =	shalt  }
0x78: {  	_ =	shalt  }
0x79: {  	_ =	shalt  }
0x7a: {  	_ =	shalt  }
0x7b: {  	_ =	shalt  }
0x7c: {  	_ =	shalt  }
0x7d: {  	_ =	shalt  }
0x7e: {  	_ =	shalt  }
0x7f: {  	_ =	shalt  }
0x80: {  	_ =	shalt  }
0x81: {  	_ =	shalt  }
0x82: {  	_ =	shalt  }
0x83: {  	_ =	shalt  }
0x84: {  	_ =	shalt  }
0x85: {  	_ =	shalt  }
0x86: {  	_ =	shalt  }
0x87: {  	_ =	shalt  }
.Lfunc_end0:
.L_simem_size_0:
called_computation.5_lowered:
.L_overlay_start_0:
0x88: {  	s2 =	sld [smem:$0x3FD9]  }
0x89: {  	s3 =	sld [smem:$0x3FFE];
	_ =	sdelay $0x1  }
0x8a: {  	s1 =	srdreg.scid  }
0x8b: {  	s0 =	sand.u32 $0x1, s1  }
0x8c: {  	s17 =	sshll.u32 s0, $0xA;
	s2 =	sadd.s32 s3, s2  }
0x8d: {  	s2 =	sadd.s32 s2, s17  }
0x8e: {  	[smem:$0x3FB0] =	sst s2  }
0x8f: {  	_ = 	snop  }
0x90: {  	s2 =	sld [smem:$0x3FD0];
	(tm) =	ssettm $0x1  }
0x91: {  	s18 =	sld [smem:$0x3FFB];
	_ =	sdelay $0x3  }
0x92: {  	_ =	strace s18  }
0x93: {  	s3 =	sld [smem:$0x3FFC];
	_ =	sdelay $0x3  }
0x94: {  	_ =	strace s3  }
0x95: {  	s3 =	sld [smem:$0x3FFD];
	_ =	sdelay $0x3  }
0x96: {  	_ =	strace s3  }
0x97: {  	_ =	strace $0x8FFFFFFF  }
0x98: {  	s19 =	sld [smem:$0x3FDB];
	_ =	sdelay $0x1  }
0x99: {  	s4 =	simm.s32 $_scs_section_size  }
0x9a: {  	s5 =	simm.s32 $_size__tile_overlayer_lowered;
	s6 =	simm.s32 $_tile_overlayer_lowered  }
0x9b: {  	s22 =	simm.s32 $0x1BFF;
	s21 =	sshll.u32 s6, $0x1;
	s3 =	sadd.s32 s4, s19  }
0x9c: {  	s7 =	simm.s32 $0x0;
	s20 =	sshll.u32 s5, $0x1;
	s5 =	sadd.s32 s21, s3  }
0x9d: {  	[timem:s7], [sflag:s22] =	dma.local [hbm:s5], s20  }
0x9e: {  	_ =	swait.ge [sflag:s22], s20  }
0x9f: {  	s4 =	ssub.s32 $0x0, s20;
	[sflag:s22] =	ssyncset.done $0x0  }
0xa0: {  	[sflag:s22] =	ssyncadd.s32 s4;
	_ =	sdelay $0x1  }
0xa1: {  	s23 =	simm.s32 $0x1B8B  }
0xa2: {  	_ =	swait.ge [sflag:s23], $0x1  }
0xa3: {  	[sflag:s23] =	ssyncset.done $0x0  }
0xa4: {  	s25 =	simm.s32 $0x1B8E;
	s24 =	sld [smem:$0x3FFE];
	[sflag:s23] =	ssyncadd.s32 $0xFFFFFFFF  }
0xa5: {  	s26 =	simm.s32 $execute0_lowered;
	[smem:$0x3FD2] =	sst s25  }
0xa6: {  	s5 =	sshll.u32 s26, $0x1;
	_ =	strace $0x80000055;
	[dreg:$0x1] =	wrdreg $0xFFFFFFFF  }
0xa7: {  	s28 =	simm.s32 $_size_execute0_lowered;
	s3 =	sadd.s32 s3, s5;
	[dreg:$0x0] =	wrdreg $0x0  }
0xa8: {  	s5 =	sshll.u32 s28, $0x1;
	[dreg:$0x2] =	wrdreg s3  }
0xa9: {  	[dreg:$0x3] =	wrdreg s5  }
0xaa: {  	[dreg:$0x4] =	wrdreg $0xC0  }
0xab: {  	_ =	task [dreg:s7], $0x5FFFF  }
0xac: {  	[dreg:$0x1] =	wrdreg $0xFFFFFFFF  }
0xad: {  	[dreg:$0x0] =	wrdreg $0x60  }
0xae: {  	[dreg:$0x2] =	wrdreg s24  }
0xaf: {  	[dreg:$0x3] =	wrdreg s2  }
0xb0: {  	[dreg:$0x4] =	wrdreg $0x74400  }
0xb1: {  	[dreg:$0x5] =	wrdreg $0x9  }
0xb2: {  	_ =	task.clear_ibuf [dreg:s7], $0x6FFFF;
	_ =	strace $0x90000055  }
0xb3: {  	s29 =	simm.s32 $0x9;
	_ =	strace $0x80000057  }
0xb4: {  	_ =	swait.ge [sflag:s29], $0x1  }
0xb5: {  	[sflag:s29] =	ssyncadd.s32 $0xFFFFFFFF  }
0xb6: {  	_ =	strace $0x90000057  }
0xb7: {  	_ =	sfence  }
0xb8: {  	s30 =	sld [smem:$0x0];
	_ =	sdelay $0x2  }
0xb9: {  	s31 =	sshll.u32 s1, $0xD;
	s1 =	sshrl.u32 s1, $0x2  }
0xba: {  	s3 =	sand.u32 $0x4000, s31;
	s1 =	sadd.s32 s1, s30  }
0xbb: {  	s0 =	sor.u32 s3, s0;
	s1 =	sshll.u32 s1, $0x11  }
0xbc: {  	s0 =	sor.u32 s1, s0  }
0xbd: {  	s0 =	sadd.s32 $0x8F2B, s0  }
0xbe: {  	[sflag:s0] =	ssyncadd.remote.s32 $0x1  }
0xbf: {  	_ =	sfence.sel $0xFFFF  }
0xc0: {  	[dreg:$0x0] =	wrdreg $0xFFFFFFFF;
	(pc) =	sbr.abs _section_cstart, $3  }
0xc1: {  	[dreg:$0x1] =	wrdreg $0xFFFFFFFF  }
0xc2: {  	_ =	task.clear_ibuf [dreg:s7], $0x2FFFF;
	_ =	strace $0x9FFFFFFF  }
0xc3: {  	(tm) =	ssettm $0x7FFFFFFF  }
tec
execute0_lowered:
.L_overlay_start_1:
0x0: {  	(tag) =	ssettag $0x1  }
0x1: {  	s10 =	rddreg [dreg:$0x0]  }
0x2: {  	s1 =	rddreg [dreg:$0x1]  }
0x3: {  	s2 =	rddreg [dreg:$0x2]  }
0x4: {  	s0 =	rddreg [dreg:$0x3];
	s3 =	simm.s32 $0x0;
	s7 =	srdreg.scid  }
0x5: {  	s13 =	stileid.u32;
	s16 =	simm.s32 $0x1;
	s17 =	simm.s32 $0x240  }
0x6: {  	s18 =	simm.s32 $0x440;
	s19 =	simm.s32 $0x3440;
	s20 =	simm.s32 $0x6440  }
0x7: {  	s21 =	simm.s32 $0x2;
	[smem:$0x7FF] =	sst s3;
	s4 =	sadd.s32 $0xF800, s10  }
0x8: {  	s5 =	sadd.s32 $0x23800, s10;
	s6 =	sadd.s32 $0x16B000, s10;
	s9 =	sand.u32 $0x1, s7  }
0x9: {  	s7 =	sadd.s32 $0xA7E00, s10;
	s8 =	sadd.s32 $0x32800, s10;
	p0 =	sne.s32 s13, $0x0  }
0xa: {  	_ =	strace $0x80000056;
	s11 =	smul.u32 $0x27200, s9;
	s12 =	ssub.s32 $0x2, s9  }
0xb: {  	s14 =	sshll.u32 s9, $0x4;
	s9 =	sadd.s32 $0x11D400, s10;
	s15 =	sshrl.u32 s12, $0x1  }
0xc: {  	s14 =	sor.u32 s13, s14;
	s13 =	sshrl.u32 @!p0 s2, $0x3;
	s11 =	sadd.s32 s11, s10  }
0xd: {  	s12 =	ssub.s32 s12, s15;
	s10 =	smul.u32 $0x2800, s14;
	s14 =	simm.s32 $0x20  }
0xe: {  	s15 =	simm.s32 $0x40;
	s11 =	sadd.s32 $0x20B000, s11;
	s12 =	smax.u32 s12, $0x1  }
.LBB2_1:
0xf: {  	s22 =	simm.s32 @!p0 $0x1C02  }
0x10: {  	[spmem:s13], [sflag:s22] =	dma.local @!p0 [hbm:s9], $0x27200  }
0x11: {  	s22 =	simm.s32 @!p0 $0x2  }
0x12: {  	_ =	swait.ge @!p0 [sflag:s22], $0x27200  }
0x13: {  	[sflag:s22] =	ssyncset.done @!p0 $0x0  }
0x14: {  	[sflag:s22] =	ssyncadd.s32 @!p0 $0xFFFD8E00  }
0x15: {  	s22 =	simm.s32 $0x0;
	[bflag:$0x0] =	sbarrier.arrive $0xFFFF  }
.LBB2_2:
0x16: {  	s23 =	sshll.u32 s22, $0x5  }
0x17: {  	s23 =	sadd.s32 s10, s23  }
0x18: {  	s24 =	sshrl.u32 s23, $0x3  }
0x19: {  	s26 =	simm.s32 $0x0;
	s25 =	sadd.s32 s4, s24  }
0x1a: {  	[tilespmem:s26], [sflag:$0x1] =	stream.linear.gather [hbm4b:s25+s26], $0x20, $0x38;
	[tilespmem:$0x1AD40] =	vst v63  }
0x1b: {  	s23 =	sshll.u32 s23, $0x1;
	s24 =	sadd.s32 s5, s24  }
0x1c: {  	[tilespmem:s14], [sflag:$0x1] =	stream.linear.gather [hbm4b:s24+s26], $0x20, $0x38;
	[tilespmem:$0x1AD40] =	vst v63  }
0x1d: {  	s23 =	sadd.s32 s6, s23  }
0x1e: {  	[tilespmem:s15], [sflag:$0x1] =	stream.linear.gather [hbm4b:s23+s26], $0x200, $0x38;
	[tilespmem:$0x1AD40] =	vst v63  }
0x1f: {  	_ =	swait.ge [sflag:s16], $0x20  }
0x20: {  	[sflag:s16] =	ssyncset.done $0x0  }
0x21: {  	[sflag:s16] =	ssyncadd.s32 $0xFFFFFFE0  }
0x22: {  	_ =	swait.ge [sflag:s16], $0x20  }
0x23: {  	[sflag:s16] =	ssyncset.done $0x0  }
0x24: {  	[sflag:s16] =	ssyncadd.s32 $0xFFFFFFE0  }
0x25: {  	_ =	swait.ge [sflag:s16], $0x200  }
0x26: {  	[sflag:s16] =	ssyncset.done $0x0  }
0x27: {  	[sflag:s16] =	ssyncadd.s32 $0xFFFFFE00  }
0x28: {  	[tilespmem:s17], [sflag:$0x1] =	stream.indirect.gather [hbm4b:s1+s14], $0x10, s14, s14, $0xb8;
	[tilespmem:$0x1AD40] =	vst v63  }
0x29: {  	_ = 	snop  }
0x2a: {  	[tilespmem:s18], [sflag:$0x1] =	stream.indirect.gather [hbm4b:s7+s14], $0x180, s26, s14, $0xb8;
	[tilespmem:$0x1AD40] =	vst v63  }
0x2b: {  	_ = 	snop  }
0x2c: {  	[tilespmem:s19], [sflag:$0x1] =	stream.indirect.gather [hbm4b:s8+s14], $0x180, s26, s14, $0xb8;
	[tilespmem:$0x1AD40] =	vst v63  }
0x2d: {  	_ =	swait.ge [sflag:s16], $0x200  }
0x2e: {  	[sflag:s16] =	ssyncset.done $0x0  }
0x2f: {  	[sflag:s16] =	ssyncadd.s32 $0xFFFFFE00  }
0x30: {  	_ =	swait.ge [sflag:s16], $0x3000  }
0x31: {  	[sflag:s16] =	ssyncset.done $0x0  }
0x32: {  	[sflag:s16] =	ssyncadd.s32 $0xFFFFD000  }
0x33: {  	_ =	swait.ge [sflag:s16], $0x3000  }
0x34: {  	[sflag:s16] =	ssyncset.done $0x0  }
0x35: {  	s24 =	simm.s32 $0x0;
	[sflag:s16] =	ssyncadd.s32 $0xFFFFD000  }
0x36: {  	v0 =	vld [tilespmem:s24+$0x40]  }
0x37: {  	v1 =	vld [tilespmem:s24+$0x240];
	_ =	sdelay $0x1  }
0x38: {  	s28 =	simm.s32 $0x500  }
0x39: {  	v3 =	vld [tilespmem:s28+$0xFFFFFFC0]  }
0x3a: {  	v4 =	vld [tilespmem:s28+$0xFFFFFF40]  }
0x3b: {  	v2 =	vmul.f32 v1, v0  }
0x3c: {  	v5 =	vld [tilespmem:s28+$0x40]  }
0x3d: {  	v0 =	vbroadcast v2, $0x0;
	v1 =	vbroadcast v2, $0x1  }
0x3e: {  	v2 =	vbroadcast v2, $0x2  }
0x3f: {  	v4 =	vmul.f32 v4, v0;
	v3 =	vmul.f32 v3, v1;
	_ =	sdelay $0x1  }
0x40: {  	v3 =	vadd.f32 v3, v4;
	v4 =	vmul.f32 v5, v2;
	_ =	sdelay $0x1  }
0x41: {  	v3 =	vadd.f32 v4, v3  }
0x42: {  	s23 =	simm.s32 $0x6480  }
0x43: {  	[tilespmem:s23+$0xFFFFFFC0] =	vst v3  }
0x44: {  	v3 =	vld [tilespmem:s28+$0xFFFFFF50]  }
0x45: {  	v4 =	vld [tilespmem:s28+$0xFFFFFFD0];
	_ =	sdelay $0x1  }
0x46: {  	v5 =	vld [tilespmem:s28+$0x50];
	_ =	sdelay $0x2  }
0x47: {  	v3 =	vmul.f32 v3, v0;
	v4 =	vmul.f32 v4, v1;
	_ =	sdelay $0x1  }
0x48: {  	v3 =	vadd.f32 v4, v3;
	v4 =	vmul.f32 v5, v2;
	_ =	sdelay $0x1  }
0x49: {  	v3 =	vadd.f32 v4, v3;
	_ =	sdelay $0x1  }
0x4a: {  	[tilespmem:s23+$0xFFFFFFD0] =	vst v3  }
0x4b: {  	s29 =	simm.s32 $0x40;
	v3 =	vld [tilespmem:s28+$0xFFFFFF60]  }
0x4c: {  	s30 =	simm.s32 $0x6480;
	s25 =	simm.s32 $0x6480;
	s26 =	simm.s32 $0x500;
	v4 =	vld [tilespmem:s28+$0xFFFFFFE0]  }
.LBB2_3:
0x4d: {  	p1 =	sne.s32 s29, $0x7C0;
	s28 =	sadd.s32 $0x180, s28;
	s30 =	sadd.s32 $0x80, s30  }
0x4e: {  	s31 =	smov.u32 s29;
	s29 =	sadd.s32 $0x40, s29;
	v5 =	vld [tilespmem:s26+$0x60];
	_ =	sdelay $0x1  }
0x4f: {  	v3 =	vmul.f32 v3, v0  }
0x50: {  	v4 =	vmul.f32 v4, v1;
	_ =	sdelay $0x1  }
0x51: {  	v3 =	vadd.f32 v4, v3;
	v4 =	vmul.f32 v5, v2;
	_ =	sdelay $0x1  }
0x52: {  	s31 =	sshra.s32 s31, $0x2;
	v3 =	vadd.f32 v4, v3;
	_ =	sdelay $0x1  }
0x53: {  	[tilespmem:s25+$0xFFFFFFE0] =	vst v3  }
0x54: {  	v3 =	vld [tilespmem:s26+$0xFFFFFF70]  }
0x55: {  	v4 =	vld [tilespmem:s26+$0xFFFFFFF0]  }
0x56: {  	v5 =	vld [tilespmem:s26+$0x70];
	_ =	sdelay $0x2  }
0x57: {  	v3 =	vmul.f32 v3, v0  }
0x58: {  	v4 =	vmul.f32 v4, v1  }
0x59: {  	v5 =	vmul.f32 v5, v2  }
0x5a: {  	v3 =	vadd.f32 v4, v3;
	_ =	sdelay $0x1  }
0x5b: {  	v3 =	vadd.f32 v5, v3;
	_ =	sdelay $0x1  }
0x5c: {  	[tilespmem:s25+$0xFFFFFFF0] =	vst v3  }
0x5d: {  	v3 =	vld [tilespmem:s26+$0xFFFFFF80]  }
0x5e: {  	v4 =	vld [tilespmem:s26+$0x0];
	_ =	sdelay $0x1  }
0x5f: {  	v5 =	vld [tilespmem:s26+$0x80];
	_ =	sdelay $0x1  }
0x60: {  	v3 =	vmul.f32 v3, v0  }
0x61: {  	v4 =	vmul.f32 v4, v1;
	_ =	sdelay $0x1  }
0x62: {  	v3 =	vadd.f32 v4, v3;
	v4 =	vmul.f32 v5, v2;
	_ =	sdelay $0x1  }
0x63: {  	v3 =	vadd.f32 v4, v3;
	_ =	sdelay $0x1  }
0x64: {  	[tilespmem:s25+$0x0] =	vst v3  }
0x65: {  	v3 =	vld [tilespmem:s26+$0xFFFFFF90]  }
0x66: {  	v4 =	vld [tilespmem:s26+$0x10]  }
0x67: {  	v5 =	vld [tilespmem:s26+$0x90];
	_ =	sdelay $0x2  }
0x68: {  	v3 =	vmul.f32 v3, v0  }
0x69: {  	v4 =	vmul.f32 v4, v1  }
0x6a: {  	v5 =	vmul.f32 v5, v2  }
0x6b: {  	v3 =	vadd.f32 v4, v3;
	_ =	sdelay $0x1  }
0x6c: {  	v3 =	vadd.f32 v5, v3;
	_ =	sdelay $0x1  }
0x6d: {  	[tilespmem:s25+$0x10] =	vst v3  }
0x6e: {  	v3 =	vld [tilespmem:s26+$0xFFFFFFA0]  }
0x6f: {  	v4 =	vld [tilespmem:s26+$0x20]  }
0x70: {  	v5 =	vld [tilespmem:s26+$0xA0];
	_ =	sdelay $0x2  }
0x71: {  	v3 =	vmul.f32 v3, v0  }
0x72: {  	v4 =	vmul.f32 v4, v1  }
0x73: {  	v5 =	vmul.f32 v5, v2  }
0x74: {  	v3 =	vadd.f32 v4, v3;
	_ =	sdelay $0x1  }
0x75: {  	v3 =	vadd.f32 v5, v3;
	_ =	sdelay $0x1  }
0x76: {  	[tilespmem:s25+$0x20] =	vst v3  }
0x77: {  	v3 =	vld [tilespmem:s26+$0x30]  }
0x78: {  	v4 =	vld [tilespmem:s26+$0xFFFFFFB0]  }
0x79: {  	v5 =	vld [tilespmem:s26+$0xB0];
	s26 =	smov.u32 s28;
	_ =	sdelay $0x3  }
0x7a: {  	v1 =	vmul.f32 v3, v1;
	v0 =	vmul.f32 v4, v0  }
0x7b: {  	v2 =	vmul.f32 v5, v2  }
0x7c: {  	v0 =	vadd.f32 v1, v0;
	_ =	sdelay $0x1  }
0x7d: {  	v0 =	vadd.f32 v2, v0;
	_ =	sdelay $0x1  }
0x7e: {  	[tilespmem:s25+$0x30] =	vst v0;
	s25 =	smov.u32 s30  }
0x7f: {  	v0 =	vld [tilespmem:s31+$0x40]  }
0x80: {  	v1 =	vld [tilespmem:s31+$0x240];
	_ =	sdelay $0x2  }
0x81: {  	v3 =	vld [tilespmem:s28+$0xFFFFFFC0]  }
0x82: {  	v4 =	vld [tilespmem:s28+$0xFFFFFF40]  }
0x83: {  	v2 =	vmul.f32 v1, v0  }
0x84: {  	v5 =	vld [tilespmem:s28+$0x40]  }
0x85: {  	v0 =	vbroadcast v2, $0x0;
	v1 =	vbroadcast v2, $0x1  }
0x86: {  	v2 =	vbroadcast v2, $0x2  }
0x87: {  	v4 =	vmul.f32 v4, v0;
	v3 =	vmul.f32 v3, v1;
	_ =	sdelay $0x1  }
0x88: {  	v3 =	vadd.f32 v3, v4;
	v4 =	vmul.f32 v5, v2;
	_ =	sdelay $0x1  }
0x89: {  	v3 =	vadd.f32 v4, v3;
	_ =	sdelay $0x1  }
0x8a: {  	[tilespmem:s30+$0xFFFFFFC0] =	vst v3  }
0x8b: {  	v3 =	vld [tilespmem:s28+$0xFFFFFF50]  }
0x8c: {  	v4 =	vld [tilespmem:s28+$0xFFFFFFD0];
	_ =	sdelay $0x1  }
0x8d: {  	v5 =	vld [tilespmem:s28+$0x50];
	_ =	sdelay $0x1  }
0x8e: {  	v3 =	vmul.f32 v3, v0  }
0x8f: {  	v4 =	vmul.f32 v4, v1;
	_ =	sdelay $0x1  }
0x90: {  	v3 =	vadd.f32 v4, v3;
	v4 =	vmul.f32 v5, v2;
	_ =	sdelay $0x1  }
.Ltmp0:
0x91: {  	v3 =	vadd.f32 v4, v3;
	(pc) =	sbr.rel @p1 .LBB2_3-.Ltmp0, $4  }
0x92: {  	_ = 	snop  }
0x93: {  	[tilespmem:s30+$0xFFFFFFD0] =	vst v3  }
0x94: {  	v3 =	vld [tilespmem:s28+$0xFFFFFF60]  }
0x95: {  	v4 =	vld [tilespmem:s28+$0xFFFFFFE0]  }
0x96: {  	_ = 	snop  }
0x97: {  	v5 =	vld [tilespmem:s26+$0x60];
	_ =	sdelay $0x2  }
0x98: {  	v3 =	vmul.f32 v3, v0;
	v4 =	vmul.f32 v4, v1;
	_ =	sdelay $0x1  }
0x99: {  	v3 =	vadd.f32 v4, v3;
	v4 =	vmul.f32 v5, v2;
	_ =	sdelay $0x1  }
0x9a: {  	v3 =	vadd.f32 v4, v3;
	_ =	sdelay $0x1  }
0x9b: {  	[tilespmem:s25+$0xFFFFFFE0] =	vst v3  }
0x9c: {  	v3 =	vld [tilespmem:s26+$0xFFFFFF70]  }
0x9d: {  	v4 =	vld [tilespmem:s26+$0xFFFFFFF0];
	_ =	sdelay $0x1  }
0x9e: {  	v5 =	vld [tilespmem:s26+$0x70];
	_ =	sdelay $0x2  }
0x9f: {  	v3 =	vmul.f32 v3, v0;
	v4 =	vmul.f32 v4, v1;
	_ =	sdelay $0x1  }
0xa0: {  	v5 =	vmul.f32 v5, v2;
	v3 =	vadd.f32 v4, v3;
	_ =	sdelay $0x1  }
0xa1: {  	v3 =	vadd.f32 v5, v3;
	_ =	sdelay $0x1  }
0xa2: {  	[tilespmem:s25+$0xFFFFFFF0] =	vst v3  }
0xa3: {  	v3 =	vld [tilespmem:s26+$0xFFFFFF80]  }
0xa4: {  	v4 =	vld [tilespmem:s26+$0x0];
	_ =	sdelay $0x1  }
0xa5: {  	v5 =	vld [tilespmem:s26+$0x80];
	_ =	sdelay $0x2  }
0xa6: {  	v3 =	vmul.f32 v3, v0;
	v4 =	vmul.f32 v4, v1;
	_ =	sdelay $0x1  }
0xa7: {  	v3 =	vadd.f32 v4, v3;
	v4 =	vmul.f32 v5, v2;
	_ =	sdelay $0x1  }
0xa8: {  	v3 =	vadd.f32 v4, v3;
	_ =	sdelay $0x1  }
0xa9: {  	[tilespmem:s25+$0x0] =	vst v3  }
0xaa: {  	v3 =	vld [tilespmem:s26+$0xFFFFFF90]  }
0xab: {  	v4 =	vld [tilespmem:s26+$0x10];
	_ =	sdelay $0x1  }
0xac: {  	v5 =	vld [tilespmem:s26+$0x90];
	_ =	sdelay $0x2  }
0xad: {  	v3 =	vmul.f32 v3, v0;
	v4 =	vmul.f32 v4, v1;
	_ =	sdelay $0x1  }
0xae: {  	v5 =	vmul.f32 v5, v2;
	v3 =	vadd.f32 v4, v3;
	_ =	sdelay $0x1  }
0xaf: {  	v3 =	vadd.f32 v5, v3;
	_ =	sdelay $0x1  }
0xb0: {  	[tilespmem:s25+$0x10] =	vst v3  }
0xb1: {  	v3 =	vld [tilespmem:s26+$0xFFFFFFA0]  }
0xb2: {  	v4 =	vld [tilespmem:s26+$0x20];
	_ =	sdelay $0x1  }
0xb3: {  	v5 =	vld [tilespmem:s26+$0xA0];
	_ =	sdelay $0x2  }
0xb4: {  	v3 =	vmul.f32 v3, v0;
	v4 =	vmul.f32 v4, v1;
	_ =	sdelay $0x1  }
0xb5: {  	v5 =	vmul.f32 v5, v2;
	v3 =	vadd.f32 v4, v3;
	_ =	sdelay $0x1  }
0xb6: {  	v3 =	vadd.f32 v5, v3;
	_ =	sdelay $0x1  }
0xb7: {  	[tilespmem:s25+$0x20] =	vst v3  }
0xb8: {  	v3 =	vld [tilespmem:s26+$0x30]  }
0xb9: {  	v4 =	vld [tilespmem:s26+$0xFFFFFFB0];
	_ =	sdelay $0x1  }
0xba: {  	v5 =	vld [tilespmem:s26+$0xB0];
	_ =	sdelay $0x2  }
0xbb: {  	v0 =	vmul.f32 v4, v0;
	v1 =	vmul.f32 v3, v1;
	_ =	sdelay $0x1  }
0xbc: {  	v2 =	vmul.f32 v5, v2;
	v0 =	vadd.f32 v1, v0;
	_ =	sdelay $0x1  }
0xbd: {  	v0 =	vadd.f32 v2, v0;
	_ =	sdelay $0x1  }
0xbe: {  	[tilespmem:s25+$0x30] =	vst v0  }
0xbf: {  	v0 =	vld [tilespmem:s24+$0x40]  }
0xc0: {  	v1 =	vld [tilespmem:s24+$0x240];
	_ =	sdelay $0x1  }
0xc1: {  	s24 =	simm.s32 $0x3500  }
0xc2: {  	v3 =	vld [tilespmem:s24+$0xFFFFFF40]  }
0xc3: {  	v4 =	vld [tilespmem:s24+$0xFFFFFFC0]  }
0xc4: {  	v0 =	vmul.f32 v1, v0  }
0xc5: {  	v5 =	vld [tilespmem:s24+$0x40]  }
0xc6: {  	v2 =	vbroadcast v0, $0x3;
	v1 =	vbroadcast v0, $0x4  }
0xc7: {  	v0 =	vbroadcast v0, $0x5  }
0xc8: {  	v3 =	vmul.f32 v3, v2;
	v4 =	vmul.f32 v4, v1  }
0xc9: {  	v6 =	vld [tilespmem:s23+$0xFFFFFFC0]  }
0xca: {  	v3 =	vadd.f32 v4, v3;
	v4 =	vmul.f32 v5, v0;
	_ =	sdelay $0x1  }
0xcb: {  	v3 =	vadd.f32 v4, v3;
	_ =	sdelay $0x1  }
0xcc: {  	v3 =	vadd.f32 v3, v6;
	_ =	sdelay $0x1  }
0xcd: {  	[tilespmem:s23+$0xFFFFFFC0] =	vst v3  }
0xce: {  	v3 =	vld [tilespmem:s24+$0xFFFFFF50]  }
0xcf: {  	v4 =	vld [tilespmem:s24+$0xFFFFFFD0];
	_ =	sdelay $0x1  }
0xd0: {  	v5 =	vld [tilespmem:s24+$0x50];
	_ =	sdelay $0x2  }
0xd1: {  	v3 =	vmul.f32 v3, v2;
	v4 =	vmul.f32 v4, v1  }
0xd2: {  	v6 =	vld [tilespmem:s23+$0xFFFFFFD0]  }
0xd3: {  	v3 =	vadd.f32 v4, v3;
	v4 =	vmul.f32 v5, v0;
	_ =	sdelay $0x1  }
0xd4: {  	v3 =	vadd.f32 v4, v3;
	_ =	sdelay $0x1  }
0xd5: {  	v3 =	vadd.f32 v3, v6;
	_ =	sdelay $0x1  }
0xd6: {  	[tilespmem:s23+$0xFFFFFFD0] =	vst v3  }
0xd7: {  	v3 =	vld [tilespmem:s24+$0xFFFFFF60]  }
0xd8: {  	v4 =	vld [tilespmem:s24+$0xFFFFFFE0];
	_ =	sdelay $0x1  }
0xd9: {  	v5 =	vld [tilespmem:s24+$0x60];
	_ =	sdelay $0x2  }
0xda: {  	v3 =	vmul.f32 v3, v2;
	v4 =	vmul.f32 v4, v1  }
0xdb: {  	v6 =	vld [tilespmem:s23+$0xFFFFFFE0]  }
0xdc: {  	v3 =	vadd.f32 v4, v3;
	v4 =	vmul.f32 v5, v0;
	_ =	sdelay $0x1  }
0xdd: {  	v3 =	vadd.f32 v4, v3;
	_ =	sdelay $0x1  }
0xde: {  	v3 =	vadd.f32 v3, v6;
	_ =	sdelay $0x1  }
0xdf: {  	[tilespmem:s23+$0xFFFFFFE0] =	vst v3  }
0xe0: {  	v3 =	vld [tilespmem:s24+$0xFFFFFF70]  }
0xe1: {  	v4 =	vld [tilespmem:s24+$0xFFFFFFF0];
	_ =	sdelay $0x1  }
0xe2: {  	v5 =	vld [tilespmem:s24+$0x70];
	_ =	sdelay $0x2  }
0xe3: {  	v3 =	vmul.f32 v3, v2;
	v4 =	vmul.f32 v4, v1  }
0xe4: {  	v6 =	vld [tilespmem:s23+$0xFFFFFFF0]  }
0xe5: {  	v3 =	vadd.f32 v4, v3;
	v4 =	vmul.f32 v5, v0;
	_ =	sdelay $0x1  }
0xe6: {  	v3 =	vadd.f32 v4, v3;
	_ =	sdelay $0x1  }
0xe7: {  	v3 =	vadd.f32 v3, v6;
	_ =	sdelay $0x1  }
0xe8: {  	[tilespmem:s23+$0xFFFFFFF0] =	vst v3  }
0xe9: {  	v3 =	vld [tilespmem:s24+$0xFFFFFF80]  }
0xea: {  	v4 =	vld [tilespmem:s24+$0x0];
	_ =	sdelay $0x1  }
0xeb: {  	v5 =	vld [tilespmem:s24+$0x80];
	_ =	sdelay $0x2  }
0xec: {  	v3 =	vmul.f32 v3, v2;
	v4 =	vmul.f32 v4, v1  }
0xed: {  	v6 =	vld [tilespmem:s23+$0x0]  }
0xee: {  	v3 =	vadd.f32 v4, v3;
	v4 =	vmul.f32 v5, v0;
	_ =	sdelay $0x1  }
0xef: {  	v3 =	vadd.f32 v4, v3;
	_ =	sdelay $0x1  }
0xf0: {  	v3 =	vadd.f32 v3, v6;
	_ =	sdelay $0x1  }
0xf1: {  	[tilespmem:s23+$0x0] =	vst v3  }
0xf2: {  	v3 =	vld [tilespmem:s24+$0xFFFFFF90]  }
0xf3: {  	v4 =	vld [tilespmem:s24+$0x10];
	_ =	sdelay $0x1  }
0xf4: {  	v5 =	vld [tilespmem:s24+$0x90];
	_ =	sdelay $0x2  }
0xf5: {  	v3 =	vmul.f32 v3, v2;
	v4 =	vmul.f32 v4, v1  }
0xf6: {  	v6 =	vld [tilespmem:s23+$0x10]  }
0xf7: {  	v5 =	vmul.f32 v5, v0;
	v3 =	vadd.f32 v4, v3;
	_ =	sdelay $0x1  }
0xf8: {  	v3 =	vadd.f32 v5, v3;
	_ =	sdelay $0x1  }
0xf9: {  	v3 =	vadd.f32 v3, v6;
	_ =	sdelay $0x1  }
0xfa: {  	[tilespmem:s23+$0x10] =	vst v3  }
0xfb: {  	v3 =	vld [tilespmem:s24+$0xFFFFFFA0]  }
0xfc: {  	v4 =	vld [tilespmem:s24+$0x20];
	_ =	sdelay $0x1  }
0xfd: {  	v5 =	vld [tilespmem:s24+$0xA0];
	_ =	sdelay $0x2  }
0xfe: {  	v3 =	vmul.f32 v3, v2;
	v4 =	vmul.f32 v4, v1  }
0xff: {  	v6 =	vld [tilespmem:s23+$0x20]  }
0x100: {  	v5 =	vmul.f32 v5, v0;
	v3 =	vadd.f32 v4, v3;
	_ =	sdelay $0x1  }
0x101: {  	v3 =	vadd.f32 v5, v3;
	_ =	sdelay $0x1  }
0x102: {  	v3 =	vadd.f32 v3, v6;
	_ =	sdelay $0x1  }
0x103: {  	[tilespmem:s23+$0x20] =	vst v3  }
0x104: {  	v4 =	vld [tilespmem:s24+$0xFFFFFFB0]  }
0x105: {  	v5 =	vld [tilespmem:s24+$0x30]  }
0x106: {  	s26 =	simm.s32 $0x40;
	s25 =	simm.s32 $0x6480;
	v3 =	vld [tilespmem:s24+$0xB0]  }
.LBB2_5:
0x107: {  	p1 =	sne.s32 s26, $0x7C0;
	s24 =	sadd.s32 $0x180, s24;
	s23 =	sadd.s32 $0x80, s23  }
0x108: {  	s28 =	smov.u32 s26;
	s26 =	sadd.s32 $0x40, s26  }
0x109: {  	v2 =	vmul.f32 v4, v2  }
0x10a: {  	v1 =	vmul.f32 v5, v1;
	v4 =	vld [tilespmem:s25+$0x30]  }
0x10b: {  	v0 =	vmul.f32 v3, v0  }
0x10c: {  	v1 =	vadd.f32 v1, v2;
	_ =	sdelay $0x1  }
0x10d: {  	v0 =	vadd.f32 v0, v1  }
0x10e: {  	s28 =	sshra.s32 s28, $0x2  }
0x10f: {  	v0 =	vadd.f32 v0, v4;
	_ =	sdelay $0x1  }
0x110: {  	[tilespmem:s25+$0x30] =	vst v0;
	s25 =	smov.u32 s23  }
0x111: {  	v0 =	vld [tilespmem:s28+$0x40]  }
0x112: {  	v1 =	vld [tilespmem:s28+$0x240]  }
0x113: {  	v3 =	vld [tilespmem:s24+$0xFFFFFF40];
	_ =	sdelay $0x2  }
0x114: {  	v4 =	vld [tilespmem:s24+$0xFFFFFFC0]  }
0x115: {  	v0 =	vmul.f32 v1, v0  }
0x116: {  	v5 =	vld [tilespmem:s24+$0x40]  }
0x117: {  	v2 =	vbroadcast v0, $0x3;
	v1 =	vbroadcast v0, $0x4  }
0x118: {  	v0 =	vbroadcast v0, $0x5  }
0x119: {  	v3 =	vmul.f32 v3, v2;
	v4 =	vmul.f32 v4, v1  }
0x11a: {  	v6 =	vld [tilespmem:s23+$0xFFFFFFC0]  }
0x11b: {  	v3 =	vadd.f32 v4, v3;
	v4 =	vmul.f32 v5, v0;
	_ =	sdelay $0x1  }
0x11c: {  	v3 =	vadd.f32 v4, v3;
	_ =	sdelay $0x1  }
0x11d: {  	v3 =	vadd.f32 v3, v6;
	_ =	sdelay $0x1  }
0x11e: {  	[tilespmem:s23+$0xFFFFFFC0] =	vst v3  }
0x11f: {  	v3 =	vld [tilespmem:s24+$0xFFFFFF50]  }
0x120: {  	v4 =	vld [tilespmem:s24+$0xFFFFFFD0];
	_ =	sdelay $0x1  }
0x121: {  	v5 =	vld [tilespmem:s24+$0x50];
	_ =	sdelay $0x1  }
0x122: {  	v3 =	vmul.f32 v3, v2  }
0x123: {  	v4 =	vmul.f32 v4, v1  }
0x124: {  	v6 =	vld [tilespmem:s23+$0xFFFFFFD0]  }
0x125: {  	v3 =	vadd.f32 v4, v3;
	v4 =	vmul.f32 v5, v0;
	_ =	sdelay $0x1  }
0x126: {  	v3 =	vadd.f32 v4, v3;
	_ =	sdelay $0x1  }
0x127: {  	v3 =	vadd.f32 v3, v6;
	_ =	sdelay $0x1  }
0x128: {  	[tilespmem:s23+$0xFFFFFFD0] =	vst v3  }
0x129: {  	v3 =	vld [tilespmem:s24+$0xFFFFFF60]  }
0x12a: {  	v4 =	vld [tilespmem:s24+$0xFFFFFFE0];
	_ =	sdelay $0x1  }
0x12b: {  	v5 =	vld [tilespmem:s24+$0x60];
	_ =	sdelay $0x1  }
0x12c: {  	v3 =	vmul.f32 v3, v2  }
0x12d: {  	v4 =	vmul.f32 v4, v1  }
0x12e: {  	v6 =	vld [tilespmem:s23+$0xFFFFFFE0]  }
0x12f: {  	v3 =	vadd.f32 v4, v3;
	v4 =	vmul.f32 v5, v0;
	_ =	sdelay $0x1  }
0x130: {  	v3 =	vadd.f32 v4, v3;
	_ =	sdelay $0x1  }
0x131: {  	v3 =	vadd.f32 v3, v6;
	_ =	sdelay $0x1  }
0x132: {  	[tilespmem:s23+$0xFFFFFFE0] =	vst v3  }
0x133: {  	v3 =	vld [tilespmem:s24+$0xFFFFFF70]  }
0x134: {  	v4 =	vld [tilespmem:s24+$0xFFFFFFF0];
	_ =	sdelay $0x1  }
0x135: {  	v5 =	vld [tilespmem:s24+$0x70];
	_ =	sdelay $0x1  }
0x136: {  	v3 =	vmul.f32 v3, v2  }
0x137: {  	v4 =	vmul.f32 v4, v1  }
0x138: {  	v6 =	vld [tilespmem:s23+$0xFFFFFFF0]  }
0x139: {  	v3 =	vadd.f32 v4, v3;
	v4 =	vmul.f32 v5, v0;
	_ =	sdelay $0x1  }
0x13a: {  	v3 =	vadd.f32 v4, v3;
	_ =	sdelay $0x1  }
0x13b: {  	v3 =	vadd.f32 v3, v6;
	_ =	sdelay $0x1  }
0x13c: {  	[tilespmem:s23+$0xFFFFFFF0] =	vst v3  }
0x13d: {  	v3 =	vld [tilespmem:s24+$0xFFFFFF80]  }
0x13e: {  	v4 =	vld [tilespmem:s24+$0x0];
	_ =	sdelay $0x1  }
0x13f: {  	v5 =	vld [tilespmem:s24+$0x80];
	_ =	sdelay $0x1  }
0x140: {  	v3 =	vmul.f32 v3, v2  }
0x141: {  	v4 =	vmul.f32 v4, v1  }
0x142: {  	v6 =	vld [tilespmem:s23+$0x0]  }
0x143: {  	v3 =	vadd.f32 v4, v3;
	v4 =	vmul.f32 v5, v0;
	_ =	sdelay $0x1  }
0x144: {  	v3 =	vadd.f32 v4, v3;
	_ =	sdelay $0x1  }
0x145: {  	v3 =	vadd.f32 v3, v6;
	_ =	sdelay $0x1  }
0x146: {  	[tilespmem:s23+$0x0] =	vst v3  }
0x147: {  	v3 =	vld [tilespmem:s24+$0xFFFFFF90]  }
0x148: {  	v4 =	vld [tilespmem:s24+$0x10]  }
0x149: {  	v5 =	vld [tilespmem:s24+$0x90];
	_ =	sdelay $0x2  }
0x14a: {  	v3 =	vmul.f32 v3, v2  }
0x14b: {  	v4 =	vmul.f32 v4, v1  }
0x14c: {  	v5 =	vmul.f32 v5, v0;
	v6 =	vld [tilespmem:s23+$0x10]  }
0x14d: {  	v3 =	vadd.f32 v4, v3;
	_ =	sdelay $0x1  }
0x14e: {  	v3 =	vadd.f32 v5, v3;
	_ =	sdelay $0x1  }
0x14f: {  	v3 =	vadd.f32 v3, v6;
	_ =	sdelay $0x1  }
0x150: {  	[tilespmem:s23+$0x10] =	vst v3  }
0x151: {  	v3 =	vld [tilespmem:s24+$0xFFFFFFA0]  }
0x152: {  	v4 =	vld [tilespmem:s24+$0x20]  }
0x153: {  	v5 =	vld [tilespmem:s24+$0xA0];
	_ =	sdelay $0x2  }
0x154: {  	v3 =	vmul.f32 v3, v2  }
0x155: {  	v4 =	vmul.f32 v4, v1  }
0x156: {  	v5 =	vmul.f32 v5, v0;
	v6 =	vld [tilespmem:s23+$0x20]  }
0x157: {  	v3 =	vadd.f32 v4, v3;
	_ =	sdelay $0x1  }
0x158: {  	v3 =	vadd.f32 v5, v3;
	_ =	sdelay $0x1  }
0x159: {  	v3 =	vadd.f32 v3, v6  }
.Ltmp1:
0x15a: {  	(pc) =	sbr.rel @p1 .LBB2_5-.Ltmp1, $4  }
0x15b: {  	[tilespmem:s23+$0x20] =	vst v3  }
0x15c: {  	v4 =	vld [tilespmem:s24+$0xFFFFFFB0]  }
0x15d: {  	v5 =	vld [tilespmem:s24+$0x30]  }
0x15e: {  	v3 =	vld [tilespmem:s24+$0xB0]  }
0x15f: {  	_ =	sdelay $0x2  }
0x160: {  	v2 =	vmul.f32 v4, v2;
	v1 =	vmul.f32 v5, v1  }
0x161: {  	v63 =	vld [tilespmem:s25+$0x30]  }
0x162: {  	v0 =	vmul.f32 v3, v0;
	v1 =	vadd.f32 v1, v2;
	_ =	sdelay $0x1  }
0x163: {  	v0 =	vadd.f32 v0, v1;
	_ =	sdelay $0x1  }
0x164: {  	s22 =	sadd.s32 $0x1, s22;
	v0 =	vadd.f32 v0, v63  }
0x165: {  	p1 =	sne.s32 s22, $0x140  }
.Ltmp2:
0x166: {  	[tilespmem:s25+$0x30] =	vst v0;
	(pc) =	sbr.rel @p1 .LBB2_2-.Ltmp2, $4  }
0x167: {  	[spmem:s2] =	stream.indirect.scatter.add.f32 [tilespmem:s20], [sflag:$0x2], $0x80, s14, s14, $0xb8;
	[tilespmem:$0x1AD40] =	vst v63  }
0x168: {  	_ =	swait.ge [sflag:s21], $0x1000  }
0x169: {  	[sflag:s21] =	ssyncset.done $0x0  }
0x16a: {  	[sflag:s21] =	ssyncadd.s32 $0xFFFFF000  }
0x16b: {  	[bflag:$0x0] =	sbarrier.arrive $0xFFFF;
	s22 =	simm.s32 @!p0 $0x1C02;
	s3 =	sadd.s32 $0x1, s3  }
0x16c: {  	[hbm:s11], [sflag:s22] =	dma.local @!p0 [spmem:s13], $0x27200  }
0x16d: {  	p1 =	sne.s32 s3, s12  }
.Ltmp3:
0x16e: {  	_ = 	snop;
	(pc) =	sbr.rel @p1 .LBB2_1-.Ltmp3, $4  }
0x16f: {  	s22 =	simm.s32 @!p0 $0x2  }
0x170: {  	_ =	swait.ge @!p0 [sflag:s22], $0x27200  }
0x171: {  	[sflag:s22] =	ssyncset.done @!p0 $0x0  }
0x172: {  	[sflag:s22] =	ssyncadd.s32 @!p0 $0xFFFD8E00  }
0x173: {  	_ =	sfence.sel $0x180000  }
0x174: {  	[bflag:$0x0] =	sbarrier.arrive $0xFFFF  }
0x175: {  	_ =	strace $0x90000056  }
0x176: {  	s0 =	sadd.s32 @!p0 $0x100000, s0;
	[bflag:$0x2] =	sbarrier.arrive $0xFFFF  }
0x177: {  	[sflag:s0] =	ssyncadd.tile.s32 @!p0 $0x1;
	_ =	shalt  }
.Lfunc_end2:
_tile_overlayer_lowered:
.L_overlay_start_2:
0x178: {  	(tag) =	ssettag $0x2  }
0x179: {  	s0 =	rddreg [dreg:$0x0];
	s2 =	stileid.u32  }
0x17a: {  	s1 =	rddreg [dreg:$0x1];
	p0 =	sne.s32 s2, $0x0  }
0x17b: {  	s3 =	rddreg [dreg:$0x2];
	[bflag:$0x3] =	sbarrier.arrive $0xFFFF;
	s2 =	simm.s32 @!p0 $0x1C02  }
0x17c: {  	[timem:s3], [sflag:s2] =	dma.local @!p0 [hbm:s0], s1  }
0x17d: {  	s0 =	simm.s32 @!p0 $0x2  }
0x17e: {  	_ =	swait.ge @!p0 [sflag:s0], s1  }
0x17f: {  	s1 =	ssub.s32 @!p0 $0x0, s1;
	[sflag:s0] =	ssyncset.done @!p0 $0x0  }
0x180: {  	[sflag:s0] =	ssyncadd.s32 @!p0 s1  }
0x181: {  	[bflag:$0x3] =	sbarrier.arrive $0xFFFF  }
0x182: {  	_ =	shalt  }

</sc_bundles>
